<compile_context>
chip_gen: v7x
topology: tpu7x:2x2x1
jax: 0.10.2.dev20260603
libtpu: 0.0.44.dev20260713+nightly
codegen_flags: <defaults>
</compile_context>

<pallas_src>
import functools

import jax
import jax.numpy as jnp
from jax import lax
from jax.experimental import pallas as pl
from jax.experimental.pallas import tpu as pltpu
from jax.experimental.pallas import tpu_sc as plsc

NC = 2
NS = 16
NW = NC * NS

NAP = 56
CHUNK = 128
NB = 7
IA = 4


def _sc_gather(idx2d, emb_table, prof_table):
    n_rows, d = idx2d.shape[0] * CHUNK, emb_table.shape[1]
    dt = emb_table.dtype
    chunks_per_w = idx2d.shape[0] // NW
    mesh = plsc.VectorSubcoreMesh(core_axis_name="c", subcore_axis_name="s")

    @functools.partial(
        pl.kernel,
        out_type=jax.ShapeDtypeStruct((n_rows, 2 * d), dt),
        mesh=mesh,
        compiler_params=pltpu.CompilerParams(use_tc_tiling_on_sc=False),
        scratch_types=[
            pltpu.VMEM((chunks_per_w, CHUNK), jnp.int32),
            pltpu.VMEM((NB, CHUNK, d), dt),
            pltpu.VMEM((NB, CHUNK, d), dt),
            [pltpu.SemaphoreType.DMA] * NB,
            [pltpu.SemaphoreType.DMA] * NB,
            [pltpu.SemaphoreType.DMA] * NB,
            [pltpu.SemaphoreType.DMA] * NB,
        ],
    )
    def gather_kernel(idx_hbm, emb_hbm, prof_hbm, out,
                      idx_v, ebuf, pbuf, ges, gps, wes, wps):
        wid = lax.axis_index("s") * NC + lax.axis_index("c")
        chunk0 = wid * chunks_per_w
        pltpu.sync_copy(idx_hbm.at[pl.ds(chunk0, chunks_per_w)], idx_v)

        gd = [None] * NB
        wd = [None] * NB

        def issue_gather(j):
            s = j % NB
            gd[s] = (pltpu.async_copy(emb_hbm.at[idx_v.at[j]], ebuf.at[s],
                                      ges[s]),
                     pltpu.async_copy(prof_hbm.at[idx_v.at[j]], pbuf.at[s],
                                      gps[s]))

        def issue_write(j):
            s = j % NB
            row0 = (chunk0 + j) * CHUNK
            wd[s] = (pltpu.async_copy(
                         ebuf.at[s], out.at[pl.ds(row0, CHUNK), pl.ds(0, d)],
                         wes[s]),
                     pltpu.async_copy(
                         pbuf.at[s], out.at[pl.ds(row0, CHUNK), pl.ds(d, d)],
                         wps[s]))

        for j in range(min(IA, chunks_per_w)):
            issue_gather(j)
        for j in range(chunks_per_w):
            s = j % NB
            gd[s][0].wait()
            gd[s][1].wait()
            issue_write(j)
            nxt = j + IA
            if nxt < chunks_per_w:
                old = nxt - NB
                if old >= 0:
                    wd[old % NB][0].wait()
                    wd[old % NB][1].wait()
                issue_gather(nxt)
        for j in range(max(chunks_per_w - NB, 0), chunks_per_w):
            wd[j % NB][0].wait()
            wd[j % NB][1].wait()

    return gather_kernel(idx2d, emb_table, prof_table)


def _tc_dense(x_rows, u_embs, i_embs, wf, bf2, wc1t, wc1b, bc1_2,
              wc2, bc2_2, block_b, na):
    b, d = u_embs.shape

    def body(x_ref, u_ref, i_ref, wf_ref, bf_ref, wc1t_ref,
             wc1b_ref, bc1_ref, wc2_ref, bc2_ref, comb_ref, attn_ref):
        m = block_b * NAP
        x = x_ref[...]
        h = jnp.maximum(
            jnp.dot(x, wf_ref[...], preferred_element_type=jnp.float32)
            + bf_ref[...], 0.0)
        ic = jnp.dot(i_ref[...], wc1b_ref[...],
                     preferred_element_type=jnp.float32)
        t = jnp.dot(h, wc1t_ref[...], preferred_element_type=jnp.float32)
        t3 = t.reshape(block_b, NAP, d)
        c1 = jnp.maximum(t3 + ic[:, None, :] + bc1_ref[...], 0.0)
        c2 = jnp.maximum(
            jnp.dot(c1.reshape(m, d), wc2_ref[...],
                    preferred_element_type=jnp.float32).reshape(block_b, NAP, d)
            + bc2_ref[...], 0.0)
        scores = jnp.sum(c2 * u_ref[...][:, None, :], axis=2)
        nid = lax.broadcasted_iota(jnp.int32, (block_b, NAP), 1)
        scores = jnp.where(nid < na, scores, -jnp.inf)
        mx = jnp.max(scores, axis=1, keepdims=True)
        e = jnp.exp(scores - mx)
        attn = e / jnp.sum(e, axis=1, keepdims=True)
        comb_ref[...] = jnp.sum(c2 * attn[:, :, None], axis=1)
        attn_ref[...] = attn

    grid = (b // block_b,)
    mb = block_b * NAP
    return pl.pallas_call(
        body,
        grid=grid,
        in_specs=[
            pl.BlockSpec((mb, 2 * d), lambda i: (i, 0)),
            pl.BlockSpec((block_b, d), lambda i: (i, 0)),
            pl.BlockSpec((block_b, d), lambda i: (i, 0)),
            pl.BlockSpec((2 * d, d), lambda i: (0, 0)),
            pl.BlockSpec((1, d), lambda i: (0, 0)),
            pl.BlockSpec((d, d), lambda i: (0, 0)),
            pl.BlockSpec((d, d), lambda i: (0, 0)),
            pl.BlockSpec((1, d), lambda i: (0, 0)),
            pl.BlockSpec((d, d), lambda i: (0, 0)),
            pl.BlockSpec((1, d), lambda i: (0, 0)),
        ],
        out_specs=[
            pl.BlockSpec((block_b, d), lambda i: (i, 0)),
            pl.BlockSpec((block_b, NAP), lambda i: (i, 0)),
        ],
        out_shape=[
            jax.ShapeDtypeStruct((b, d), jnp.float32),
            jax.ShapeDtypeStruct((b, NAP), jnp.float32),
        ],
    )(x_rows, u_embs, i_embs, wf, bf2, wc1t, wc1b, bc1_2, wc2,
      bc2_2)


def kernel(users, u_embs, items, i_embs, act_users, user_embs_weight,
           user_profiles, Wf, bf, Wc1, bc1, Wc2, bc2):
    b, na = act_users.shape
    d = u_embs.shape[1]
    au = jnp.zeros((b, NAP), jnp.int32).at[:, :na].set(
        act_users.astype(jnp.int32))
    idx2d = au.reshape(b * NAP // CHUNK, CHUNK)

    x_rows = _sc_gather(idx2d, user_embs_weight, user_profiles)

    comb, attn_full = _tc_dense(
        x_rows, u_embs, i_embs,
        Wf, bf.reshape(1, d),
        Wc1[:d, :], Wc1[d:, :], bc1.reshape(1, d),
        Wc2, bc2.reshape(1, d),
        block_b=128, na=na)

    return comb, attn_full[:, :na, None]

# --- scband reference (transcript-rebuilt; emitter-appended) ---
"""Pipeline reference for scband-influence-prop-72121090835062 (READ-ONLY COPY).

The authoritative reference and input builder live on the scoring server;
editing this copy changes nothing except your own understanding.
"""

import jax, jax.numpy as jnp
import numpy as np

B, D, NU, NA = 1024, 64, 100000, 50

def setup_inputs(seed: int = 0) -> dict:
    key = jax.random.key(seed)
    ks = jax.random.split(key, 12)
    users = jax.random.randint(ks[0], (B,), 0, NU)
    u_embs = jax.random.normal(ks[1], (B, D), dtype=jnp.float32)
    items = jax.random.randint(ks[2], (B,), 0, NU)
    i_embs = jax.random.normal(ks[3], (B, D), dtype=jnp.float32)
    act_users = jax.random.randint(ks[4], (B, NA), 0, NU)
    user_embs_weight = jax.random.normal(ks[5], (NU, D), dtype=jnp.float32) * 0.1
    user_profiles = jax.random.normal(ks[6], (NU, D), dtype=jnp.float32) * 0.1
    Wf = jax.random.normal(ks[7], (2 * D, D), dtype=jnp.float32) * (1.0 / np.sqrt(2 * D))
    bf = jnp.zeros((D,), dtype=jnp.float32)
    Wc1 = jax.random.normal(ks[8], (2 * D, D), dtype=jnp.float32) * (1.0 / np.sqrt(2 * D))
    bc1 = jnp.zeros((D,), dtype=jnp.float32)
    Wc2 = jax.random.normal(ks[9], (D, D), dtype=jnp.float32) * (1.0 / np.sqrt(D))
    bc2 = jnp.zeros((D,), dtype=jnp.float32)
    return {
        "users": users, "u_embs": u_embs, "items": items, "i_embs": i_embs,
        "act_users": act_users, "user_embs_weight": user_embs_weight,
        "user_profiles": user_profiles, "Wf": Wf, "bf": bf,
        "Wc1": Wc1, "bc1": bc1, "Wc2": Wc2, "bc2": bc2,
    }

def reference(users, u_embs, items, i_embs, act_users, user_embs_weight,
              user_profiles, Wf, bf, Wc1, bc1, Wc2, bc2):
    # fusion(user_embs.weight[x], user_profiles[x]) -> relu(Linear(concat))
    act_emb = jnp.take(user_embs_weight, act_users, axis=0)      # [B, NA, D] gather
    act_prof = jnp.take(user_profiles, act_users, axis=0)        # [B, NA, D] gather
    act_fusion = jax.nn.relu(jnp.concatenate([act_emb, act_prof], axis=-1) @ Wf + bf)
    # coupling: concat(act_fusion, i_emb repeated over neighbors)
    i_rep = jnp.broadcast_to(i_embs[:, None, :], (B, NA, D))
    coupling = jnp.concatenate([act_fusion, i_rep], axis=-1)     # [B, NA, 2D]
    coupling = jax.nn.relu(coupling @ Wc1 + bc1)                 # w_c1 + relu
    coupling = jax.nn.relu(coupling @ Wc2 + bc2)                 # w_c2 + relu
    # att(u_emb, coupling, n): dot-product attention over neighbors -> [NA, 1]
    scores = jnp.einsum('bnd,bd->bn', coupling, u_embs)
    attn = jax.nn.softmax(scores, axis=-1)[..., None]            # [B, NA, 1]
    # mm(coupling.T, attn) per batch element -> [B, D]
    combined = jnp.sum(coupling * attn, axis=1)
    return combined, attn

if __name__ == "__main__":
    import jax
    _d = setup_inputs()
    print(jax.jit(kernel)(*tuple(_d.values())))

</pallas_src>

<mosaic_0001>
#map = affine_map<(d0, d1) -> (0, 0)>
module attributes {stable_mosaic.version = 14 : i64} {
  func.func @gather_kernel(%arg0: i32, %arg1: i32, %arg2: memref<448x128xi32, #tpu.memory_space<hbm>>, %arg3: memref<100000x64xf32, #tpu.memory_space<hbm>>, %arg4: memref<100000x64xf32, #tpu.memory_space<hbm>>, %arg5: memref<57344x128xf32, #tpu.memory_space<hbm>>, %arg6: memref<14x128xi32, #tpu.memory_space<vmem>>, %arg7: memref<7x128x64xf32, #tpu.memory_space<vmem>>, %arg8: memref<7x128x64xf32, #tpu.memory_space<vmem>>, %arg9: memref<!tpu.dma_semaphore, #tpu.memory_space<semaphore_mem>>, %arg10: memref<!tpu.dma_semaphore, #tpu.memory_space<semaphore_mem>>, %arg11: memref<!tpu.dma_semaphore, #tpu.memory_space<semaphore_mem>>, %arg12: memref<!tpu.dma_semaphore, #tpu.memory_space<semaphore_mem>>, %arg13: memref<!tpu.dma_semaphore, #tpu.memory_space<semaphore_mem>>, %arg14: memref<!tpu.dma_semaphore, #tpu.memory_space<semaphore_mem>>, %arg15: memref<!tpu.dma_semaphore, #tpu.memory_space<semaphore_mem>>, %arg16: memref<!tpu.dma_semaphore, #tpu.memory_space<semaphore_mem>>, %arg17: memref<!tpu.dma_semaphore, #tpu.memory_space<semaphore_mem>>, %arg18: memref<!tpu.dma_semaphore, #tpu.memory_space<semaphore_mem>>, %arg19: memref<!tpu.dma_semaphore, #tpu.memory_space<semaphore_mem>>, %arg20: memref<!tpu.dma_semaphore, #tpu.memory_space<semaphore_mem>>, %arg21: memref<!tpu.dma_semaphore, #tpu.memory_space<semaphore_mem>>, %arg22: memref<!tpu.dma_semaphore, #tpu.memory_space<semaphore_mem>>, %arg23: memref<!tpu.dma_semaphore, #tpu.memory_space<semaphore_mem>>, %arg24: memref<!tpu.dma_semaphore, #tpu.memory_space<semaphore_mem>>, %arg25: memref<!tpu.dma_semaphore, #tpu.memory_space<semaphore_mem>>, %arg26: memref<!tpu.dma_semaphore, #tpu.memory_space<semaphore_mem>>, %arg27: memref<!tpu.dma_semaphore, #tpu.memory_space<semaphore_mem>>, %arg28: memref<!tpu.dma_semaphore, #tpu.memory_space<semaphore_mem>>, %arg29: memref<!tpu.dma_semaphore, #tpu.memory_space<semaphore_mem>>, %arg30: memref<!tpu.dma_semaphore, #tpu.memory_space<semaphore_mem>>, %arg31: memref<!tpu.dma_semaphore, #tpu.memory_space<semaphore_mem>>, %arg32: memref<!tpu.dma_semaphore, #tpu.memory_space<semaphore_mem>>, %arg33: memref<!tpu.dma_semaphore, #tpu.memory_space<semaphore_mem>>, %arg34: memref<!tpu.dma_semaphore, #tpu.memory_space<semaphore_mem>>, %arg35: memref<!tpu.dma_semaphore, #tpu.memory_space<semaphore_mem>>, %arg36: memref<!tpu.dma_semaphore, #tpu.memory_space<semaphore_mem>>) attributes {dimension_semantics = [#tpu.dimension_semantics<core_parallel>, #tpu.dimension_semantics<subcore_parallel>], iteration_bounds = array<i64: 2, 16>, scalar_prefetch = 0 : i64, scratch_operands = 31 : i64, tpu.core_type = #tpu.core_type<sc_vector_subcore>, window_params = [{transform_indices = #map}, {transform_indices = #map}, {transform_indices = #map}, {transform_indices = #map}]} {
    %mul3A = arith.constant 2 : i32
    %mul3A_0 = arith.muli %arg1, %mul3A : i32
    %add3A = arith.addi %mul3A_0, %arg0 : i32
    %mul3A_1 = arith.constant 14 : i32
    %mul3A_2 = arith.muli %add3A, %mul3A_1 : i32
    "tpu.region"() ({
      %run_scoped3A = tpu.sem_alloc : memref<!tpu.dma_semaphore, #tpu.memory_space<semaphore_mem>>
      %dma_start3A_1457 = arith.constant 0 : i32
      %dma_start3A_1458 = tpu.memref_slice %arg2[%mul3A_2, %dma_start3A_1457] : memref<448x128xi32, #tpu.memory_space<hbm>> -> memref<14x128xi32, #tpu.memory_space<hbm>>
      %dma_start3A_1459 = arith.constant 0 : i32
      %dma_start3A_1460 = tpu.memref_slice %arg2[%mul3A_2, %dma_start3A_1459] : memref<448x128xi32, #tpu.memory_space<hbm>> -> memref<14x128xi32, #tpu.memory_space<hbm>>
      tpu.enqueue_dma source(%dma_start3A_1460 : memref<14x128xi32, #tpu.memory_space<hbm>>) target(%arg6 : memref<14x128xi32, #tpu.memory_space<vmem>>) target_semaphore(%run_scoped3A : memref<!tpu.dma_semaphore, #tpu.memory_space<semaphore_mem>>)
      %dma_wait3A_1461 = arith.constant 0 : i32
      %dma_wait3A_1462 = tpu.memref_slice %arg2[%mul3A_2, %dma_wait3A_1461] : memref<448x128xi32, #tpu.memory_space<hbm>> -> memref<14x128xi32, #tpu.memory_space<hbm>>
      %dma_wait3A_1463 = arith.constant 0 : i32
      %dma_wait3A_1464 = tpu.memref_slice %arg2[%mul3A_2, %dma_wait3A_1463] : memref<448x128xi32, #tpu.memory_space<hbm>> -> memref<14x128xi32, #tpu.memory_space<hbm>>
      tpu.wait_dma2 semaphore(%run_scoped3A : memref<!tpu.dma_semaphore, #tpu.memory_space<semaphore_mem>>) src(%dma_wait3A_1464 : memref<14x128xi32, #tpu.memory_space<hbm>>) dst(%arg6 : memref<14x128xi32, #tpu.memory_space<vmem>>)
      tpu.yield
    }) : () -> ()
    %dma_start3A = arith.constant 0 : i32
    %dma_start3A_3 = arith.constant 0 : i32
    %dma_start3A_4 = arith.constant 0 : i32
    %dma_start3A_5 = arith.constant 0 : i32
    %dma_start3A_6 = tpu.memref_slice %arg7[%dma_start3A_3, %dma_start3A_4, %dma_start3A_5] : memref<7x128x64xf32, #tpu.memory_space<vmem>> -> memref<1x128x64xf32, #tpu.memory_space<vmem>>
    %dma_start3A_7 = tpu.memref_squeeze %dma_start3A_6 : memref<1x128x64xf32, #tpu.memory_space<vmem>> -> memref<128x64xf32, #tpu.memory_space<vmem>>
    %dma_start3A_8 = arith.constant 0 : i32
    %dma_start3A_9 = tpu.memref_slice %arg6[%dma_start3A, %dma_start3A_8] : memref<14x128xi32, #tpu.memory_space<vmem>> -> memref<1x128xi32, #tpu.memory_space<vmem>>
    %dma_start3A_10 = tpu.memref_squeeze %dma_start3A_9 : memref<1x128xi32, #tpu.memory_space<vmem>> -> memref<128xi32, #tpu.memory_space<vmem>>
    %dma_start3A_11 = arith.constant 0 : i32
    %dma_start3A_12 = arith.constant 0 : i32
    %dma_start3A_13 = tpu.memref_slice %arg3[%dma_start3A_11, %dma_start3A_12] : memref<100000x64xf32, #tpu.memory_space<hbm>> -> memref<100000x64xf32, #tpu.memory_space<hbm>>
    tpu.enqueue_indirect_dma source(%dma_start3A_13 : memref<100000x64xf32, #tpu.memory_space<hbm>>) target(%dma_start3A_7 : memref<128x64xf32, #tpu.memory_space<vmem>>) offsets(%dma_start3A_10 : memref<128xi32, #tpu.memory_space<vmem>>) semaphore(%arg9 : memref<!tpu.dma_semaphore, #tpu.memory_space<semaphore_mem>>)
    %dma_start3A_14 = arith.constant 0 : i32
    %dma_start3A_15 = arith.constant 0 : i32
    %dma_start3A_16 = arith.constant 0 : i32
    %dma_start3A_17 = arith.constant 0 : i32
    %dma_start3A_18 = tpu.memref_slice %arg8[%dma_start3A_15, %dma_start3A_16, %dma_start3A_17] : memref<7x128x64xf32, #tpu.memory_space<vmem>> -> memref<1x128x64xf32, #tpu.memory_space<vmem>>
    %dma_start3A_19 = tpu.memref_squeeze %dma_start3A_18 : memref<1x128x64xf32, #tpu.memory_space<vmem>> -> memref<128x64xf32, #tpu.memory_space<vmem>>
    %dma_start3A_20 = arith.constant 0 : i32
    %dma_start3A_21 = tpu.memref_slice %arg6[%dma_start3A_14, %dma_start3A_20] : memref<14x128xi32, #tpu.memory_space<vmem>> -> memref<1x128xi32, #tpu.memory_space<vmem>>
    %dma_start3A_22 = tpu.memref_squeeze %dma_start3A_21 : memref<1x128xi32, #tpu.memory_space<vmem>> -> memref<128xi32, #tpu.memory_space<vmem>>
    %dma_start3A_23 = arith.constant 0 : i32
    %dma_start3A_24 = arith.constant 0 : i32
    %dma_start3A_25 = tpu.memref_slice %arg4[%dma_start3A_23, %dma_start3A_24] : memref<100000x64xf32, #tpu.memory_space<hbm>> -> memref<100000x64xf32, #tpu.memory_space<hbm>>
    tpu.enqueue_indirect_dma source(%dma_start3A_25 : memref<100000x64xf32, #tpu.memory_space<hbm>>) target(%dma_start3A_19 : memref<128x64xf32, #tpu.memory_space<vmem>>) offsets(%dma_start3A_22 : memref<128xi32, #tpu.memory_space<vmem>>) semaphore(%arg16 : memref<!tpu.dma_semaphore, #tpu.memory_space<semaphore_mem>>)
    %dma_start3A_26 = arith.constant 1 : i32
    %dma_start3A_27 = arith.constant 1 : i32
    %dma_start3A_28 = arith.constant 0 : i32
    %dma_start3A_29 = arith.constant 0 : i32
    %dma_start3A_30 = tpu.memref_slice %arg7[%dma_start3A_27, %dma_start3A_28, %dma_start3A_29] : memref<7x128x64xf32, #tpu.memory_space<vmem>> -> memref<1x128x64xf32, #tpu.memory_space<vmem>>
    %dma_start3A_31 = tpu.memref_squeeze %dma_start3A_30 : memref<1x128x64xf32, #tpu.memory_space<vmem>> -> memref<128x64xf32, #tpu.memory_space<vmem>>
    %dma_start3A_32 = arith.constant 0 : i32
    %dma_start3A_33 = tpu.memref_slice %arg6[%dma_start3A_26, %dma_start3A_32] : memref<14x128xi32, #tpu.memory_space<vmem>> -> memref<1x128xi32, #tpu.memory_space<vmem>>
    %dma_start3A_34 = tpu.memref_squeeze %dma_start3A_33 : memref<1x128xi32, #tpu.memory_space<vmem>> -> memref<128xi32, #tpu.memory_space<vmem>>
    %dma_start3A_35 = arith.constant 0 : i32
    %dma_start3A_36 = arith.constant 0 : i32
    %dma_start3A_37 = tpu.memref_slice %arg3[%dma_start3A_35, %dma_start3A_36] : memref<100000x64xf32, #tpu.memory_space<hbm>> -> memref<100000x64xf32, #tpu.memory_space<hbm>>
    tpu.enqueue_indirect_dma source(%dma_start3A_37 : memref<100000x64xf32, #tpu.memory_space<hbm>>) target(%dma_start3A_31 : memref<128x64xf32, #tpu.memory_space<vmem>>) offsets(%dma_start3A_34 : memref<128xi32, #tpu.memory_space<vmem>>) semaphore(%arg10 : memref<!tpu.dma_semaphore, #tpu.memory_space<semaphore_mem>>)
    %dma_start3A_38 = arith.constant 1 : i32
    %dma_start3A_39 = arith.constant 1 : i32
    %dma_start3A_40 = arith.constant 0 : i32
    %dma_start3A_41 = arith.constant 0 : i32
    %dma_start3A_42 = tpu.memref_slice %arg8[%dma_start3A_39, %dma_start3A_40, %dma_start3A_41] : memref<7x128x64xf32, #tpu.memory_space<vmem>> -> memref<1x128x64xf32, #tpu.memory_space<vmem>>
    %dma_start3A_43 = tpu.memref_squeeze %dma_start3A_42 : memref<1x128x64xf32, #tpu.memory_space<vmem>> -> memref<128x64xf32, #tpu.memory_space<vmem>>
    %dma_start3A_44 = arith.constant 0 : i32
    %dma_start3A_45 = tpu.memref_slice %arg6[%dma_start3A_38, %dma_start3A_44] : memref<14x128xi32, #tpu.memory_space<vmem>> -> memref<1x128xi32, #tpu.memory_space<vmem>>
    %dma_start3A_46 = tpu.memref_squeeze %dma_start3A_45 : memref<1x128xi32, #tpu.memory_space<vmem>> -> memref<128xi32, #tpu.memory_space<vmem>>
    %dma_start3A_47 = arith.constant 0 : i32
    %dma_start3A_48 = arith.constant 0 : i32
    %dma_start3A_49 = tpu.memref_slice %arg4[%dma_start3A_47, %dma_start3A_48] : memref<100000x64xf32, #tpu.memory_space<hbm>> -> memref<100000x64xf32, #tpu.memory_space<hbm>>
    tpu.enqueue_indirect_dma source(%dma_start3A_49 : memref<100000x64xf32, #tpu.memory_space<hbm>>) target(%dma_start3A_43 : memref<128x64xf32, #tpu.memory_space<vmem>>) offsets(%dma_start3A_46 : memref<128xi32, #tpu.memory_space<vmem>>) semaphore(%arg17 : memref<!tpu.dma_semaphore, #tpu.memory_space<semaphore_mem>>)
    %dma_start3A_50 = arith.constant 2 : i32
    %dma_start3A_51 = arith.constant 2 : i32
    %dma_start3A_52 = arith.constant 0 : i32
    %dma_start3A_53 = arith.constant 0 : i32
    %dma_start3A_54 = tpu.memref_slice %arg7[%dma_start3A_51, %dma_start3A_52, %dma_start3A_53] : memref<7x128x64xf32, #tpu.memory_space<vmem>> -> memref<1x128x64xf32, #tpu.memory_space<vmem>>
    %dma_start3A_55 = tpu.memref_squeeze %dma_start3A_54 : memref<1x128x64xf32, #tpu.memory_space<vmem>> -> memref<128x64xf32, #tpu.memory_space<vmem>>
    %dma_start3A_56 = arith.constant 0 : i32
    %dma_start3A_57 = tpu.memref_slice %arg6[%dma_start3A_50, %dma_start3A_56] : memref<14x128xi32, #tpu.memory_space<vmem>> -> memref<1x128xi32, #tpu.memory_space<vmem>>
    %dma_start3A_58 = tpu.memref_squeeze %dma_start3A_57 : memref<1x128xi32, #tpu.memory_space<vmem>> -> memref<128xi32, #tpu.memory_space<vmem>>
    %dma_start3A_59 = arith.constant 0 : i32
    %dma_start3A_60 = arith.constant 0 : i32
    %dma_start3A_61 = tpu.memref_slice %arg3[%dma_start3A_59, %dma_start3A_60] : memref<100000x64xf32, #tpu.memory_space<hbm>> -> memref<100000x64xf32, #tpu.memory_space<hbm>>
    tpu.enqueue_indirect_dma source(%dma_start3A_61 : memref<100000x64xf32, #tpu.memory_space<hbm>>) target(%dma_start3A_55 : memref<128x64xf32, #tpu.memory_space<vmem>>) offsets(%dma_start3A_58 : memref<128xi32, #tpu.memory_space<vmem>>) semaphore(%arg11 : memref<!tpu.dma_semaphore, #tpu.memory_space<semaphore_mem>>)
    %dma_start3A_62 = arith.constant 2 : i32
    %dma_start3A_63 = arith.constant 2 : i32
    %dma_start3A_64 = arith.constant 0 : i32
    %dma_start3A_65 = arith.constant 0 : i32
    %dma_start3A_66 = tpu.memref_slice %arg8[%dma_start3A_63, %dma_start3A_64, %dma_start3A_65] : memref<7x128x64xf32, #tpu.memory_space<vmem>> -> memref<1x128x64xf32, #tpu.memory_space<vmem>>
    %dma_start3A_67 = tpu.memref_squeeze %dma_start3A_66 : memref<1x128x64xf32, #tpu.memory_space<vmem>> -> memref<128x64xf32, #tpu.memory_space<vmem>>
    %dma_start3A_68 = arith.constant 0 : i32
    %dma_start3A_69 = tpu.memref_slice %arg6[%dma_start3A_62, %dma_start3A_68] : memref<14x128xi32, #tpu.memory_space<vmem>> -> memref<1x128xi32, #tpu.memory_space<vmem>>
    %dma_start3A_70 = tpu.memref_squeeze %dma_start3A_69 : memref<1x128xi32, #tpu.memory_space<vmem>> -> memref<128xi32, #tpu.memory_space<vmem>>
    %dma_start3A_71 = arith.constant 0 : i32
    %dma_start3A_72 = arith.constant 0 : i32
    %dma_start3A_73 = tpu.memref_slice %arg4[%dma_start3A_71, %dma_start3A_72] : memref<100000x64xf32, #tpu.memory_space<hbm>> -> memref<100000x64xf32, #tpu.memory_space<hbm>>
    tpu.enqueue_indirect_dma source(%dma_start3A_73 : memref<100000x64xf32, #tpu.memory_space<hbm>>) target(%dma_start3A_67 : memref<128x64xf32, #tpu.memory_space<vmem>>) offsets(%dma_start3A_70 : memref<128xi32, #tpu.memory_space<vmem>>) semaphore(%arg18 : memref<!tpu.dma_semaphore, #tpu.memory_space<semaphore_mem>>)
    %dma_start3A_74 = arith.constant 3 : i32
    %dma_start3A_75 = arith.constant 3 : i32
    %dma_start3A_76 = arith.constant 0 : i32
    %dma_start3A_77 = arith.constant 0 : i32
    %dma_start3A_78 = tpu.memref_slice %arg7[%dma_start3A_75, %dma_start3A_76, %dma_start3A_77] : memref<7x128x64xf32, #tpu.memory_space<vmem>> -> memref<1x128x64xf32, #tpu.memory_space<vmem>>
    %dma_start3A_79 = tpu.memref_squeeze %dma_start3A_78 : memref<1x128x64xf32, #tpu.memory_space<vmem>> -> memref<128x64xf32, #tpu.memory_space<vmem>>
    %dma_start3A_80 = arith.constant 0 : i32
    %dma_start3A_81 = tpu.memref_slice %arg6[%dma_start3A_74, %dma_start3A_80] : memref<14x128xi32, #tpu.memory_space<vmem>> -> memref<1x128xi32, #tpu.memory_space<vmem>>
    %dma_start3A_82 = tpu.memref_squeeze %dma_start3A_81 : memref<1x128xi32, #tpu.memory_space<vmem>> -> memref<128xi32, #tpu.memory_space<vmem>>
    %dma_start3A_83 = arith.constant 0 : i32
    %dma_start3A_84 = arith.constant 0 : i32
    %dma_start3A_85 = tpu.memref_slice %arg3[%dma_start3A_83, %dma_start3A_84] : memref<100000x64xf32, #tpu.memory_space<hbm>> -> memref<100000x64xf32, #tpu.memory_space<hbm>>
    tpu.enqueue_indirect_dma source(%dma_start3A_85 : memref<100000x64xf32, #tpu.memory_space<hbm>>) target(%dma_start3A_79 : memref<128x64xf32, #tpu.memory_space<vmem>>) offsets(%dma_start3A_82 : memref<128xi32, #tpu.memory_space<vmem>>) semaphore(%arg12 : memref<!tpu.dma_semaphore, #tpu.memory_space<semaphore_mem>>)
    %dma_start3A_86 = arith.constant 3 : i32
    %dma_start3A_87 = arith.constant 3 : i32
    %dma_start3A_88 = arith.constant 0 : i32
    %dma_start3A_89 = arith.constant 0 : i32
    %dma_start3A_90 = tpu.memref_slice %arg8[%dma_start3A_87, %dma_start3A_88, %dma_start3A_89] : memref<7x128x64xf32, #tpu.memory_space<vmem>> -> memref<1x128x64xf32, #tpu.memory_space<vmem>>
    %dma_start3A_91 = tpu.memref_squeeze %dma_start3A_90 : memref<1x128x64xf32, #tpu.memory_space<vmem>> -> memref<128x64xf32, #tpu.memory_space<vmem>>
    %dma_start3A_92 = arith.constant 0 : i32
    %dma_start3A_93 = tpu.memref_slice %arg6[%dma_start3A_86, %dma_start3A_92] : memref<14x128xi32, #tpu.memory_space<vmem>> -> memref<1x128xi32, #tpu.memory_space<vmem>>
    %dma_start3A_94 = tpu.memref_squeeze %dma_start3A_93 : memref<1x128xi32, #tpu.memory_space<vmem>> -> memref<128xi32, #tpu.memory_space<vmem>>
    %dma_start3A_95 = arith.constant 0 : i32
    %dma_start3A_96 = arith.constant 0 : i32
    %dma_start3A_97 = tpu.memref_slice %arg4[%dma_start3A_95, %dma_start3A_96] : memref<100000x64xf32, #tpu.memory_space<hbm>> -> memref<100000x64xf32, #tpu.memory_space<hbm>>
    tpu.enqueue_indirect_dma source(%dma_start3A_97 : memref<100000x64xf32, #tpu.memory_space<hbm>>) target(%dma_start3A_91 : memref<128x64xf32, #tpu.memory_space<vmem>>) offsets(%dma_start3A_94 : memref<128xi32, #tpu.memory_space<vmem>>) semaphore(%arg19 : memref<!tpu.dma_semaphore, #tpu.memory_space<semaphore_mem>>)
    %dma_wait3A = arith.constant 0 : i32
    %dma_wait3A_98 = arith.constant 0 : i32
    %dma_wait3A_99 = arith.constant 0 : i32
    %dma_wait3A_100 = arith.constant 0 : i32
    %dma_wait3A_101 = tpu.memref_slice %arg7[%dma_wait3A_98, %dma_wait3A_99, %dma_wait3A_100] : memref<7x128x64xf32, #tpu.memory_space<vmem>> -> memref<1x128x64xf32, #tpu.memory_space<vmem>>
    %dma_wait3A_102 = tpu.memref_squeeze %dma_wait3A_101 : memref<1x128x64xf32, #tpu.memory_space<vmem>> -> memref<128x64xf32, #tpu.memory_space<vmem>>
    %dma_wait3A_103 = arith.constant 0 : i32
    %dma_wait3A_104 = tpu.memref_slice %arg6[%dma_wait3A, %dma_wait3A_103] : memref<14x128xi32, #tpu.memory_space<vmem>> -> memref<1x128xi32, #tpu.memory_space<vmem>>
    %dma_wait3A_105 = tpu.memref_squeeze %dma_wait3A_104 : memref<1x128xi32, #tpu.memory_space<vmem>> -> memref<128xi32, #tpu.memory_space<vmem>>
    %dma_wait3A_106 = arith.constant 0 : i32
    %dma_wait3A_107 = arith.constant 0 : i32
    %dma_wait3A_108 = tpu.memref_slice %arg3[%dma_wait3A_106, %dma_wait3A_107] : memref<100000x64xf32, #tpu.memory_space<hbm>> -> memref<100000x64xf32, #tpu.memory_space<hbm>>
    tpu.wait_indirect_dma semaphore(%arg9 : memref<!tpu.dma_semaphore, #tpu.memory_space<semaphore_mem>>) src(%dma_wait3A_108 : memref<100000x64xf32, #tpu.memory_space<hbm>>) dst(%dma_wait3A_102 : memref<128x64xf32, #tpu.memory_space<vmem>>)
    %dma_wait3A_109 = arith.constant 0 : i32
    %dma_wait3A_110 = arith.constant 0 : i32
    %dma_wait3A_111 = arith.constant 0 : i32
    %dma_wait3A_112 = arith.constant 0 : i32
    %dma_wait3A_113 = tpu.memref_slice %arg8[%dma_wait3A_110, %dma_wait3A_111, %dma_wait3A_112] : memref<7x128x64xf32, #tpu.memory_space<vmem>> -> memref<1x128x64xf32, #tpu.memory_space<vmem>>
    %dma_wait3A_114 = tpu.memref_squeeze %dma_wait3A_113 : memref<1x128x64xf32, #tpu.memory_space<vmem>> -> memref<128x64xf32, #tpu.memory_space<vmem>>
    %dma_wait3A_115 = arith.constant 0 : i32
    %dma_wait3A_116 = tpu.memref_slice %arg6[%dma_wait3A_109, %dma_wait3A_115] : memref<14x128xi32, #tpu.memory_space<vmem>> -> memref<1x128xi32, #tpu.memory_space<vmem>>
    %dma_wait3A_117 = tpu.memref_squeeze %dma_wait3A_116 : memref<1x128xi32, #tpu.memory_space<vmem>> -> memref<128xi32, #tpu.memory_space<vmem>>
    %dma_wait3A_118 = arith.constant 0 : i32
    %dma_wait3A_119 = arith.constant 0 : i32
    %dma_wait3A_120 = tpu.memref_slice %arg4[%dma_wait3A_118, %dma_wait3A_119] : memref<100000x64xf32, #tpu.memory_space<hbm>> -> memref<100000x64xf32, #tpu.memory_space<hbm>>
    tpu.wait_indirect_dma semaphore(%arg16 : memref<!tpu.dma_semaphore, #tpu.memory_space<semaphore_mem>>) src(%dma_wait3A_120 : memref<100000x64xf32, #tpu.memory_space<hbm>>) dst(%dma_wait3A_114 : memref<128x64xf32, #tpu.memory_space<vmem>>)
    %add3A_121 = arith.constant 0 : i32
    %add3A_122 = arith.addi %mul3A_2, %add3A_121 : i32
    %mul3A_123 = arith.constant 128 : i32
    %mul3A_124 = arith.muli %add3A_122, %mul3A_123 : i32
    %dma_start3A_125 = arith.constant 0 : i32
    %dma_start3A_126 = arith.constant 0 : i32
    %dma_start3A_127 = arith.constant 0 : i32
    %dma_start3A_128 = tpu.memref_slice %arg7[%dma_start3A_125, %dma_start3A_126, %dma_start3A_127] : memref<7x128x64xf32, #tpu.memory_space<vmem>> -> memref<1x128x64xf32, #tpu.memory_space<vmem>>
    %dma_start3A_129 = tpu.memref_squeeze %dma_start3A_128 : memref<1x128x64xf32, #tpu.memory_space<vmem>> -> memref<128x64xf32, #tpu.memory_space<vmem>>
    %dma_start3A_130 = arith.constant 0 : i32
    %dma_start3A_131 = tpu.memref_slice %arg5[%mul3A_124, %dma_start3A_130] : memref<57344x128xf32, #tpu.memory_space<hbm>> -> memref<128x64xf32, #tpu.memory_space<hbm>>
    %dma_start3A_132 = arith.constant 0 : i32
    %dma_start3A_133 = tpu.memref_slice %arg5[%mul3A_124, %dma_start3A_132] : memref<57344x128xf32, #tpu.memory_space<hbm>> -> memref<128x64xf32, #tpu.memory_space<hbm>>
    %dma_start3A_134 = arith.constant 0 : i32
    %dma_start3A_135 = arith.constant 0 : i32
    %dma_start3A_136 = tpu.memref_slice %arg7[%dma_start3A_125, %dma_start3A_134, %dma_start3A_135] : memref<7x128x64xf32, #tpu.memory_space<vmem>> -> memref<1x128x64xf32, #tpu.memory_space<vmem>>
    %dma_start3A_137 = tpu.memref_squeeze %dma_start3A_136 : memref<1x128x64xf32, #tpu.memory_space<vmem>> -> memref<128x64xf32, #tpu.memory_space<vmem>>
    tpu.enqueue_dma source(%dma_start3A_137 : memref<128x64xf32, #tpu.memory_space<vmem>>) target(%dma_start3A_133 : memref<128x64xf32, #tpu.memory_space<hbm>>) target_semaphore(%arg23 : memref<!tpu.dma_semaphore, #tpu.memory_space<semaphore_mem>>)
    %dma_start3A_138 = arith.constant 0 : i32
    %dma_start3A_139 = arith.constant 0 : i32
    %dma_start3A_140 = arith.constant 0 : i32
    %dma_start3A_141 = tpu.memref_slice %arg8[%dma_start3A_138, %dma_start3A_139, %dma_start3A_140] : memref<7x128x64xf32, #tpu.memory_space<vmem>> -> memref<1x128x64xf32, #tpu.memory_space<vmem>>
    %dma_start3A_142 = tpu.memref_squeeze %dma_start3A_141 : memref<1x128x64xf32, #tpu.memory_space<vmem>> -> memref<128x64xf32, #tpu.memory_space<vmem>>
    %dma_start3A_143 = arith.constant 64 : i32
    %dma_start3A_144 = tpu.memref_slice %arg5[%mul3A_124, %dma_start3A_143] : memref<57344x128xf32, #tpu.memory_space<hbm>> -> memref<128x64xf32, #tpu.memory_space<hbm>>
    %dma_start3A_145 = arith.constant 64 : i32
    %dma_start3A_146 = tpu.memref_slice %arg5[%mul3A_124, %dma_start3A_145] : memref<57344x128xf32, #tpu.memory_space<hbm>> -> memref<128x64xf32, #tpu.memory_space<hbm>>
    %dma_start3A_147 = arith.constant 0 : i32
    %dma_start3A_148 = arith.constant 0 : i32
    %dma_start3A_149 = tpu.memref_slice %arg8[%dma_start3A_138, %dma_start3A_147, %dma_start3A_148] : memref<7x128x64xf32, #tpu.memory_space<vmem>> -> memref<1x128x64xf32, #tpu.memory_space<vmem>>
    %dma_start3A_150 = tpu.memref_squeeze %dma_start3A_149 : memref<1x128x64xf32, #tpu.memory_space<vmem>> -> memref<128x64xf32, #tpu.memory_space<vmem>>
    tpu.enqueue_dma source(%dma_start3A_150 : memref<128x64xf32, #tpu.memory_space<vmem>>) target(%dma_start3A_146 : memref<128x64xf32, #tpu.memory_space<hbm>>) target_semaphore(%arg30 : memref<!tpu.dma_semaphore, #tpu.memory_space<semaphore_mem>>)
    %dma_start3A_151 = arith.constant 4 : i32
    %dma_start3A_152 = arith.constant 4 : i32
    %dma_start3A_153 = arith.constant 0 : i32
    %dma_start3A_154 = arith.constant 0 : i32
    %dma_start3A_155 = tpu.memref_slice %arg7[%dma_start3A_152, %dma_start3A_153, %dma_start3A_154] : memref<7x128x64xf32, #tpu.memory_space<vmem>> -> memref<1x128x64xf32, #tpu.memory_space<vmem>>
    %dma_start3A_156 = tpu.memref_squeeze %dma_start3A_155 : memref<1x128x64xf32, #tpu.memory_space<vmem>> -> memref<128x64xf32, #tpu.memory_space<vmem>>
    %dma_start3A_157 = arith.constant 0 : i32
    %dma_start3A_158 = tpu.memref_slice %arg6[%dma_start3A_151, %dma_start3A_157] : memref<14x128xi32, #tpu.memory_space<vmem>> -> memref<1x128xi32, #tpu.memory_space<vmem>>
    %dma_start3A_159 = tpu.memref_squeeze %dma_start3A_158 : memref<1x128xi32, #tpu.memory_space<vmem>> -> memref<128xi32, #tpu.memory_space<vmem>>
    %dma_start3A_160 = arith.constant 0 : i32
    %dma_start3A_161 = arith.constant 0 : i32
    %dma_start3A_162 = tpu.memref_slice %arg3[%dma_start3A_160, %dma_start3A_161] : memref<100000x64xf32, #tpu.memory_space<hbm>> -> memref<100000x64xf32, #tpu.memory_space<hbm>>
    tpu.enqueue_indirect_dma source(%dma_start3A_162 : memref<100000x64xf32, #tpu.memory_space<hbm>>) target(%dma_start3A_156 : memref<128x64xf32, #tpu.memory_space<vmem>>) offsets(%dma_start3A_159 : memref<128xi32, #tpu.memory_space<vmem>>) semaphore(%arg13 : memref<!tpu.dma_semaphore, #tpu.memory_space<semaphore_mem>>)
    %dma_start3A_163 = arith.constant 4 : i32
    %dma_start3A_164 = arith.constant 4 : i32
    %dma_start3A_165 = arith.constant 0 : i32
    %dma_start3A_166 = arith.constant 0 : i32
    %dma_start3A_167 = tpu.memref_slice %arg8[%dma_start3A_164, %dma_start3A_165, %dma_start3A_166] : memref<7x128x64xf32, #tpu.memory_space<vmem>> -> memref<1x128x64xf32, #tpu.memory_space<vmem>>
    %dma_start3A_168 = tpu.memref_squeeze %dma_start3A_167 : memref<1x128x64xf32, #tpu.memory_space<vmem>> -> memref<128x64xf32, #tpu.memory_space<vmem>>
    %dma_start3A_169 = arith.constant 0 : i32
    %dma_start3A_170 = tpu.memref_slice %arg6[%dma_start3A_163, %dma_start3A_169] : memref<14x128xi32, #tpu.memory_space<vmem>> -> memref<1x128xi32, #tpu.memory_space<vmem>>
    %dma_start3A_171 = tpu.memref_squeeze %dma_start3A_170 : memref<1x128xi32, #tpu.memory_space<vmem>> -> memref<128xi32, #tpu.memory_space<vmem>>
    %dma_start3A_172 = arith.constant 0 : i32
    %dma_start3A_173 = arith.constant 0 : i32
    %dma_start3A_174 = tpu.memref_slice %arg4[%dma_start3A_172, %dma_start3A_173] : memref<100000x64xf32, #tpu.memory_space<hbm>> -> memref<100000x64xf32, #tpu.memory_space<hbm>>
    tpu.enqueue_indirect_dma source(%dma_start3A_174 : memref<100000x64xf32, #tpu.memory_space<hbm>>) target(%dma_start3A_168 : memref<128x64xf32, #tpu.memory_space<vmem>>) offsets(%dma_start3A_171 : memref<128xi32, #tpu.memory_space<vmem>>) semaphore(%arg20 : memref<!tpu.dma_semaphore, #tpu.memory_space<semaphore_mem>>)
    %dma_wait3A_175 = arith.constant 1 : i32
    %dma_wait3A_176 = arith.constant 1 : i32
    %dma_wait3A_177 = arith.constant 0 : i32
    %dma_wait3A_178 = arith.constant 0 : i32
    %dma_wait3A_179 = tpu.memref_slice %arg7[%dma_wait3A_176, %dma_wait3A_177, %dma_wait3A_178] : memref<7x128x64xf32, #tpu.memory_space<vmem>> -> memref<1x128x64xf32, #tpu.memory_space<vmem>>
    %dma_wait3A_180 = tpu.memref_squeeze %dma_wait3A_179 : memref<1x128x64xf32, #tpu.memory_space<vmem>> -> memref<128x64xf32, #tpu.memory_space<vmem>>
    %dma_wait3A_181 = arith.constant 0 : i32
    %dma_wait3A_182 = tpu.memref_slice %arg6[%dma_wait3A_175, %dma_wait3A_181] : memref<14x128xi32, #tpu.memory_space<vmem>> -> memref<1x128xi32, #tpu.memory_space<vmem>>
    %dma_wait3A_183 = tpu.memref_squeeze %dma_wait3A_182 : memref<1x128xi32, #tpu.memory_space<vmem>> -> memref<128xi32, #tpu.memory_space<vmem>>
    %dma_wait3A_184 = arith.constant 0 : i32
    %dma_wait3A_185 = arith.constant 0 : i32
    %dma_wait3A_186 = tpu.memref_slice %arg3[%dma_wait3A_184, %dma_wait3A_185] : memref<100000x64xf32, #tpu.memory_space<hbm>> -> memref<100000x64xf32, #tpu.memory_space<hbm>>
    tpu.wait_indirect_dma semaphore(%arg10 : memref<!tpu.dma_semaphore, #tpu.memory_space<semaphore_mem>>) src(%dma_wait3A_186 : memref<100000x64xf32, #tpu.memory_space<hbm>>) dst(%dma_wait3A_180 : memref<128x64xf32, #tpu.memory_space<vmem>>)
    %dma_wait3A_187 = arith.constant 1 : i32
    %dma_wait3A_188 = arith.constant 1 : i32
    %dma_wait3A_189 = arith.constant 0 : i32
    %dma_wait3A_190 = arith.constant 0 : i32
    %dma_wait3A_191 = tpu.memref_slice %arg8[%dma_wait3A_188, %dma_wait3A_189, %dma_wait3A_190] : memref<7x128x64xf32, #tpu.memory_space<vmem>> -> memref<1x128x64xf32, #tpu.memory_space<vmem>>
    %dma_wait3A_192 = tpu.memref_squeeze %dma_wait3A_191 : memref<1x128x64xf32, #tpu.memory_space<vmem>> -> memref<128x64xf32, #tpu.memory_space<vmem>>
    %dma_wait3A_193 = arith.constant 0 : i32
    %dma_wait3A_194 = tpu.memref_slice %arg6[%dma_wait3A_187, %dma_wait3A_193] : memref<14x128xi32, #tpu.memory_space<vmem>> -> memref<1x128xi32, #tpu.memory_space<vmem>>
    %dma_wait3A_195 = tpu.memref_squeeze %dma_wait3A_194 : memref<1x128xi32, #tpu.memory_space<vmem>> -> memref<128xi32, #tpu.memory_space<vmem>>
    %dma_wait3A_196 = arith.constant 0 : i32
    %dma_wait3A_197 = arith.constant 0 : i32
    %dma_wait3A_198 = tpu.memref_slice %arg4[%dma_wait3A_196, %dma_wait3A_197] : memref<100000x64xf32, #tpu.memory_space<hbm>> -> memref<100000x64xf32, #tpu.memory_space<hbm>>
    tpu.wait_indirect_dma semaphore(%arg17 : memref<!tpu.dma_semaphore, #tpu.memory_space<semaphore_mem>>) src(%dma_wait3A_198 : memref<100000x64xf32, #tpu.memory_space<hbm>>) dst(%dma_wait3A_192 : memref<128x64xf32, #tpu.memory_space<vmem>>)
    %add3A_199 = arith.constant 1 : i32
    %add3A_200 = arith.addi %mul3A_2, %add3A_199 : i32
    %mul3A_201 = arith.constant 128 : i32
    %mul3A_202 = arith.muli %add3A_200, %mul3A_201 : i32
    %dma_start3A_203 = arith.constant 1 : i32
    %dma_start3A_204 = arith.constant 0 : i32
    %dma_start3A_205 = arith.constant 0 : i32
    %dma_start3A_206 = tpu.memref_slice %arg7[%dma_start3A_203, %dma_start3A_204, %dma_start3A_205] : memref<7x128x64xf32, #tpu.memory_space<vmem>> -> memref<1x128x64xf32, #tpu.memory_space<vmem>>
    %dma_start3A_207 = tpu.memref_squeeze %dma_start3A_206 : memref<1x128x64xf32, #tpu.memory_space<vmem>> -> memref<128x64xf32, #tpu.memory_space<vmem>>
    %dma_start3A_208 = arith.constant 0 : i32
    %dma_start3A_209 = tpu.memref_slice %arg5[%mul3A_202, %dma_start3A_208] : memref<57344x128xf32, #tpu.memory_space<hbm>> -> memref<128x64xf32, #tpu.memory_space<hbm>>
    %dma_start3A_210 = arith.constant 0 : i32
    %dma_start3A_211 = tpu.memref_slice %arg5[%mul3A_202, %dma_start3A_210] : memref<57344x128xf32, #tpu.memory_space<hbm>> -> memref<128x64xf32, #tpu.memory_space<hbm>>
    %dma_start3A_212 = arith.constant 0 : i32
    %dma_start3A_213 = arith.constant 0 : i32
    %dma_start3A_214 = tpu.memref_slice %arg7[%dma_start3A_203, %dma_start3A_212, %dma_start3A_213] : memref<7x128x64xf32, #tpu.memory_space<vmem>> -> memref<1x128x64xf32, #tpu.memory_space<vmem>>
    %dma_start3A_215 = tpu.memref_squeeze %dma_start3A_214 : memref<1x128x64xf32, #tpu.memory_space<vmem>> -> memref<128x64xf32, #tpu.memory_space<vmem>>
    tpu.enqueue_dma source(%dma_start3A_215 : memref<128x64xf32, #tpu.memory_space<vmem>>) target(%dma_start3A_211 : memref<128x64xf32, #tpu.memory_space<hbm>>) target_semaphore(%arg24 : memref<!tpu.dma_semaphore, #tpu.memory_space<semaphore_mem>>)
    %dma_start3A_216 = arith.constant 1 : i32
    %dma_start3A_217 = arith.constant 0 : i32
    %dma_start3A_218 = arith.constant 0 : i32
    %dma_start3A_219 = tpu.memref_slice %arg8[%dma_start3A_216, %dma_start3A_217, %dma_start3A_218] : memref<7x128x64xf32, #tpu.memory_space<vmem>> -> memref<1x128x64xf32, #tpu.memory_space<vmem>>
    %dma_start3A_220 = tpu.memref_squeeze %dma_start3A_219 : memref<1x128x64xf32, #tpu.memory_space<vmem>> -> memref<128x64xf32, #tpu.memory_space<vmem>>
    %dma_start3A_221 = arith.constant 64 : i32
    %dma_start3A_222 = tpu.memref_slice %arg5[%mul3A_202, %dma_start3A_221] : memref<57344x128xf32, #tpu.memory_space<hbm>> -> memref<128x64xf32, #tpu.memory_space<hbm>>
    %dma_start3A_223 = arith.constant 64 : i32
    %dma_start3A_224 = tpu.memref_slice %arg5[%mul3A_202, %dma_start3A_223] : memref<57344x128xf32, #tpu.memory_space<hbm>> -> memref<128x64xf32, #tpu.memory_space<hbm>>
    %dma_start3A_225 = arith.constant 0 : i32
    %dma_start3A_226 = arith.constant 0 : i32
    %dma_start3A_227 = tpu.memref_slice %arg8[%dma_start3A_216, %dma_start3A_225, %dma_start3A_226] : memref<7x128x64xf32, #tpu.memory_space<vmem>> -> memref<1x128x64xf32, #tpu.memory_space<vmem>>
    %dma_start3A_228 = tpu.memref_squeeze %dma_start3A_227 : memref<1x128x64xf32, #tpu.memory_space<vmem>> -> memref<128x64xf32, #tpu.memory_space<vmem>>
    tpu.enqueue_dma source(%dma_start3A_228 : memref<128x64xf32, #tpu.memory_space<vmem>>) target(%dma_start3A_224 : memref<128x64xf32, #tpu.memory_space<hbm>>) target_semaphore(%arg31 : memref<!tpu.dma_semaphore, #tpu.memory_space<semaphore_mem>>)
    %dma_start3A_229 = arith.constant 5 : i32
    %dma_start3A_230 = arith.constant 5 : i32
    %dma_start3A_231 = arith.constant 0 : i32
    %dma_start3A_232 = arith.constant 0 : i32
    %dma_start3A_233 = tpu.memref_slice %arg7[%dma_start3A_230, %dma_start3A_231, %dma_start3A_232] : memref<7x128x64xf32, #tpu.memory_space<vmem>> -> memref<1x128x64xf32, #tpu.memory_space<vmem>>
    %dma_start3A_234 = tpu.memref_squeeze %dma_start3A_233 : memref<1x128x64xf32, #tpu.memory_space<vmem>> -> memref<128x64xf32, #tpu.memory_space<vmem>>
    %dma_start3A_235 = arith.constant 0 : i32
    %dma_start3A_236 = tpu.memref_slice %arg6[%dma_start3A_229, %dma_start3A_235] : memref<14x128xi32, #tpu.memory_space<vmem>> -> memref<1x128xi32, #tpu.memory_space<vmem>>
    %dma_start3A_237 = tpu.memref_squeeze %dma_start3A_236 : memref<1x128xi32, #tpu.memory_space<vmem>> -> memref<128xi32, #tpu.memory_space<vmem>>
    %dma_start3A_238 = arith.constant 0 : i32
    %dma_start3A_239 = arith.constant 0 : i32
    %dma_start3A_240 = tpu.memref_slice %arg3[%dma_start3A_238, %dma_start3A_239] : memref<100000x64xf32, #tpu.memory_space<hbm>> -> memref<100000x64xf32, #tpu.memory_space<hbm>>
    tpu.enqueue_indirect_dma source(%dma_start3A_240 : memref<100000x64xf32, #tpu.memory_space<hbm>>) target(%dma_start3A_234 : memref<128x64xf32, #tpu.memory_space<vmem>>) offsets(%dma_start3A_237 : memref<128xi32, #tpu.memory_space<vmem>>) semaphore(%arg14 : memref<!tpu.dma_semaphore, #tpu.memory_space<semaphore_mem>>)
    %dma_start3A_241 = arith.constant 5 : i32
    %dma_start3A_242 = arith.constant 5 : i32
    %dma_start3A_243 = arith.constant 0 : i32
    %dma_start3A_244 = arith.constant 0 : i32
    %dma_start3A_245 = tpu.memref_slice %arg8[%dma_start3A_242, %dma_start3A_243, %dma_start3A_244] : memref<7x128x64xf32, #tpu.memory_space<vmem>> -> memref<1x128x64xf32, #tpu.memory_space<vmem>>
    %dma_start3A_246 = tpu.memref_squeeze %dma_start3A_245 : memref<1x128x64xf32, #tpu.memory_space<vmem>> -> memref<128x64xf32, #tpu.memory_space<vmem>>
    %dma_start3A_247 = arith.constant 0 : i32
    %dma_start3A_248 = tpu.memref_slice %arg6[%dma_start3A_241, %dma_start3A_247] : memref<14x128xi32, #tpu.memory_space<vmem>> -> memref<1x128xi32, #tpu.memory_space<vmem>>
    %dma_start3A_249 = tpu.memref_squeeze %dma_start3A_248 : memref<1x128xi32, #tpu.memory_space<vmem>> -> memref<128xi32, #tpu.memory_space<vmem>>
    %dma_start3A_250 = arith.constant 0 : i32
    %dma_start3A_251 = arith.constant 0 : i32
    %dma_start3A_252 = tpu.memref_slice %arg4[%dma_start3A_250, %dma_start3A_251] : memref<100000x64xf32, #tpu.memory_space<hbm>> -> memref<100000x64xf32, #tpu.memory_space<hbm>>
    tpu.enqueue_indirect_dma source(%dma_start3A_252 : memref<100000x64xf32, #tpu.memory_space<hbm>>) target(%dma_start3A_246 : memref<128x64xf32, #tpu.memory_space<vmem>>) offsets(%dma_start3A_249 : memref<128xi32, #tpu.memory_space<vmem>>) semaphore(%arg21 : memref<!tpu.dma_semaphore, #tpu.memory_space<semaphore_mem>>)
    %dma_wait3A_253 = arith.constant 2 : i32
    %dma_wait3A_254 = arith.constant 2 : i32
    %dma_wait3A_255 = arith.constant 0 : i32
    %dma_wait3A_256 = arith.constant 0 : i32
    %dma_wait3A_257 = tpu.memref_slice %arg7[%dma_wait3A_254, %dma_wait3A_255, %dma_wait3A_256] : memref<7x128x64xf32, #tpu.memory_space<vmem>> -> memref<1x128x64xf32, #tpu.memory_space<vmem>>
    %dma_wait3A_258 = tpu.memref_squeeze %dma_wait3A_257 : memref<1x128x64xf32, #tpu.memory_space<vmem>> -> memref<128x64xf32, #tpu.memory_space<vmem>>
    %dma_wait3A_259 = arith.constant 0 : i32
    %dma_wait3A_260 = tpu.memref_slice %arg6[%dma_wait3A_253, %dma_wait3A_259] : memref<14x128xi32, #tpu.memory_space<vmem>> -> memref<1x128xi32, #tpu.memory_space<vmem>>
    %dma_wait3A_261 = tpu.memref_squeeze %dma_wait3A_260 : memref<1x128xi32, #tpu.memory_space<vmem>> -> memref<128xi32, #tpu.memory_space<vmem>>
    %dma_wait3A_262 = arith.constant 0 : i32
    %dma_wait3A_263 = arith.constant 0 : i32
    %dma_wait3A_264 = tpu.memref_slice %arg3[%dma_wait3A_262, %dma_wait3A_263] : memref<100000x64xf32, #tpu.memory_space<hbm>> -> memref<100000x64xf32, #tpu.memory_space<hbm>>
    tpu.wait_indirect_dma semaphore(%arg11 : memref<!tpu.dma_semaphore, #tpu.memory_space<semaphore_mem>>) src(%dma_wait3A_264 : memref<100000x64xf32, #tpu.memory_space<hbm>>) dst(%dma_wait3A_258 : memref<128x64xf32, #tpu.memory_space<vmem>>)
    %dma_wait3A_265 = arith.constant 2 : i32
    %dma_wait3A_266 = arith.constant 2 : i32
    %dma_wait3A_267 = arith.constant 0 : i32
    %dma_wait3A_268 = arith.constant 0 : i32
    %dma_wait3A_269 = tpu.memref_slice %arg8[%dma_wait3A_266, %dma_wait3A_267, %dma_wait3A_268] : memref<7x128x64xf32, #tpu.memory_space<vmem>> -> memref<1x128x64xf32, #tpu.memory_space<vmem>>
    %dma_wait3A_270 = tpu.memref_squeeze %dma_wait3A_269 : memref<1x128x64xf32, #tpu.memory_space<vmem>> -> memref<128x64xf32, #tpu.memory_space<vmem>>
    %dma_wait3A_271 = arith.constant 0 : i32
    %dma_wait3A_272 = tpu.memref_slice %arg6[%dma_wait3A_265, %dma_wait3A_271] : memref<14x128xi32, #tpu.memory_space<vmem>> -> memref<1x128xi32, #tpu.memory_space<vmem>>
    %dma_wait3A_273 = tpu.memref_squeeze %dma_wait3A_272 : memref<1x128xi32, #tpu.memory_space<vmem>> -> memref<128xi32, #tpu.memory_space<vmem>>
    %dma_wait3A_274 = arith.constant 0 : i32
    %dma_wait3A_275 = arith.constant 0 : i32
    %dma_wait3A_276 = tpu.memref_slice %arg4[%dma_wait3A_274, %dma_wait3A_275] : memref<100000x64xf32, #tpu.memory_space<hbm>> -> memref<100000x64xf32, #tpu.memory_space<hbm>>
    tpu.wait_indirect_dma semaphore(%arg18 : memref<!tpu.dma_semaphore, #tpu.memory_space<semaphore_mem>>) src(%dma_wait3A_276 : memref<100000x64xf32, #tpu.memory_space<hbm>>) dst(%dma_wait3A_270 : memref<128x64xf32, #tpu.memory_space<vmem>>)
    %add3A_277 = arith.constant 2 : i32
    %add3A_278 = arith.addi %mul3A_2, %add3A_277 : i32
    %mul3A_279 = arith.constant 128 : i32
    %mul3A_280 = arith.muli %add3A_278, %mul3A_279 : i32
    %dma_start3A_281 = arith.constant 2 : i32
    %dma_start3A_282 = arith.constant 0 : i32
    %dma_start3A_283 = arith.constant 0 : i32
    %dma_start3A_284 = tpu.memref_slice %arg7[%dma_start3A_281, %dma_start3A_282, %dma_start3A_283] : memref<7x128x64xf32, #tpu.memory_space<vmem>> -> memref<1x128x64xf32, #tpu.memory_space<vmem>>
    %dma_start3A_285 = tpu.memref_squeeze %dma_start3A_284 : memref<1x128x64xf32, #tpu.memory_space<vmem>> -> memref<128x64xf32, #tpu.memory_space<vmem>>
    %dma_start3A_286 = arith.constant 0 : i32
    %dma_start3A_287 = tpu.memref_slice %arg5[%mul3A_280, %dma_start3A_286] : memref<57344x128xf32, #tpu.memory_space<hbm>> -> memref<128x64xf32, #tpu.memory_space<hbm>>
    %dma_start3A_288 = arith.constant 0 : i32
    %dma_start3A_289 = tpu.memref_slice %arg5[%mul3A_280, %dma_start3A_288] : memref<57344x128xf32, #tpu.memory_space<hbm>> -> memref<128x64xf32, #tpu.memory_space<hbm>>
    %dma_start3A_290 = arith.constant 0 : i32
    %dma_start3A_291 = arith.constant 0 : i32
    %dma_start3A_292 = tpu.memref_slice %arg7[%dma_start3A_281, %dma_start3A_290, %dma_start3A_291] : memref<7x128x64xf32, #tpu.memory_space<vmem>> -> memref<1x128x64xf32, #tpu.memory_space<vmem>>
    %dma_start3A_293 = tpu.memref_squeeze %dma_start3A_292 : memref<1x128x64xf32, #tpu.memory_space<vmem>> -> memref<128x64xf32, #tpu.memory_space<vmem>>
    tpu.enqueue_dma source(%dma_start3A_293 : memref<128x64xf32, #tpu.memory_space<vmem>>) target(%dma_start3A_289 : memref<128x64xf32, #tpu.memory_space<hbm>>) target_semaphore(%arg25 : memref<!tpu.dma_semaphore, #tpu.memory_space<semaphore_mem>>)
    %dma_start3A_294 = arith.constant 2 : i32
    %dma_start3A_295 = arith.constant 0 : i32
    %dma_start3A_296 = arith.constant 0 : i32
    %dma_start3A_297 = tpu.memref_slice %arg8[%dma_start3A_294, %dma_start3A_295, %dma_start3A_296] : memref<7x128x64xf32, #tpu.memory_space<vmem>> -> memref<1x128x64xf32, #tpu.memory_space<vmem>>
    %dma_start3A_298 = tpu.memref_squeeze %dma_start3A_297 : memref<1x128x64xf32, #tpu.memory_space<vmem>> -> memref<128x64xf32, #tpu.memory_space<vmem>>
    %dma_start3A_299 = arith.constant 64 : i32
    %dma_start3A_300 = tpu.memref_slice %arg5[%mul3A_280, %dma_start3A_299] : memref<57344x128xf32, #tpu.memory_space<hbm>> -> memref<128x64xf32, #tpu.memory_space<hbm>>
    %dma_start3A_301 = arith.constant 64 : i32
    %dma_start3A_302 = tpu.memref_slice %arg5[%mul3A_280, %dma_start3A_301] : memref<57344x128xf32, #tpu.memory_space<hbm>> -> memref<128x64xf32, #tpu.memory_space<hbm>>
    %dma_start3A_303 = arith.constant 0 : i32
    %dma_start3A_304 = arith.constant 0 : i32
    %dma_start3A_305 = tpu.memref_slice %arg8[%dma_start3A_294, %dma_start3A_303, %dma_start3A_304] : memref<7x128x64xf32, #tpu.memory_space<vmem>> -> memref<1x128x64xf32, #tpu.memory_space<vmem>>
    %dma_start3A_306 = tpu.memref_squeeze %dma_start3A_305 : memref<1x128x64xf32, #tpu.memory_space<vmem>> -> memref<128x64xf32, #tpu.memory_space<vmem>>
    tpu.enqueue_dma source(%dma_start3A_306 : memref<128x64xf32, #tpu.memory_space<vmem>>) target(%dma_start3A_302 : memref<128x64xf32, #tpu.memory_space<hbm>>) target_semaphore(%arg32 : memref<!tpu.dma_semaphore, #tpu.memory_space<semaphore_mem>>)
    %dma_start3A_307 = arith.constant 6 : i32
    %dma_start3A_308 = arith.constant 6 : i32
    %dma_start3A_309 = arith.constant 0 : i32
    %dma_start3A_310 = arith.constant 0 : i32
    %dma_start3A_311 = tpu.memref_slice %arg7[%dma_start3A_308, %dma_start3A_309, %dma_start3A_310] : memref<7x128x64xf32, #tpu.memory_space<vmem>> -> memref<1x128x64xf32, #tpu.memory_space<vmem>>
    %dma_start3A_312 = tpu.memref_squeeze %dma_start3A_311 : memref<1x128x64xf32, #tpu.memory_space<vmem>> -> memref<128x64xf32, #tpu.memory_space<vmem>>
    %dma_start3A_313 = arith.constant 0 : i32
    %dma_start3A_314 = tpu.memref_slice %arg6[%dma_start3A_307, %dma_start3A_313] : memref<14x128xi32, #tpu.memory_space<vmem>> -> memref<1x128xi32, #tpu.memory_space<vmem>>
    %dma_start3A_315 = tpu.memref_squeeze %dma_start3A_314 : memref<1x128xi32, #tpu.memory_space<vmem>> -> memref<128xi32, #tpu.memory_space<vmem>>
    %dma_start3A_316 = arith.constant 0 : i32
    %dma_start3A_317 = arith.constant 0 : i32
    %dma_start3A_318 = tpu.memref_slice %arg3[%dma_start3A_316, %dma_start3A_317] : memref<100000x64xf32, #tpu.memory_space<hbm>> -> memref<100000x64xf32, #tpu.memory_space<hbm>>
    tpu.enqueue_indirect_dma source(%dma_start3A_318 : memref<100000x64xf32, #tpu.memory_space<hbm>>) target(%dma_start3A_312 : memref<128x64xf32, #tpu.memory_space<vmem>>) offsets(%dma_start3A_315 : memref<128xi32, #tpu.memory_space<vmem>>) semaphore(%arg15 : memref<!tpu.dma_semaphore, #tpu.memory_space<semaphore_mem>>)
    %dma_start3A_319 = arith.constant 6 : i32
    %dma_start3A_320 = arith.constant 6 : i32
    %dma_start3A_321 = arith.constant 0 : i32
    %dma_start3A_322 = arith.constant 0 : i32
    %dma_start3A_323 = tpu.memref_slice %arg8[%dma_start3A_320, %dma_start3A_321, %dma_start3A_322] : memref<7x128x64xf32, #tpu.memory_space<vmem>> -> memref<1x128x64xf32, #tpu.memory_space<vmem>>
    %dma_start3A_324 = tpu.memref_squeeze %dma_start3A_323 : memref<1x128x64xf32, #tpu.memory_space<vmem>> -> memref<128x64xf32, #tpu.memory_space<vmem>>
    %dma_start3A_325 = arith.constant 0 : i32
    %dma_start3A_326 = tpu.memref_slice %arg6[%dma_start3A_319, %dma_start3A_325] : memref<14x128xi32, #tpu.memory_space<vmem>> -> memref<1x128xi32, #tpu.memory_space<vmem>>
    %dma_start3A_327 = tpu.memref_squeeze %dma_start3A_326 : memref<1x128xi32, #tpu.memory_space<vmem>> -> memref<128xi32, #tpu.memory_space<vmem>>
    %dma_start3A_328 = arith.constant 0 : i32
    %dma_start3A_329 = arith.constant 0 : i32
    %dma_start3A_330 = tpu.memref_slice %arg4[%dma_start3A_328, %dma_start3A_329] : memref<100000x64xf32, #tpu.memory_space<hbm>> -> memref<100000x64xf32, #tpu.memory_space<hbm>>
    tpu.enqueue_indirect_dma source(%dma_start3A_330 : memref<100000x64xf32, #tpu.memory_space<hbm>>) target(%dma_start3A_324 : memref<128x64xf32, #tpu.memory_space<vmem>>) offsets(%dma_start3A_327 : memref<128xi32, #tpu.memory_space<vmem>>) semaphore(%arg22 : memref<!tpu.dma_semaphore, #tpu.memory_space<semaphore_mem>>)
    %dma_wait3A_331 = arith.constant 3 : i32
    %dma_wait3A_332 = arith.constant 3 : i32
    %dma_wait3A_333 = arith.constant 0 : i32
    %dma_wait3A_334 = arith.constant 0 : i32
    %dma_wait3A_335 = tpu.memref_slice %arg7[%dma_wait3A_332, %dma_wait3A_333, %dma_wait3A_334] : memref<7x128x64xf32, #tpu.memory_space<vmem>> -> memref<1x128x64xf32, #tpu.memory_space<vmem>>
    %dma_wait3A_336 = tpu.memref_squeeze %dma_wait3A_335 : memref<1x128x64xf32, #tpu.memory_space<vmem>> -> memref<128x64xf32, #tpu.memory_space<vmem>>
    %dma_wait3A_337 = arith.constant 0 : i32
    %dma_wait3A_338 = tpu.memref_slice %arg6[%dma_wait3A_331, %dma_wait3A_337] : memref<14x128xi32, #tpu.memory_space<vmem>> -> memref<1x128xi32, #tpu.memory_space<vmem>>
    %dma_wait3A_339 = tpu.memref_squeeze %dma_wait3A_338 : memref<1x128xi32, #tpu.memory_space<vmem>> -> memref<128xi32, #tpu.memory_space<vmem>>
    %dma_wait3A_340 = arith.constant 0 : i32
    %dma_wait3A_341 = arith.constant 0 : i32
    %dma_wait3A_342 = tpu.memref_slice %arg3[%dma_wait3A_340, %dma_wait3A_341] : memref<100000x64xf32, #tpu.memory_space<hbm>> -> memref<100000x64xf32, #tpu.memory_space<hbm>>
    tpu.wait_indirect_dma semaphore(%arg12 : memref<!tpu.dma_semaphore, #tpu.memory_space<semaphore_mem>>) src(%dma_wait3A_342 : memref<100000x64xf32, #tpu.memory_space<hbm>>) dst(%dma_wait3A_336 : memref<128x64xf32, #tpu.memory_space<vmem>>)
    %dma_wait3A_343 = arith.constant 3 : i32
    %dma_wait3A_344 = arith.constant 3 : i32
    %dma_wait3A_345 = arith.constant 0 : i32
    %dma_wait3A_346 = arith.constant 0 : i32
    %dma_wait3A_347 = tpu.memref_slice %arg8[%dma_wait3A_344, %dma_wait3A_345, %dma_wait3A_346] : memref<7x128x64xf32, #tpu.memory_space<vmem>> -> memref<1x128x64xf32, #tpu.memory_space<vmem>>
    %dma_wait3A_348 = tpu.memref_squeeze %dma_wait3A_347 : memref<1x128x64xf32, #tpu.memory_space<vmem>> -> memref<128x64xf32, #tpu.memory_space<vmem>>
    %dma_wait3A_349 = arith.constant 0 : i32
    %dma_wait3A_350 = tpu.memref_slice %arg6[%dma_wait3A_343, %dma_wait3A_349] : memref<14x128xi32, #tpu.memory_space<vmem>> -> memref<1x128xi32, #tpu.memory_space<vmem>>
    %dma_wait3A_351 = tpu.memref_squeeze %dma_wait3A_350 : memref<1x128xi32, #tpu.memory_space<vmem>> -> memref<128xi32, #tpu.memory_space<vmem>>
    %dma_wait3A_352 = arith.constant 0 : i32
    %dma_wait3A_353 = arith.constant 0 : i32
    %dma_wait3A_354 = tpu.memref_slice %arg4[%dma_wait3A_352, %dma_wait3A_353] : memref<100000x64xf32, #tpu.memory_space<hbm>> -> memref<100000x64xf32, #tpu.memory_space<hbm>>
    tpu.wait_indirect_dma semaphore(%arg19 : memref<!tpu.dma_semaphore, #tpu.memory_space<semaphore_mem>>) src(%dma_wait3A_354 : memref<100000x64xf32, #tpu.memory_space<hbm>>) dst(%dma_wait3A_348 : memref<128x64xf32, #tpu.memory_space<vmem>>)
    %add3A_355 = arith.constant 3 : i32
    %add3A_356 = arith.addi %mul3A_2, %add3A_355 : i32
    %mul3A_357 = arith.constant 128 : i32
    %mul3A_358 = arith.muli %add3A_356, %mul3A_357 : i32
    %dma_start3A_359 = arith.constant 3 : i32
    %dma_start3A_360 = arith.constant 0 : i32
    %dma_start3A_361 = arith.constant 0 : i32
    %dma_start3A_362 = tpu.memref_slice %arg7[%dma_start3A_359, %dma_start3A_360, %dma_start3A_361] : memref<7x128x64xf32, #tpu.memory_space<vmem>> -> memref<1x128x64xf32, #tpu.memory_space<vmem>>
    %dma_start3A_363 = tpu.memref_squeeze %dma_start3A_362 : memref<1x128x64xf32, #tpu.memory_space<vmem>> -> memref<128x64xf32, #tpu.memory_space<vmem>>
    %dma_start3A_364 = arith.constant 0 : i32
    %dma_start3A_365 = tpu.memref_slice %arg5[%mul3A_358, %dma_start3A_364] : memref<57344x128xf32, #tpu.memory_space<hbm>> -> memref<128x64xf32, #tpu.memory_space<hbm>>
    %dma_start3A_366 = arith.constant 0 : i32
    %dma_start3A_367 = tpu.memref_slice %arg5[%mul3A_358, %dma_start3A_366] : memref<57344x128xf32, #tpu.memory_space<hbm>> -> memref<128x64xf32, #tpu.memory_space<hbm>>
    %dma_start3A_368 = arith.constant 0 : i32
    %dma_start3A_369 = arith.constant 0 : i32
    %dma_start3A_370 = tpu.memref_slice %arg7[%dma_start3A_359, %dma_start3A_368, %dma_start3A_369] : memref<7x128x64xf32, #tpu.memory_space<vmem>> -> memref<1x128x64xf32, #tpu.memory_space<vmem>>
    %dma_start3A_371 = tpu.memref_squeeze %dma_start3A_370 : memref<1x128x64xf32, #tpu.memory_space<vmem>> -> memref<128x64xf32, #tpu.memory_space<vmem>>
    tpu.enqueue_dma source(%dma_start3A_371 : memref<128x64xf32, #tpu.memory_space<vmem>>) target(%dma_start3A_367 : memref<128x64xf32, #tpu.memory_space<hbm>>) target_semaphore(%arg26 : memref<!tpu.dma_semaphore, #tpu.memory_space<semaphore_mem>>)
    %dma_start3A_372 = arith.constant 3 : i32
    %dma_start3A_373 = arith.constant 0 : i32
    %dma_start3A_374 = arith.constant 0 : i32
    %dma_start3A_375 = tpu.memref_slice %arg8[%dma_start3A_372, %dma_start3A_373, %dma_start3A_374] : memref<7x128x64xf32, #tpu.memory_space<vmem>> -> memref<1x128x64xf32, #tpu.memory_space<vmem>>
    %dma_start3A_376 = tpu.memref_squeeze %dma_start3A_375 : memref<1x128x64xf32, #tpu.memory_space<vmem>> -> memref<128x64xf32, #tpu.memory_space<vmem>>
    %dma_start3A_377 = arith.constant 64 : i32
    %dma_start3A_378 = tpu.memref_slice %arg5[%mul3A_358, %dma_start3A_377] : memref<57344x128xf32, #tpu.memory_space<hbm>> -> memref<128x64xf32, #tpu.memory_space<hbm>>
    %dma_start3A_379 = arith.constant 64 : i32
    %dma_start3A_380 = tpu.memref_slice %arg5[%mul3A_358, %dma_start3A_379] : memref<57344x128xf32, #tpu.memory_space<hbm>> -> memref<128x64xf32, #tpu.memory_space<hbm>>
    %dma_start3A_381 = arith.constant 0 : i32
    %dma_start3A_382 = arith.constant 0 : i32
    %dma_start3A_383 = tpu.memref_slice %arg8[%dma_start3A_372, %dma_start3A_381, %dma_start3A_382] : memref<7x128x64xf32, #tpu.memory_space<vmem>> -> memref<1x128x64xf32, #tpu.memory_space<vmem>>
    %dma_start3A_384 = tpu.memref_squeeze %dma_start3A_383 : memref<1x128x64xf32, #tpu.memory_space<vmem>> -> memref<128x64xf32, #tpu.memory_space<vmem>>
    tpu.enqueue_dma source(%dma_start3A_384 : memref<128x64xf32, #tpu.memory_space<vmem>>) target(%dma_start3A_380 : memref<128x64xf32, #tpu.memory_space<hbm>>) target_semaphore(%arg33 : memref<!tpu.dma_semaphore, #tpu.memory_space<semaphore_mem>>)
    %dma_wait3A_385 = arith.constant 0 : i32
    %dma_wait3A_386 = arith.constant 0 : i32
    %dma_wait3A_387 = arith.constant 0 : i32
    %dma_wait3A_388 = tpu.memref_slice %arg7[%dma_wait3A_385, %dma_wait3A_386, %dma_wait3A_387] : memref<7x128x64xf32, #tpu.memory_space<vmem>> -> memref<1x128x64xf32, #tpu.memory_space<vmem>>
    %dma_wait3A_389 = tpu.memref_squeeze %dma_wait3A_388 : memref<1x128x64xf32, #tpu.memory_space<vmem>> -> memref<128x64xf32, #tpu.memory_space<vmem>>
    %dma_wait3A_390 = arith.constant 0 : i32
    %dma_wait3A_391 = tpu.memref_slice %arg5[%mul3A_124, %dma_wait3A_390] : memref<57344x128xf32, #tpu.memory_space<hbm>> -> memref<128x64xf32, #tpu.memory_space<hbm>>
    %dma_wait3A_392 = arith.constant 0 : i32
    %dma_wait3A_393 = tpu.memref_slice %arg5[%mul3A_124, %dma_wait3A_392] : memref<57344x128xf32, #tpu.memory_space<hbm>> -> memref<128x64xf32, #tpu.memory_space<hbm>>
    %dma_wait3A_394 = arith.constant 0 : i32
    %dma_wait3A_395 = arith.constant 0 : i32
    %dma_wait3A_396 = tpu.memref_slice %arg7[%dma_wait3A_385, %dma_wait3A_394, %dma_wait3A_395] : memref<7x128x64xf32, #tpu.memory_space<vmem>> -> memref<1x128x64xf32, #tpu.memory_space<vmem>>
    %dma_wait3A_397 = tpu.memref_squeeze %dma_wait3A_396 : memref<1x128x64xf32, #tpu.memory_space<vmem>> -> memref<128x64xf32, #tpu.memory_space<vmem>>
    tpu.wait_dma2 semaphore(%arg23 : memref<!tpu.dma_semaphore, #tpu.memory_space<semaphore_mem>>) src(%dma_wait3A_397 : memref<128x64xf32, #tpu.memory_space<vmem>>) dst(%dma_wait3A_393 : memref<128x64xf32, #tpu.memory_space<hbm>>)
    %dma_wait3A_398 = arith.constant 0 : i32
    %dma_wait3A_399 = arith.constant 0 : i32
    %dma_wait3A_400 = arith.constant 0 : i32
    %dma_wait3A_401 = tpu.memref_slice %arg8[%dma_wait3A_398, %dma_wait3A_399, %dma_wait3A_400] : memref<7x128x64xf32, #tpu.memory_space<vmem>> -> memref<1x128x64xf32, #tpu.memory_space<vmem>>
    %dma_wait3A_402 = tpu.memref_squeeze %dma_wait3A_401 : memref<1x128x64xf32, #tpu.memory_space<vmem>> -> memref<128x64xf32, #tpu.memory_space<vmem>>
    %dma_wait3A_403 = arith.constant 64 : i32
    %dma_wait3A_404 = tpu.memref_slice %arg5[%mul3A_124, %dma_wait3A_403] : memref<57344x128xf32, #tpu.memory_space<hbm>> -> memref<128x64xf32, #tpu.memory_space<hbm>>
    %dma_wait3A_405 = arith.constant 64 : i32
    %dma_wait3A_406 = tpu.memref_slice %arg5[%mul3A_124, %dma_wait3A_405] : memref<57344x128xf32, #tpu.memory_space<hbm>> -> memref<128x64xf32, #tpu.memory_space<hbm>>
    %dma_wait3A_407 = arith.constant 0 : i32
    %dma_wait3A_408 = arith.constant 0 : i32
    %dma_wait3A_409 = tpu.memref_slice %arg8[%dma_wait3A_398, %dma_wait3A_407, %dma_wait3A_408] : memref<7x128x64xf32, #tpu.memory_space<vmem>> -> memref<1x128x64xf32, #tpu.memory_space<vmem>>
    %dma_wait3A_410 = tpu.memref_squeeze %dma_wait3A_409 : memref<1x128x64xf32, #tpu.memory_space<vmem>> -> memref<128x64xf32, #tpu.memory_space<vmem>>
    tpu.wait_dma2 semaphore(%arg30 : memref<!tpu.dma_semaphore, #tpu.memory_space<semaphore_mem>>) src(%dma_wait3A_410 : memref<128x64xf32, #tpu.memory_space<vmem>>) dst(%dma_wait3A_406 : memref<128x64xf32, #tpu.memory_space<hbm>>)
    %dma_start3A_411 = arith.constant 7 : i32
    %dma_start3A_412 = arith.constant 0 : i32
    %dma_start3A_413 = arith.constant 0 : i32
    %dma_start3A_414 = arith.constant 0 : i32
    %dma_start3A_415 = tpu.memref_slice %arg7[%dma_start3A_412, %dma_start3A_413, %dma_start3A_414] : memref<7x128x64xf32, #tpu.memory_space<vmem>> -> memref<1x128x64xf32, #tpu.memory_space<vmem>>
    %dma_start3A_416 = tpu.memref_squeeze %dma_start3A_415 : memref<1x128x64xf32, #tpu.memory_space<vmem>> -> memref<128x64xf32, #tpu.memory_space<vmem>>
    %dma_start3A_417 = arith.constant 0 : i32
    %dma_start3A_418 = tpu.memref_slice %arg6[%dma_start3A_411, %dma_start3A_417] : memref<14x128xi32, #tpu.memory_space<vmem>> -> memref<1x128xi32, #tpu.memory_space<vmem>>
    %dma_start3A_419 = tpu.memref_squeeze %dma_start3A_418 : memref<1x128xi32, #tpu.memory_space<vmem>> -> memref<128xi32, #tpu.memory_space<vmem>>
    %dma_start3A_420 = arith.constant 0 : i32
    %dma_start3A_421 = arith.constant 0 : i32
    %dma_start3A_422 = tpu.memref_slice %arg3[%dma_start3A_420, %dma_start3A_421] : memref<100000x64xf32, #tpu.memory_space<hbm>> -> memref<100000x64xf32, #tpu.memory_space<hbm>>
    tpu.enqueue_indirect_dma source(%dma_start3A_422 : memref<100000x64xf32, #tpu.memory_space<hbm>>) target(%dma_start3A_416 : memref<128x64xf32, #tpu.memory_space<vmem>>) offsets(%dma_start3A_419 : memref<128xi32, #tpu.memory_space<vmem>>) semaphore(%arg9 : memref<!tpu.dma_semaphore, #tpu.memory_space<semaphore_mem>>)
    %dma_start3A_423 = arith.constant 7 : i32
    %dma_start3A_424 = arith.constant 0 : i32
    %dma_start3A_425 = arith.constant 0 : i32
    %dma_start3A_426 = arith.constant 0 : i32
    %dma_start3A_427 = tpu.memref_slice %arg8[%dma_start3A_424, %dma_start3A_425, %dma_start3A_426] : memref<7x128x64xf32, #tpu.memory_space<vmem>> -> memref<1x128x64xf32, #tpu.memory_space<vmem>>
    %dma_start3A_428 = tpu.memref_squeeze %dma_start3A_427 : memref<1x128x64xf32, #tpu.memory_space<vmem>> -> memref<128x64xf32, #tpu.memory_space<vmem>>
    %dma_start3A_429 = arith.constant 0 : i32
    %dma_start3A_430 = tpu.memref_slice %arg6[%dma_start3A_423, %dma_start3A_429] : memref<14x128xi32, #tpu.memory_space<vmem>> -> memref<1x128xi32, #tpu.memory_space<vmem>>
    %dma_start3A_431 = tpu.memref_squeeze %dma_start3A_430 : memref<1x128xi32, #tpu.memory_space<vmem>> -> memref<128xi32, #tpu.memory_space<vmem>>
    %dma_start3A_432 = arith.constant 0 : i32
    %dma_start3A_433 = arith.constant 0 : i32
    %dma_start3A_434 = tpu.memref_slice %arg4[%dma_start3A_432, %dma_start3A_433] : memref<100000x64xf32, #tpu.memory_space<hbm>> -> memref<100000x64xf32, #tpu.memory_space<hbm>>
    tpu.enqueue_indirect_dma source(%dma_start3A_434 : memref<100000x64xf32, #tpu.memory_space<hbm>>) target(%dma_start3A_428 : memref<128x64xf32, #tpu.memory_space<vmem>>) offsets(%dma_start3A_431 : memref<128xi32, #tpu.memory_space<vmem>>) semaphore(%arg16 : memref<!tpu.dma_semaphore, #tpu.memory_space<semaphore_mem>>)
    %dma_wait3A_435 = arith.constant 4 : i32
    %dma_wait3A_436 = arith.constant 4 : i32
    %dma_wait3A_437 = arith.constant 0 : i32
    %dma_wait3A_438 = arith.constant 0 : i32
    %dma_wait3A_439 = tpu.memref_slice %arg7[%dma_wait3A_436, %dma_wait3A_437, %dma_wait3A_438] : memref<7x128x64xf32, #tpu.memory_space<vmem>> -> memref<1x128x64xf32, #tpu.memory_space<vmem>>
    %dma_wait3A_440 = tpu.memref_squeeze %dma_wait3A_439 : memref<1x128x64xf32, #tpu.memory_space<vmem>> -> memref<128x64xf32, #tpu.memory_space<vmem>>
    %dma_wait3A_441 = arith.constant 0 : i32
    %dma_wait3A_442 = tpu.memref_slice %arg6[%dma_wait3A_435, %dma_wait3A_441] : memref<14x128xi32, #tpu.memory_space<vmem>> -> memref<1x128xi32, #tpu.memory_space<vmem>>
    %dma_wait3A_443 = tpu.memref_squeeze %dma_wait3A_442 : memref<1x128xi32, #tpu.memory_space<vmem>> -> memref<128xi32, #tpu.memory_space<vmem>>
    %dma_wait3A_444 = arith.constant 0 : i32
    %dma_wait3A_445 = arith.constant 0 : i32
    %dma_wait3A_446 = tpu.memref_slice %arg3[%dma_wait3A_444, %dma_wait3A_445] : memref<100000x64xf32, #tpu.memory_space<hbm>> -> memref<100000x64xf32, #tpu.memory_space<hbm>>
    tpu.wait_indirect_dma semaphore(%arg13 : memref<!tpu.dma_semaphore, #tpu.memory_space<semaphore_mem>>) src(%dma_wait3A_446 : memref<100000x64xf32, #tpu.memory_space<hbm>>) dst(%dma_wait3A_440 : memref<128x64xf32, #tpu.memory_space<vmem>>)
    %dma_wait3A_447 = arith.constant 4 : i32
    %dma_wait3A_448 = arith.constant 4 : i32
    %dma_wait3A_449 = arith.constant 0 : i32
    %dma_wait3A_450 = arith.constant 0 : i32
    %dma_wait3A_451 = tpu.memref_slice %arg8[%dma_wait3A_448, %dma_wait3A_449, %dma_wait3A_450] : memref<7x128x64xf32, #tpu.memory_space<vmem>> -> memref<1x128x64xf32, #tpu.memory_space<vmem>>
    %dma_wait3A_452 = tpu.memref_squeeze %dma_wait3A_451 : memref<1x128x64xf32, #tpu.memory_space<vmem>> -> memref<128x64xf32, #tpu.memory_space<vmem>>
    %dma_wait3A_453 = arith.constant 0 : i32
    %dma_wait3A_454 = tpu.memref_slice %arg6[%dma_wait3A_447, %dma_wait3A_453] : memref<14x128xi32, #tpu.memory_space<vmem>> -> memref<1x128xi32, #tpu.memory_space<vmem>>
    %dma_wait3A_455 = tpu.memref_squeeze %dma_wait3A_454 : memref<1x128xi32, #tpu.memory_space<vmem>> -> memref<128xi32, #tpu.memory_space<vmem>>
    %dma_wait3A_456 = arith.constant 0 : i32
    %dma_wait3A_457 = arith.constant 0 : i32
    %dma_wait3A_458 = tpu.memref_slice %arg4[%dma_wait3A_456, %dma_wait3A_457] : memref<100000x64xf32, #tpu.memory_space<hbm>> -> memref<100000x64xf32, #tpu.memory_space<hbm>>
    tpu.wait_indirect_dma semaphore(%arg20 : memref<!tpu.dma_semaphore, #tpu.memory_space<semaphore_mem>>) src(%dma_wait3A_458 : memref<100000x64xf32, #tpu.memory_space<hbm>>) dst(%dma_wait3A_452 : memref<128x64xf32, #tpu.memory_space<vmem>>)
    %add3A_459 = arith.constant 4 : i32
    %add3A_460 = arith.addi %mul3A_2, %add3A_459 : i32
    %mul3A_461 = arith.constant 128 : i32
    %mul3A_462 = arith.muli %add3A_460, %mul3A_461 : i32
    %dma_start3A_463 = arith.constant 4 : i32
    %dma_start3A_464 = arith.constant 0 : i32
    %dma_start3A_465 = arith.constant 0 : i32
    %dma_start3A_466 = tpu.memref_slice %arg7[%dma_start3A_463, %dma_start3A_464, %dma_start3A_465] : memref<7x128x64xf32, #tpu.memory_space<vmem>> -> memref<1x128x64xf32, #tpu.memory_space<vmem>>
    %dma_start3A_467 = tpu.memref_squeeze %dma_start3A_466 : memref<1x128x64xf32, #tpu.memory_space<vmem>> -> memref<128x64xf32, #tpu.memory_space<vmem>>
    %dma_start3A_468 = arith.constant 0 : i32
    %dma_start3A_469 = tpu.memref_slice %arg5[%mul3A_462, %dma_start3A_468] : memref<57344x128xf32, #tpu.memory_space<hbm>> -> memref<128x64xf32, #tpu.memory_space<hbm>>
    %dma_start3A_470 = arith.constant 0 : i32
    %dma_start3A_471 = tpu.memref_slice %arg5[%mul3A_462, %dma_start3A_470] : memref<57344x128xf32, #tpu.memory_space<hbm>> -> memref<128x64xf32, #tpu.memory_space<hbm>>
    %dma_start3A_472 = arith.constant 0 : i32
    %dma_start3A_473 = arith.constant 0 : i32
    %dma_start3A_474 = tpu.memref_slice %arg7[%dma_start3A_463, %dma_start3A_472, %dma_start3A_473] : memref<7x128x64xf32, #tpu.memory_space<vmem>> -> memref<1x128x64xf32, #tpu.memory_space<vmem>>
    %dma_start3A_475 = tpu.memref_squeeze %dma_start3A_474 : memref<1x128x64xf32, #tpu.memory_space<vmem>> -> memref<128x64xf32, #tpu.memory_space<vmem>>
    tpu.enqueue_dma source(%dma_start3A_475 : memref<128x64xf32, #tpu.memory_space<vmem>>) target(%dma_start3A_471 : memref<128x64xf32, #tpu.memory_space<hbm>>) target_semaphore(%arg27 : memref<!tpu.dma_semaphore, #tpu.memory_space<semaphore_mem>>)
    %dma_start3A_476 = arith.constant 4 : i32
    %dma_start3A_477 = arith.constant 0 : i32
    %dma_start3A_478 = arith.constant 0 : i32
    %dma_start3A_479 = tpu.memref_slice %arg8[%dma_start3A_476, %dma_start3A_477, %dma_start3A_478] : memref<7x128x64xf32, #tpu.memory_space<vmem>> -> memref<1x128x64xf32, #tpu.memory_space<vmem>>
    %dma_start3A_480 = tpu.memref_squeeze %dma_start3A_479 : memref<1x128x64xf32, #tpu.memory_space<vmem>> -> memref<128x64xf32, #tpu.memory_space<vmem>>
    %dma_start3A_481 = arith.constant 64 : i32
    %dma_start3A_482 = tpu.memref_slice %arg5[%mul3A_462, %dma_start3A_481] : memref<57344x128xf32, #tpu.memory_space<hbm>> -> memref<128x64xf32, #tpu.memory_space<hbm>>
    %dma_start3A_483 = arith.constant 64 : i32
    %dma_start3A_484 = tpu.memref_slice %arg5[%mul3A_462, %dma_start3A_483] : memref<57344x128xf32, #tpu.memory_space<hbm>> -> memref<128x64xf32, #tpu.memory_space<hbm>>
    %dma_start3A_485 = arith.constant 0 : i32
    %dma_start3A_486 = arith.constant 0 : i32
    %dma_start3A_487 = tpu.memref_slice %arg8[%dma_start3A_476, %dma_start3A_485, %dma_start3A_486] : memref<7x128x64xf32, #tpu.memory_space<vmem>> -> memref<1x128x64xf32, #tpu.memory_space<vmem>>
    %dma_start3A_488 = tpu.memref_squeeze %dma_start3A_487 : memref<1x128x64xf32, #tpu.memory_space<vmem>> -> memref<128x64xf32, #tpu.memory_space<vmem>>
    tpu.enqueue_dma source(%dma_start3A_488 : memref<128x64xf32, #tpu.memory_space<vmem>>) target(%dma_start3A_484 : memref<128x64xf32, #tpu.memory_space<hbm>>) target_semaphore(%arg34 : memref<!tpu.dma_semaphore, #tpu.memory_space<semaphore_mem>>)
    %dma_wait3A_489 = arith.constant 1 : i32
    %dma_wait3A_490 = arith.constant 0 : i32
    %dma_wait3A_491 = arith.constant 0 : i32
    %dma_wait3A_492 = tpu.memref_slice %arg7[%dma_wait3A_489, %dma_wait3A_490, %dma_wait3A_491] : memref<7x128x64xf32, #tpu.memory_space<vmem>> -> memref<1x128x64xf32, #tpu.memory_space<vmem>>
    %dma_wait3A_493 = tpu.memref_squeeze %dma_wait3A_492 : memref<1x128x64xf32, #tpu.memory_space<vmem>> -> memref<128x64xf32, #tpu.memory_space<vmem>>
    %dma_wait3A_494 = arith.constant 0 : i32
    %dma_wait3A_495 = tpu.memref_slice %arg5[%mul3A_202, %dma_wait3A_494] : memref<57344x128xf32, #tpu.memory_space<hbm>> -> memref<128x64xf32, #tpu.memory_space<hbm>>
    %dma_wait3A_496 = arith.constant 0 : i32
    %dma_wait3A_497 = tpu.memref_slice %arg5[%mul3A_202, %dma_wait3A_496] : memref<57344x128xf32, #tpu.memory_space<hbm>> -> memref<128x64xf32, #tpu.memory_space<hbm>>
    %dma_wait3A_498 = arith.constant 0 : i32
    %dma_wait3A_499 = arith.constant 0 : i32
    %dma_wait3A_500 = tpu.memref_slice %arg7[%dma_wait3A_489, %dma_wait3A_498, %dma_wait3A_499] : memref<7x128x64xf32, #tpu.memory_space<vmem>> -> memref<1x128x64xf32, #tpu.memory_space<vmem>>
    %dma_wait3A_501 = tpu.memref_squeeze %dma_wait3A_500 : memref<1x128x64xf32, #tpu.memory_space<vmem>> -> memref<128x64xf32, #tpu.memory_space<vmem>>
    tpu.wait_dma2 semaphore(%arg24 : memref<!tpu.dma_semaphore, #tpu.memory_space<semaphore_mem>>) src(%dma_wait3A_501 : memref<128x64xf32, #tpu.memory_space<vmem>>) dst(%dma_wait3A_497 : memref<128x64xf32, #tpu.memory_space<hbm>>)
    %dma_wait3A_502 = arith.constant 1 : i32
    %dma_wait3A_503 = arith.constant 0 : i32
    %dma_wait3A_504 = arith.constant 0 : i32
    %dma_wait3A_505 = tpu.memref_slice %arg8[%dma_wait3A_502, %dma_wait3A_503, %dma_wait3A_504] : memref<7x128x64xf32, #tpu.memory_space<vmem>> -> memref<1x128x64xf32, #tpu.memory_space<vmem>>
    %dma_wait3A_506 = tpu.memref_squeeze %dma_wait3A_505 : memref<1x128x64xf32, #tpu.memory_space<vmem>> -> memref<128x64xf32, #tpu.memory_space<vmem>>
    %dma_wait3A_507 = arith.constant 64 : i32
    %dma_wait3A_508 = tpu.memref_slice %arg5[%mul3A_202, %dma_wait3A_507] : memref<57344x128xf32, #tpu.memory_space<hbm>> -> memref<128x64xf32, #tpu.memory_space<hbm>>
    %dma_wait3A_509 = arith.constant 64 : i32
    %dma_wait3A_510 = tpu.memref_slice %arg5[%mul3A_202, %dma_wait3A_509] : memref<57344x128xf32, #tpu.memory_space<hbm>> -> memref<128x64xf32, #tpu.memory_space<hbm>>
    %dma_wait3A_511 = arith.constant 0 : i32
    %dma_wait3A_512 = arith.constant 0 : i32
    %dma_wait3A_513 = tpu.memref_slice %arg8[%dma_wait3A_502, %dma_wait3A_511, %dma_wait3A_512] : memref<7x128x64xf32, #tpu.memory_space<vmem>> -> memref<1x128x64xf32, #tpu.memory_space<vmem>>
    %dma_wait3A_514 = tpu.memref_squeeze %dma_wait3A_513 : memref<1x128x64xf32, #tpu.memory_space<vmem>> -> memref<128x64xf32, #tpu.memory_space<vmem>>
    tpu.wait_dma2 semaphore(%arg31 : memref<!tpu.dma_semaphore, #tpu.memory_space<semaphore_mem>>) src(%dma_wait3A_514 : memref<128x64xf32, #tpu.memory_space<vmem>>) dst(%dma_wait3A_510 : memref<128x64xf32, #tpu.memory_space<hbm>>)
    %dma_start3A_515 = arith.constant 8 : i32
    %dma_start3A_516 = arith.constant 1 : i32
    %dma_start3A_517 = arith.constant 0 : i32
    %dma_start3A_518 = arith.constant 0 : i32
    %dma_start3A_519 = tpu.memref_slice %arg7[%dma_start3A_516, %dma_start3A_517, %dma_start3A_518] : memref<7x128x64xf32, #tpu.memory_space<vmem>> -> memref<1x128x64xf32, #tpu.memory_space<vmem>>
    %dma_start3A_520 = tpu.memref_squeeze %dma_start3A_519 : memref<1x128x64xf32, #tpu.memory_space<vmem>> -> memref<128x64xf32, #tpu.memory_space<vmem>>
    %dma_start3A_521 = arith.constant 0 : i32
    %dma_start3A_522 = tpu.memref_slice %arg6[%dma_start3A_515, %dma_start3A_521] : memref<14x128xi32, #tpu.memory_space<vmem>> -> memref<1x128xi32, #tpu.memory_space<vmem>>
    %dma_start3A_523 = tpu.memref_squeeze %dma_start3A_522 : memref<1x128xi32, #tpu.memory_space<vmem>> -> memref<128xi32, #tpu.memory_space<vmem>>
    %dma_start3A_524 = arith.constant 0 : i32
    %dma_start3A_525 = arith.constant 0 : i32
    %dma_start3A_526 = tpu.memref_slice %arg3[%dma_start3A_524, %dma_start3A_525] : memref<100000x64xf32, #tpu.memory_space<hbm>> -> memref<100000x64xf32, #tpu.memory_space<hbm>>
    tpu.enqueue_indirect_dma source(%dma_start3A_526 : memref<100000x64xf32, #tpu.memory_space<hbm>>) target(%dma_start3A_520 : memref<128x64xf32, #tpu.memory_space<vmem>>) offsets(%dma_start3A_523 : memref<128xi32, #tpu.memory_space<vmem>>) semaphore(%arg10 : memref<!tpu.dma_semaphore, #tpu.memory_space<semaphore_mem>>)
    %dma_start3A_527 = arith.constant 8 : i32
    %dma_start3A_528 = arith.constant 1 : i32
    %dma_start3A_529 = arith.constant 0 : i32
    %dma_start3A_530 = arith.constant 0 : i32
    %dma_start3A_531 = tpu.memref_slice %arg8[%dma_start3A_528, %dma_start3A_529, %dma_start3A_530] : memref<7x128x64xf32, #tpu.memory_space<vmem>> -> memref<1x128x64xf32, #tpu.memory_space<vmem>>
    %dma_start3A_532 = tpu.memref_squeeze %dma_start3A_531 : memref<1x128x64xf32, #tpu.memory_space<vmem>> -> memref<128x64xf32, #tpu.memory_space<vmem>>
    %dma_start3A_533 = arith.constant 0 : i32
    %dma_start3A_534 = tpu.memref_slice %arg6[%dma_start3A_527, %dma_start3A_533] : memref<14x128xi32, #tpu.memory_space<vmem>> -> memref<1x128xi32, #tpu.memory_space<vmem>>
    %dma_start3A_535 = tpu.memref_squeeze %dma_start3A_534 : memref<1x128xi32, #tpu.memory_space<vmem>> -> memref<128xi32, #tpu.memory_space<vmem>>
    %dma_start3A_536 = arith.constant 0 : i32
    %dma_start3A_537 = arith.constant 0 : i32
    %dma_start3A_538 = tpu.memref_slice %arg4[%dma_start3A_536, %dma_start3A_537] : memref<100000x64xf32, #tpu.memory_space<hbm>> -> memref<100000x64xf32, #tpu.memory_space<hbm>>
    tpu.enqueue_indirect_dma source(%dma_start3A_538 : memref<100000x64xf32, #tpu.memory_space<hbm>>) target(%dma_start3A_532 : memref<128x64xf32, #tpu.memory_space<vmem>>) offsets(%dma_start3A_535 : memref<128xi32, #tpu.memory_space<vmem>>) semaphore(%arg17 : memref<!tpu.dma_semaphore, #tpu.memory_space<semaphore_mem>>)
    %dma_wait3A_539 = arith.constant 5 : i32
    %dma_wait3A_540 = arith.constant 5 : i32
    %dma_wait3A_541 = arith.constant 0 : i32
    %dma_wait3A_542 = arith.constant 0 : i32
    %dma_wait3A_543 = tpu.memref_slice %arg7[%dma_wait3A_540, %dma_wait3A_541, %dma_wait3A_542] : memref<7x128x64xf32, #tpu.memory_space<vmem>> -> memref<1x128x64xf32, #tpu.memory_space<vmem>>
    %dma_wait3A_544 = tpu.memref_squeeze %dma_wait3A_543 : memref<1x128x64xf32, #tpu.memory_space<vmem>> -> memref<128x64xf32, #tpu.memory_space<vmem>>
    %dma_wait3A_545 = arith.constant 0 : i32
    %dma_wait3A_546 = tpu.memref_slice %arg6[%dma_wait3A_539, %dma_wait3A_545] : memref<14x128xi32, #tpu.memory_space<vmem>> -> memref<1x128xi32, #tpu.memory_space<vmem>>
    %dma_wait3A_547 = tpu.memref_squeeze %dma_wait3A_546 : memref<1x128xi32, #tpu.memory_space<vmem>> -> memref<128xi32, #tpu.memory_space<vmem>>
    %dma_wait3A_548 = arith.constant 0 : i32
    %dma_wait3A_549 = arith.constant 0 : i32
    %dma_wait3A_550 = tpu.memref_slice %arg3[%dma_wait3A_548, %dma_wait3A_549] : memref<100000x64xf32, #tpu.memory_space<hbm>> -> memref<100000x64xf32, #tpu.memory_space<hbm>>
    tpu.wait_indirect_dma semaphore(%arg14 : memref<!tpu.dma_semaphore, #tpu.memory_space<semaphore_mem>>) src(%dma_wait3A_550 : memref<100000x64xf32, #tpu.memory_space<hbm>>) dst(%dma_wait3A_544 : memref<128x64xf32, #tpu.memory_space<vmem>>)
    %dma_wait3A_551 = arith.constant 5 : i32
    %dma_wait3A_552 = arith.constant 5 : i32
    %dma_wait3A_553 = arith.constant 0 : i32
    %dma_wait3A_554 = arith.constant 0 : i32
    %dma_wait3A_555 = tpu.memref_slice %arg8[%dma_wait3A_552, %dma_wait3A_553, %dma_wait3A_554] : memref<7x128x64xf32, #tpu.memory_space<vmem>> -> memref<1x128x64xf32, #tpu.memory_space<vmem>>
    %dma_wait3A_556 = tpu.memref_squeeze %dma_wait3A_555 : memref<1x128x64xf32, #tpu.memory_space<vmem>> -> memref<128x64xf32, #tpu.memory_space<vmem>>
    %dma_wait3A_557 = arith.constant 0 : i32
    %dma_wait3A_558 = tpu.memref_slice %arg6[%dma_wait3A_551, %dma_wait3A_557] : memref<14x128xi32, #tpu.memory_space<vmem>> -> memref<1x128xi32, #tpu.memory_space<vmem>>
    %dma_wait3A_559 = tpu.memref_squeeze %dma_wait3A_558 : memref<1x128xi32, #tpu.memory_space<vmem>> -> memref<128xi32, #tpu.memory_space<vmem>>
    %dma_wait3A_560 = arith.constant 0 : i32
    %dma_wait3A_561 = arith.constant 0 : i32
    %dma_wait3A_562 = tpu.memref_slice %arg4[%dma_wait3A_560, %dma_wait3A_561] : memref<100000x64xf32, #tpu.memory_space<hbm>> -> memref<100000x64xf32, #tpu.memory_space<hbm>>
    tpu.wait_indirect_dma semaphore(%arg21 : memref<!tpu.dma_semaphore, #tpu.memory_space<semaphore_mem>>) src(%dma_wait3A_562 : memref<100000x64xf32, #tpu.memory_space<hbm>>) dst(%dma_wait3A_556 : memref<128x64xf32, #tpu.memory_space<vmem>>)
    %add3A_563 = arith.constant 5 : i32
    %add3A_564 = arith.addi %mul3A_2, %add3A_563 : i32
    %mul3A_565 = arith.constant 128 : i32
    %mul3A_566 = arith.muli %add3A_564, %mul3A_565 : i32
    %dma_start3A_567 = arith.constant 5 : i32
    %dma_start3A_568 = arith.constant 0 : i32
    %dma_start3A_569 = arith.constant 0 : i32
    %dma_start3A_570 = tpu.memref_slice %arg7[%dma_start3A_567, %dma_start3A_568, %dma_start3A_569] : memref<7x128x64xf32, #tpu.memory_space<vmem>> -> memref<1x128x64xf32, #tpu.memory_space<vmem>>
    %dma_start3A_571 = tpu.memref_squeeze %dma_start3A_570 : memref<1x128x64xf32, #tpu.memory_space<vmem>> -> memref<128x64xf32, #tpu.memory_space<vmem>>
    %dma_start3A_572 = arith.constant 0 : i32
    %dma_start3A_573 = tpu.memref_slice %arg5[%mul3A_566, %dma_start3A_572] : memref<57344x128xf32, #tpu.memory_space<hbm>> -> memref<128x64xf32, #tpu.memory_space<hbm>>
    %dma_start3A_574 = arith.constant 0 : i32
    %dma_start3A_575 = tpu.memref_slice %arg5[%mul3A_566, %dma_start3A_574] : memref<57344x128xf32, #tpu.memory_space<hbm>> -> memref<128x64xf32, #tpu.memory_space<hbm>>
    %dma_start3A_576 = arith.constant 0 : i32
    %dma_start3A_577 = arith.constant 0 : i32
    %dma_start3A_578 = tpu.memref_slice %arg7[%dma_start3A_567, %dma_start3A_576, %dma_start3A_577] : memref<7x128x64xf32, #tpu.memory_space<vmem>> -> memref<1x128x64xf32, #tpu.memory_space<vmem>>
    %dma_start3A_579 = tpu.memref_squeeze %dma_start3A_578 : memref<1x128x64xf32, #tpu.memory_space<vmem>> -> memref<128x64xf32, #tpu.memory_space<vmem>>
    tpu.enqueue_dma source(%dma_start3A_579 : memref<128x64xf32, #tpu.memory_space<vmem>>) target(%dma_start3A_575 : memref<128x64xf32, #tpu.memory_space<hbm>>) target_semaphore(%arg28 : memref<!tpu.dma_semaphore, #tpu.memory_space<semaphore_mem>>)
    %dma_start3A_580 = arith.constant 5 : i32
    %dma_start3A_581 = arith.constant 0 : i32
    %dma_start3A_582 = arith.constant 0 : i32
    %dma_start3A_583 = tpu.memref_slice %arg8[%dma_start3A_580, %dma_start3A_581, %dma_start3A_582] : memref<7x128x64xf32, #tpu.memory_space<vmem>> -> memref<1x128x64xf32, #tpu.memory_space<vmem>>
    %dma_start3A_584 = tpu.memref_squeeze %dma_start3A_583 : memref<1x128x64xf32, #tpu.memory_space<vmem>> -> memref<128x64xf32, #tpu.memory_space<vmem>>
    %dma_start3A_585 = arith.constant 64 : i32
    %dma_start3A_586 = tpu.memref_slice %arg5[%mul3A_566, %dma_start3A_585] : memref<57344x128xf32, #tpu.memory_space<hbm>> -> memref<128x64xf32, #tpu.memory_space<hbm>>
    %dma_start3A_587 = arith.constant 64 : i32
    %dma_start3A_588 = tpu.memref_slice %arg5[%mul3A_566, %dma_start3A_587] : memref<57344x128xf32, #tpu.memory_space<hbm>> -> memref<128x64xf32, #tpu.memory_space<hbm>>
    %dma_start3A_589 = arith.constant 0 : i32
    %dma_start3A_590 = arith.constant 0 : i32
    %dma_start3A_591 = tpu.memref_slice %arg8[%dma_start3A_580, %dma_start3A_589, %dma_start3A_590] : memref<7x128x64xf32, #tpu.memory_space<vmem>> -> memref<1x128x64xf32, #tpu.memory_space<vmem>>
    %dma_start3A_592 = tpu.memref_squeeze %dma_start3A_591 : memref<1x128x64xf32, #tpu.memory_space<vmem>> -> memref<128x64xf32, #tpu.memory_space<vmem>>
    tpu.enqueue_dma source(%dma_start3A_592 : memref<128x64xf32, #tpu.memory_space<vmem>>) target(%dma_start3A_588 : memref<128x64xf32, #tpu.memory_space<hbm>>) target_semaphore(%arg35 : memref<!tpu.dma_semaphore, #tpu.memory_space<semaphore_mem>>)
    %dma_wait3A_593 = arith.constant 2 : i32
    %dma_wait3A_594 = arith.constant 0 : i32
    %dma_wait3A_595 = arith.constant 0 : i32
    %dma_wait3A_596 = tpu.memref_slice %arg7[%dma_wait3A_593, %dma_wait3A_594, %dma_wait3A_595] : memref<7x128x64xf32, #tpu.memory_space<vmem>> -> memref<1x128x64xf32, #tpu.memory_space<vmem>>
    %dma_wait3A_597 = tpu.memref_squeeze %dma_wait3A_596 : memref<1x128x64xf32, #tpu.memory_space<vmem>> -> memref<128x64xf32, #tpu.memory_space<vmem>>
    %dma_wait3A_598 = arith.constant 0 : i32
    %dma_wait3A_599 = tpu.memref_slice %arg5[%mul3A_280, %dma_wait3A_598] : memref<57344x128xf32, #tpu.memory_space<hbm>> -> memref<128x64xf32, #tpu.memory_space<hbm>>
    %dma_wait3A_600 = arith.constant 0 : i32
    %dma_wait3A_601 = tpu.memref_slice %arg5[%mul3A_280, %dma_wait3A_600] : memref<57344x128xf32, #tpu.memory_space<hbm>> -> memref<128x64xf32, #tpu.memory_space<hbm>>
    %dma_wait3A_602 = arith.constant 0 : i32
    %dma_wait3A_603 = arith.constant 0 : i32
    %dma_wait3A_604 = tpu.memref_slice %arg7[%dma_wait3A_593, %dma_wait3A_602, %dma_wait3A_603] : memref<7x128x64xf32, #tpu.memory_space<vmem>> -> memref<1x128x64xf32, #tpu.memory_space<vmem>>
    %dma_wait3A_605 = tpu.memref_squeeze %dma_wait3A_604 : memref<1x128x64xf32, #tpu.memory_space<vmem>> -> memref<128x64xf32, #tpu.memory_space<vmem>>
    tpu.wait_dma2 semaphore(%arg25 : memref<!tpu.dma_semaphore, #tpu.memory_space<semaphore_mem>>) src(%dma_wait3A_605 : memref<128x64xf32, #tpu.memory_space<vmem>>) dst(%dma_wait3A_601 : memref<128x64xf32, #tpu.memory_space<hbm>>)
    %dma_wait3A_606 = arith.constant 2 : i32
    %dma_wait3A_607 = arith.constant 0 : i32
    %dma_wait3A_608 = arith.constant 0 : i32
    %dma_wait3A_609 = tpu.memref_slice %arg8[%dma_wait3A_606, %dma_wait3A_607, %dma_wait3A_608] : memref<7x128x64xf32, #tpu.memory_space<vmem>> -> memref<1x128x64xf32, #tpu.memory_space<vmem>>
    %dma_wait3A_610 = tpu.memref_squeeze %dma_wait3A_609 : memref<1x128x64xf32, #tpu.memory_space<vmem>> -> memref<128x64xf32, #tpu.memory_space<vmem>>
    %dma_wait3A_611 = arith.constant 64 : i32
    %dma_wait3A_612 = tpu.memref_slice %arg5[%mul3A_280, %dma_wait3A_611] : memref<57344x128xf32, #tpu.memory_space<hbm>> -> memref<128x64xf32, #tpu.memory_space<hbm>>
    %dma_wait3A_613 = arith.constant 64 : i32
    %dma_wait3A_614 = tpu.memref_slice %arg5[%mul3A_280, %dma_wait3A_613] : memref<57344x128xf32, #tpu.memory_space<hbm>> -> memref<128x64xf32, #tpu.memory_space<hbm>>
    %dma_wait3A_615 = arith.constant 0 : i32
    %dma_wait3A_616 = arith.constant 0 : i32
    %dma_wait3A_617 = tpu.memref_slice %arg8[%dma_wait3A_606, %dma_wait3A_615, %dma_wait3A_616] : memref<7x128x64xf32, #tpu.memory_space<vmem>> -> memref<1x128x64xf32, #tpu.memory_space<vmem>>
    %dma_wait3A_618 = tpu.memref_squeeze %dma_wait3A_617 : memref<1x128x64xf32, #tpu.memory_space<vmem>> -> memref<128x64xf32, #tpu.memory_space<vmem>>
    tpu.wait_dma2 semaphore(%arg32 : memref<!tpu.dma_semaphore, #tpu.memory_space<semaphore_mem>>) src(%dma_wait3A_618 : memref<128x64xf32, #tpu.memory_space<vmem>>) dst(%dma_wait3A_614 : memref<128x64xf32, #tpu.memory_space<hbm>>)
    %dma_start3A_619 = arith.constant 9 : i32
    %dma_start3A_620 = arith.constant 2 : i32
    %dma_start3A_621 = arith.constant 0 : i32
    %dma_start3A_622 = arith.constant 0 : i32
    %dma_start3A_623 = tpu.memref_slice %arg7[%dma_start3A_620, %dma_start3A_621, %dma_start3A_622] : memref<7x128x64xf32, #tpu.memory_space<vmem>> -> memref<1x128x64xf32, #tpu.memory_space<vmem>>
    %dma_start3A_624 = tpu.memref_squeeze %dma_start3A_623 : memref<1x128x64xf32, #tpu.memory_space<vmem>> -> memref<128x64xf32, #tpu.memory_space<vmem>>
    %dma_start3A_625 = arith.constant 0 : i32
    %dma_start3A_626 = tpu.memref_slice %arg6[%dma_start3A_619, %dma_start3A_625] : memref<14x128xi32, #tpu.memory_space<vmem>> -> memref<1x128xi32, #tpu.memory_space<vmem>>
    %dma_start3A_627 = tpu.memref_squeeze %dma_start3A_626 : memref<1x128xi32, #tpu.memory_space<vmem>> -> memref<128xi32, #tpu.memory_space<vmem>>
    %dma_start3A_628 = arith.constant 0 : i32
    %dma_start3A_629 = arith.constant 0 : i32
    %dma_start3A_630 = tpu.memref_slice %arg3[%dma_start3A_628, %dma_start3A_629] : memref<100000x64xf32, #tpu.memory_space<hbm>> -> memref<100000x64xf32, #tpu.memory_space<hbm>>
    tpu.enqueue_indirect_dma source(%dma_start3A_630 : memref<100000x64xf32, #tpu.memory_space<hbm>>) target(%dma_start3A_624 : memref<128x64xf32, #tpu.memory_space<vmem>>) offsets(%dma_start3A_627 : memref<128xi32, #tpu.memory_space<vmem>>) semaphore(%arg11 : memref<!tpu.dma_semaphore, #tpu.memory_space<semaphore_mem>>)
    %dma_start3A_631 = arith.constant 9 : i32
    %dma_start3A_632 = arith.constant 2 : i32
    %dma_start3A_633 = arith.constant 0 : i32
    %dma_start3A_634 = arith.constant 0 : i32
    %dma_start3A_635 = tpu.memref_slice %arg8[%dma_start3A_632, %dma_start3A_633, %dma_start3A_634] : memref<7x128x64xf32, #tpu.memory_space<vmem>> -> memref<1x128x64xf32, #tpu.memory_space<vmem>>
    %dma_start3A_636 = tpu.memref_squeeze %dma_start3A_635 : memref<1x128x64xf32, #tpu.memory_space<vmem>> -> memref<128x64xf32, #tpu.memory_space<vmem>>
    %dma_start3A_637 = arith.constant 0 : i32
    %dma_start3A_638 = tpu.memref_slice %arg6[%dma_start3A_631, %dma_start3A_637] : memref<14x128xi32, #tpu.memory_space<vmem>> -> memref<1x128xi32, #tpu.memory_space<vmem>>
    %dma_start3A_639 = tpu.memref_squeeze %dma_start3A_638 : memref<1x128xi32, #tpu.memory_space<vmem>> -> memref<128xi32, #tpu.memory_space<vmem>>
    %dma_start3A_640 = arith.constant 0 : i32
    %dma_start3A_641 = arith.constant 0 : i32
    %dma_start3A_642 = tpu.memref_slice %arg4[%dma_start3A_640, %dma_start3A_641] : memref<100000x64xf32, #tpu.memory_space<hbm>> -> memref<100000x64xf32, #tpu.memory_space<hbm>>
    tpu.enqueue_indirect_dma source(%dma_start3A_642 : memref<100000x64xf32, #tpu.memory_space<hbm>>) target(%dma_start3A_636 : memref<128x64xf32, #tpu.memory_space<vmem>>) offsets(%dma_start3A_639 : memref<128xi32, #tpu.memory_space<vmem>>) semaphore(%arg18 : memref<!tpu.dma_semaphore, #tpu.memory_space<semaphore_mem>>)
    %dma_wait3A_643 = arith.constant 6 : i32
    %dma_wait3A_644 = arith.constant 6 : i32
    %dma_wait3A_645 = arith.constant 0 : i32
    %dma_wait3A_646 = arith.constant 0 : i32
    %dma_wait3A_647 = tpu.memref_slice %arg7[%dma_wait3A_644, %dma_wait3A_645, %dma_wait3A_646] : memref<7x128x64xf32, #tpu.memory_space<vmem>> -> memref<1x128x64xf32, #tpu.memory_space<vmem>>
    %dma_wait3A_648 = tpu.memref_squeeze %dma_wait3A_647 : memref<1x128x64xf32, #tpu.memory_space<vmem>> -> memref<128x64xf32, #tpu.memory_space<vmem>>
    %dma_wait3A_649 = arith.constant 0 : i32
    %dma_wait3A_650 = tpu.memref_slice %arg6[%dma_wait3A_643, %dma_wait3A_649] : memref<14x128xi32, #tpu.memory_space<vmem>> -> memref<1x128xi32, #tpu.memory_space<vmem>>
    %dma_wait3A_651 = tpu.memref_squeeze %dma_wait3A_650 : memref<1x128xi32, #tpu.memory_space<vmem>> -> memref<128xi32, #tpu.memory_space<vmem>>
    %dma_wait3A_652 = arith.constant 0 : i32
    %dma_wait3A_653 = arith.constant 0 : i32
    %dma_wait3A_654 = tpu.memref_slice %arg3[%dma_wait3A_652, %dma_wait3A_653] : memref<100000x64xf32, #tpu.memory_space<hbm>> -> memref<100000x64xf32, #tpu.memory_space<hbm>>
    tpu.wait_indirect_dma semaphore(%arg15 : memref<!tpu.dma_semaphore, #tpu.memory_space<semaphore_mem>>) src(%dma_wait3A_654 : memref<100000x64xf32, #tpu.memory_space<hbm>>) dst(%dma_wait3A_648 : memref<128x64xf32, #tpu.memory_space<vmem>>)
    %dma_wait3A_655 = arith.constant 6 : i32
    %dma_wait3A_656 = arith.constant 6 : i32
    %dma_wait3A_657 = arith.constant 0 : i32
    %dma_wait3A_658 = arith.constant 0 : i32
    %dma_wait3A_659 = tpu.memref_slice %arg8[%dma_wait3A_656, %dma_wait3A_657, %dma_wait3A_658] : memref<7x128x64xf32, #tpu.memory_space<vmem>> -> memref<1x128x64xf32, #tpu.memory_space<vmem>>
    %dma_wait3A_660 = tpu.memref_squeeze %dma_wait3A_659 : memref<1x128x64xf32, #tpu.memory_space<vmem>> -> memref<128x64xf32, #tpu.memory_space<vmem>>
    %dma_wait3A_661 = arith.constant 0 : i32
    %dma_wait3A_662 = tpu.memref_slice %arg6[%dma_wait3A_655, %dma_wait3A_661] : memref<14x128xi32, #tpu.memory_space<vmem>> -> memref<1x128xi32, #tpu.memory_space<vmem>>
    %dma_wait3A_663 = tpu.memref_squeeze %dma_wait3A_662 : memref<1x128xi32, #tpu.memory_space<vmem>> -> memref<128xi32, #tpu.memory_space<vmem>>
    %dma_wait3A_664 = arith.constant 0 : i32
    %dma_wait3A_665 = arith.constant 0 : i32
    %dma_wait3A_666 = tpu.memref_slice %arg4[%dma_wait3A_664, %dma_wait3A_665] : memref<100000x64xf32, #tpu.memory_space<hbm>> -> memref<100000x64xf32, #tpu.memory_space<hbm>>
    tpu.wait_indirect_dma semaphore(%arg22 : memref<!tpu.dma_semaphore, #tpu.memory_space<semaphore_mem>>) src(%dma_wait3A_666 : memref<100000x64xf32, #tpu.memory_space<hbm>>) dst(%dma_wait3A_660 : memref<128x64xf32, #tpu.memory_space<vmem>>)
    %add3A_667 = arith.constant 6 : i32
    %add3A_668 = arith.addi %mul3A_2, %add3A_667 : i32
    %mul3A_669 = arith.constant 128 : i32
    %mul3A_670 = arith.muli %add3A_668, %mul3A_669 : i32
    %dma_start3A_671 = arith.constant 6 : i32
    %dma_start3A_672 = arith.constant 0 : i32
    %dma_start3A_673 = arith.constant 0 : i32
    %dma_start3A_674 = tpu.memref_slice %arg7[%dma_start3A_671, %dma_start3A_672, %dma_start3A_673] : memref<7x128x64xf32, #tpu.memory_space<vmem>> -> memref<1x128x64xf32, #tpu.memory_space<vmem>>
    %dma_start3A_675 = tpu.memref_squeeze %dma_start3A_674 : memref<1x128x64xf32, #tpu.memory_space<vmem>> -> memref<128x64xf32, #tpu.memory_space<vmem>>
    %dma_start3A_676 = arith.constant 0 : i32
    %dma_start3A_677 = tpu.memref_slice %arg5[%mul3A_670, %dma_start3A_676] : memref<57344x128xf32, #tpu.memory_space<hbm>> -> memref<128x64xf32, #tpu.memory_space<hbm>>
    %dma_start3A_678 = arith.constant 0 : i32
    %dma_start3A_679 = tpu.memref_slice %arg5[%mul3A_670, %dma_start3A_678] : memref<57344x128xf32, #tpu.memory_space<hbm>> -> memref<128x64xf32, #tpu.memory_space<hbm>>
    %dma_start3A_680 = arith.constant 0 : i32
    %dma_start3A_681 = arith.constant 0 : i32
    %dma_start3A_682 = tpu.memref_slice %arg7[%dma_start3A_671, %dma_start3A_680, %dma_start3A_681] : memref<7x128x64xf32, #tpu.memory_space<vmem>> -> memref<1x128x64xf32, #tpu.memory_space<vmem>>
    %dma_start3A_683 = tpu.memref_squeeze %dma_start3A_682 : memref<1x128x64xf32, #tpu.memory_space<vmem>> -> memref<128x64xf32, #tpu.memory_space<vmem>>
    tpu.enqueue_dma source(%dma_start3A_683 : memref<128x64xf32, #tpu.memory_space<vmem>>) target(%dma_start3A_679 : memref<128x64xf32, #tpu.memory_space<hbm>>) target_semaphore(%arg29 : memref<!tpu.dma_semaphore, #tpu.memory_space<semaphore_mem>>)
    %dma_start3A_684 = arith.constant 6 : i32
    %dma_start3A_685 = arith.constant 0 : i32
    %dma_start3A_686 = arith.constant 0 : i32
    %dma_start3A_687 = tpu.memref_slice %arg8[%dma_start3A_684, %dma_start3A_685, %dma_start3A_686] : memref<7x128x64xf32, #tpu.memory_space<vmem>> -> memref<1x128x64xf32, #tpu.memory_space<vmem>>
    %dma_start3A_688 = tpu.memref_squeeze %dma_start3A_687 : memref<1x128x64xf32, #tpu.memory_space<vmem>> -> memref<128x64xf32, #tpu.memory_space<vmem>>
    %dma_start3A_689 = arith.constant 64 : i32
    %dma_start3A_690 = tpu.memref_slice %arg5[%mul3A_670, %dma_start3A_689] : memref<57344x128xf32, #tpu.memory_space<hbm>> -> memref<128x64xf32, #tpu.memory_space<hbm>>
    %dma_start3A_691 = arith.constant 64 : i32
    %dma_start3A_692 = tpu.memref_slice %arg5[%mul3A_670, %dma_start3A_691] : memref<57344x128xf32, #tpu.memory_space<hbm>> -> memref<128x64xf32, #tpu.memory_space<hbm>>
    %dma_start3A_693 = arith.constant 0 : i32
    %dma_start3A_694 = arith.constant 0 : i32
    %dma_start3A_695 = tpu.memref_slice %arg8[%dma_start3A_684, %dma_start3A_693, %dma_start3A_694] : memref<7x128x64xf32, #tpu.memory_space<vmem>> -> memref<1x128x64xf32, #tpu.memory_space<vmem>>
    %dma_start3A_696 = tpu.memref_squeeze %dma_start3A_695 : memref<1x128x64xf32, #tpu.memory_space<vmem>> -> memref<128x64xf32, #tpu.memory_space<vmem>>
    tpu.enqueue_dma source(%dma_start3A_696 : memref<128x64xf32, #tpu.memory_space<vmem>>) target(%dma_start3A_692 : memref<128x64xf32, #tpu.memory_space<hbm>>) target_semaphore(%arg36 : memref<!tpu.dma_semaphore, #tpu.memory_space<semaphore_mem>>)
    %dma_wait3A_697 = arith.constant 3 : i32
    %dma_wait3A_698 = arith.constant 0 : i32
    %dma_wait3A_699 = arith.constant 0 : i32
    %dma_wait3A_700 = tpu.memref_slice %arg7[%dma_wait3A_697, %dma_wait3A_698, %dma_wait3A_699] : memref<7x128x64xf32, #tpu.memory_space<vmem>> -> memref<1x128x64xf32, #tpu.memory_space<vmem>>
    %dma_wait3A_701 = tpu.memref_squeeze %dma_wait3A_700 : memref<1x128x64xf32, #tpu.memory_space<vmem>> -> memref<128x64xf32, #tpu.memory_space<vmem>>
    %dma_wait3A_702 = arith.constant 0 : i32
    %dma_wait3A_703 = tpu.memref_slice %arg5[%mul3A_358, %dma_wait3A_702] : memref<57344x128xf32, #tpu.memory_space<hbm>> -> memref<128x64xf32, #tpu.memory_space<hbm>>
    %dma_wait3A_704 = arith.constant 0 : i32
    %dma_wait3A_705 = tpu.memref_slice %arg5[%mul3A_358, %dma_wait3A_704] : memref<57344x128xf32, #tpu.memory_space<hbm>> -> memref<128x64xf32, #tpu.memory_space<hbm>>
    %dma_wait3A_706 = arith.constant 0 : i32
    %dma_wait3A_707 = arith.constant 0 : i32
    %dma_wait3A_708 = tpu.memref_slice %arg7[%dma_wait3A_697, %dma_wait3A_706, %dma_wait3A_707] : memref<7x128x64xf32, #tpu.memory_space<vmem>> -> memref<1x128x64xf32, #tpu.memory_space<vmem>>
    %dma_wait3A_709 = tpu.memref_squeeze %dma_wait3A_708 : memref<1x128x64xf32, #tpu.memory_space<vmem>> -> memref<128x64xf32, #tpu.memory_space<vmem>>
    tpu.wait_dma2 semaphore(%arg26 : memref<!tpu.dma_semaphore, #tpu.memory_space<semaphore_mem>>) src(%dma_wait3A_709 : memref<128x64xf32, #tpu.memory_space<vmem>>) dst(%dma_wait3A_705 : memref<128x64xf32, #tpu.memory_space<hbm>>)
    %dma_wait3A_710 = arith.constant 3 : i32
    %dma_wait3A_711 = arith.constant 0 : i32
    %dma_wait3A_712 = arith.constant 0 : i32
    %dma_wait3A_713 = tpu.memref_slice %arg8[%dma_wait3A_710, %dma_wait3A_711, %dma_wait3A_712] : memref<7x128x64xf32, #tpu.memory_space<vmem>> -> memref<1x128x64xf32, #tpu.memory_space<vmem>>
    %dma_wait3A_714 = tpu.memref_squeeze %dma_wait3A_713 : memref<1x128x64xf32, #tpu.memory_space<vmem>> -> memref<128x64xf32, #tpu.memory_space<vmem>>
    %dma_wait3A_715 = arith.constant 64 : i32
    %dma_wait3A_716 = tpu.memref_slice %arg5[%mul3A_358, %dma_wait3A_715] : memref<57344x128xf32, #tpu.memory_space<hbm>> -> memref<128x64xf32, #tpu.memory_space<hbm>>
    %dma_wait3A_717 = arith.constant 64 : i32
    %dma_wait3A_718 = tpu.memref_slice %arg5[%mul3A_358, %dma_wait3A_717] : memref<57344x128xf32, #tpu.memory_space<hbm>> -> memref<128x64xf32, #tpu.memory_space<hbm>>
    %dma_wait3A_719 = arith.constant 0 : i32
    %dma_wait3A_720 = arith.constant 0 : i32
    %dma_wait3A_721 = tpu.memref_slice %arg8[%dma_wait3A_710, %dma_wait3A_719, %dma_wait3A_720] : memref<7x128x64xf32, #tpu.memory_space<vmem>> -> memref<1x128x64xf32, #tpu.memory_space<vmem>>
    %dma_wait3A_722 = tpu.memref_squeeze %dma_wait3A_721 : memref<1x128x64xf32, #tpu.memory_space<vmem>> -> memref<128x64xf32, #tpu.memory_space<vmem>>
    tpu.wait_dma2 semaphore(%arg33 : memref<!tpu.dma_semaphore, #tpu.memory_space<semaphore_mem>>) src(%dma_wait3A_722 : memref<128x64xf32, #tpu.memory_space<vmem>>) dst(%dma_wait3A_718 : memref<128x64xf32, #tpu.memory_space<hbm>>)
    %dma_start3A_723 = arith.constant 10 : i32
    %dma_start3A_724 = arith.constant 3 : i32
    %dma_start3A_725 = arith.constant 0 : i32
    %dma_start3A_726 = arith.constant 0 : i32
    %dma_start3A_727 = tpu.memref_slice %arg7[%dma_start3A_724, %dma_start3A_725, %dma_start3A_726] : memref<7x128x64xf32, #tpu.memory_space<vmem>> -> memref<1x128x64xf32, #tpu.memory_space<vmem>>
    %dma_start3A_728 = tpu.memref_squeeze %dma_start3A_727 : memref<1x128x64xf32, #tpu.memory_space<vmem>> -> memref<128x64xf32, #tpu.memory_space<vmem>>
    %dma_start3A_729 = arith.constant 0 : i32
    %dma_start3A_730 = tpu.memref_slice %arg6[%dma_start3A_723, %dma_start3A_729] : memref<14x128xi32, #tpu.memory_space<vmem>> -> memref<1x128xi32, #tpu.memory_space<vmem>>
    %dma_start3A_731 = tpu.memref_squeeze %dma_start3A_730 : memref<1x128xi32, #tpu.memory_space<vmem>> -> memref<128xi32, #tpu.memory_space<vmem>>
    %dma_start3A_732 = arith.constant 0 : i32
    %dma_start3A_733 = arith.constant 0 : i32
    %dma_start3A_734 = tpu.memref_slice %arg3[%dma_start3A_732, %dma_start3A_733] : memref<100000x64xf32, #tpu.memory_space<hbm>> -> memref<100000x64xf32, #tpu.memory_space<hbm>>
    tpu.enqueue_indirect_dma source(%dma_start3A_734 : memref<100000x64xf32, #tpu.memory_space<hbm>>) target(%dma_start3A_728 : memref<128x64xf32, #tpu.memory_space<vmem>>) offsets(%dma_start3A_731 : memref<128xi32, #tpu.memory_space<vmem>>) semaphore(%arg12 : memref<!tpu.dma_semaphore, #tpu.memory_space<semaphore_mem>>)
    %dma_start3A_735 = arith.constant 10 : i32
    %dma_start3A_736 = arith.constant 3 : i32
    %dma_start3A_737 = arith.constant 0 : i32
    %dma_start3A_738 = arith.constant 0 : i32
    %dma_start3A_739 = tpu.memref_slice %arg8[%dma_start3A_736, %dma_start3A_737, %dma_start3A_738] : memref<7x128x64xf32, #tpu.memory_space<vmem>> -> memref<1x128x64xf32, #tpu.memory_space<vmem>>
    %dma_start3A_740 = tpu.memref_squeeze %dma_start3A_739 : memref<1x128x64xf32, #tpu.memory_space<vmem>> -> memref<128x64xf32, #tpu.memory_space<vmem>>
    %dma_start3A_741 = arith.constant 0 : i32
    %dma_start3A_742 = tpu.memref_slice %arg6[%dma_start3A_735, %dma_start3A_741] : memref<14x128xi32, #tpu.memory_space<vmem>> -> memref<1x128xi32, #tpu.memory_space<vmem>>
    %dma_start3A_743 = tpu.memref_squeeze %dma_start3A_742 : memref<1x128xi32, #tpu.memory_space<vmem>> -> memref<128xi32, #tpu.memory_space<vmem>>
    %dma_start3A_744 = arith.constant 0 : i32
    %dma_start3A_745 = arith.constant 0 : i32
    %dma_start3A_746 = tpu.memref_slice %arg4[%dma_start3A_744, %dma_start3A_745] : memref<100000x64xf32, #tpu.memory_space<hbm>> -> memref<100000x64xf32, #tpu.memory_space<hbm>>
    tpu.enqueue_indirect_dma source(%dma_start3A_746 : memref<100000x64xf32, #tpu.memory_space<hbm>>) target(%dma_start3A_740 : memref<128x64xf32, #tpu.memory_space<vmem>>) offsets(%dma_start3A_743 : memref<128xi32, #tpu.memory_space<vmem>>) semaphore(%arg19 : memref<!tpu.dma_semaphore, #tpu.memory_space<semaphore_mem>>)
    %dma_wait3A_747 = arith.constant 7 : i32
    %dma_wait3A_748 = arith.constant 0 : i32
    %dma_wait3A_749 = arith.constant 0 : i32
    %dma_wait3A_750 = arith.constant 0 : i32
    %dma_wait3A_751 = tpu.memref_slice %arg7[%dma_wait3A_748, %dma_wait3A_749, %dma_wait3A_750] : memref<7x128x64xf32, #tpu.memory_space<vmem>> -> memref<1x128x64xf32, #tpu.memory_space<vmem>>
    %dma_wait3A_752 = tpu.memref_squeeze %dma_wait3A_751 : memref<1x128x64xf32, #tpu.memory_space<vmem>> -> memref<128x64xf32, #tpu.memory_space<vmem>>
    %dma_wait3A_753 = arith.constant 0 : i32
    %dma_wait3A_754 = tpu.memref_slice %arg6[%dma_wait3A_747, %dma_wait3A_753] : memref<14x128xi32, #tpu.memory_space<vmem>> -> memref<1x128xi32, #tpu.memory_space<vmem>>
    %dma_wait3A_755 = tpu.memref_squeeze %dma_wait3A_754 : memref<1x128xi32, #tpu.memory_space<vmem>> -> memref<128xi32, #tpu.memory_space<vmem>>
    %dma_wait3A_756 = arith.constant 0 : i32
    %dma_wait3A_757 = arith.constant 0 : i32
    %dma_wait3A_758 = tpu.memref_slice %arg3[%dma_wait3A_756, %dma_wait3A_757] : memref<100000x64xf32, #tpu.memory_space<hbm>> -> memref<100000x64xf32, #tpu.memory_space<hbm>>
    tpu.wait_indirect_dma semaphore(%arg9 : memref<!tpu.dma_semaphore, #tpu.memory_space<semaphore_mem>>) src(%dma_wait3A_758 : memref<100000x64xf32, #tpu.memory_space<hbm>>) dst(%dma_wait3A_752 : memref<128x64xf32, #tpu.memory_space<vmem>>)
    %dma_wait3A_759 = arith.constant 7 : i32
    %dma_wait3A_760 = arith.constant 0 : i32
    %dma_wait3A_761 = arith.constant 0 : i32
    %dma_wait3A_762 = arith.constant 0 : i32
    %dma_wait3A_763 = tpu.memref_slice %arg8[%dma_wait3A_760, %dma_wait3A_761, %dma_wait3A_762] : memref<7x128x64xf32, #tpu.memory_space<vmem>> -> memref<1x128x64xf32, #tpu.memory_space<vmem>>
    %dma_wait3A_764 = tpu.memref_squeeze %dma_wait3A_763 : memref<1x128x64xf32, #tpu.memory_space<vmem>> -> memref<128x64xf32, #tpu.memory_space<vmem>>
    %dma_wait3A_765 = arith.constant 0 : i32
    %dma_wait3A_766 = tpu.memref_slice %arg6[%dma_wait3A_759, %dma_wait3A_765] : memref<14x128xi32, #tpu.memory_space<vmem>> -> memref<1x128xi32, #tpu.memory_space<vmem>>
    %dma_wait3A_767 = tpu.memref_squeeze %dma_wait3A_766 : memref<1x128xi32, #tpu.memory_space<vmem>> -> memref<128xi32, #tpu.memory_space<vmem>>
    %dma_wait3A_768 = arith.constant 0 : i32
    %dma_wait3A_769 = arith.constant 0 : i32
    %dma_wait3A_770 = tpu.memref_slice %arg4[%dma_wait3A_768, %dma_wait3A_769] : memref<100000x64xf32, #tpu.memory_space<hbm>> -> memref<100000x64xf32, #tpu.memory_space<hbm>>
    tpu.wait_indirect_dma semaphore(%arg16 : memref<!tpu.dma_semaphore, #tpu.memory_space<semaphore_mem>>) src(%dma_wait3A_770 : memref<100000x64xf32, #tpu.memory_space<hbm>>) dst(%dma_wait3A_764 : memref<128x64xf32, #tpu.memory_space<vmem>>)
    %add3A_771 = arith.constant 7 : i32
    %add3A_772 = arith.addi %mul3A_2, %add3A_771 : i32
    %mul3A_773 = arith.constant 128 : i32
    %mul3A_774 = arith.muli %add3A_772, %mul3A_773 : i32
    %dma_start3A_775 = arith.constant 0 : i32
    %dma_start3A_776 = arith.constant 0 : i32
    %dma_start3A_777 = arith.constant 0 : i32
    %dma_start3A_778 = tpu.memref_slice %arg7[%dma_start3A_775, %dma_start3A_776, %dma_start3A_777] : memref<7x128x64xf32, #tpu.memory_space<vmem>> -> memref<1x128x64xf32, #tpu.memory_space<vmem>>
    %dma_start3A_779 = tpu.memref_squeeze %dma_start3A_778 : memref<1x128x64xf32, #tpu.memory_space<vmem>> -> memref<128x64xf32, #tpu.memory_space<vmem>>
    %dma_start3A_780 = arith.constant 0 : i32
    %dma_start3A_781 = tpu.memref_slice %arg5[%mul3A_774, %dma_start3A_780] : memref<57344x128xf32, #tpu.memory_space<hbm>> -> memref<128x64xf32, #tpu.memory_space<hbm>>
    %dma_start3A_782 = arith.constant 0 : i32
    %dma_start3A_783 = tpu.memref_slice %arg5[%mul3A_774, %dma_start3A_782] : memref<57344x128xf32, #tpu.memory_space<hbm>> -> memref<128x64xf32, #tpu.memory_space<hbm>>
    %dma_start3A_784 = arith.constant 0 : i32
    %dma_start3A_785 = arith.constant 0 : i32
    %dma_start3A_786 = tpu.memref_slice %arg7[%dma_start3A_775, %dma_start3A_784, %dma_start3A_785] : memref<7x128x64xf32, #tpu.memory_space<vmem>> -> memref<1x128x64xf32, #tpu.memory_space<vmem>>
    %dma_start3A_787 = tpu.memref_squeeze %dma_start3A_786 : memref<1x128x64xf32, #tpu.memory_space<vmem>> -> memref<128x64xf32, #tpu.memory_space<vmem>>
    tpu.enqueue_dma source(%dma_start3A_787 : memref<128x64xf32, #tpu.memory_space<vmem>>) target(%dma_start3A_783 : memref<128x64xf32, #tpu.memory_space<hbm>>) target_semaphore(%arg23 : memref<!tpu.dma_semaphore, #tpu.memory_space<semaphore_mem>>)
    %dma_start3A_788 = arith.constant 0 : i32
    %dma_start3A_789 = arith.constant 0 : i32
    %dma_start3A_790 = arith.constant 0 : i32
    %dma_start3A_791 = tpu.memref_slice %arg8[%dma_start3A_788, %dma_start3A_789, %dma_start3A_790] : memref<7x128x64xf32, #tpu.memory_space<vmem>> -> memref<1x128x64xf32, #tpu.memory_space<vmem>>
    %dma_start3A_792 = tpu.memref_squeeze %dma_start3A_791 : memref<1x128x64xf32, #tpu.memory_space<vmem>> -> memref<128x64xf32, #tpu.memory_space<vmem>>
    %dma_start3A_793 = arith.constant 64 : i32
    %dma_start3A_794 = tpu.memref_slice %arg5[%mul3A_774, %dma_start3A_793] : memref<57344x128xf32, #tpu.memory_space<hbm>> -> memref<128x64xf32, #tpu.memory_space<hbm>>
    %dma_start3A_795 = arith.constant 64 : i32
    %dma_start3A_796 = tpu.memref_slice %arg5[%mul3A_774, %dma_start3A_795] : memref<57344x128xf32, #tpu.memory_space<hbm>> -> memref<128x64xf32, #tpu.memory_space<hbm>>
    %dma_start3A_797 = arith.constant 0 : i32
    %dma_start3A_798 = arith.constant 0 : i32
    %dma_start3A_799 = tpu.memref_slice %arg8[%dma_start3A_788, %dma_start3A_797, %dma_start3A_798] : memref<7x128x64xf32, #tpu.memory_space<vmem>> -> memref<1x128x64xf32, #tpu.memory_space<vmem>>
    %dma_start3A_800 = tpu.memref_squeeze %dma_start3A_799 : memref<1x128x64xf32, #tpu.memory_space<vmem>> -> memref<128x64xf32, #tpu.memory_space<vmem>>
    tpu.enqueue_dma source(%dma_start3A_800 : memref<128x64xf32, #tpu.memory_space<vmem>>) target(%dma_start3A_796 : memref<128x64xf32, #tpu.memory_space<hbm>>) target_semaphore(%arg30 : memref<!tpu.dma_semaphore, #tpu.memory_space<semaphore_mem>>)
    %dma_wait3A_801 = arith.constant 4 : i32
    %dma_wait3A_802 = arith.constant 0 : i32
    %dma_wait3A_803 = arith.constant 0 : i32
    %dma_wait3A_804 = tpu.memref_slice %arg7[%dma_wait3A_801, %dma_wait3A_802, %dma_wait3A_803] : memref<7x128x64xf32, #tpu.memory_space<vmem>> -> memref<1x128x64xf32, #tpu.memory_space<vmem>>
    %dma_wait3A_805 = tpu.memref_squeeze %dma_wait3A_804 : memref<1x128x64xf32, #tpu.memory_space<vmem>> -> memref<128x64xf32, #tpu.memory_space<vmem>>
    %dma_wait3A_806 = arith.constant 0 : i32
    %dma_wait3A_807 = tpu.memref_slice %arg5[%mul3A_462, %dma_wait3A_806] : memref<57344x128xf32, #tpu.memory_space<hbm>> -> memref<128x64xf32, #tpu.memory_space<hbm>>
    %dma_wait3A_808 = arith.constant 0 : i32
    %dma_wait3A_809 = tpu.memref_slice %arg5[%mul3A_462, %dma_wait3A_808] : memref<57344x128xf32, #tpu.memory_space<hbm>> -> memref<128x64xf32, #tpu.memory_space<hbm>>
    %dma_wait3A_810 = arith.constant 0 : i32
    %dma_wait3A_811 = arith.constant 0 : i32
    %dma_wait3A_812 = tpu.memref_slice %arg7[%dma_wait3A_801, %dma_wait3A_810, %dma_wait3A_811] : memref<7x128x64xf32, #tpu.memory_space<vmem>> -> memref<1x128x64xf32, #tpu.memory_space<vmem>>
    %dma_wait3A_813 = tpu.memref_squeeze %dma_wait3A_812 : memref<1x128x64xf32, #tpu.memory_space<vmem>> -> memref<128x64xf32, #tpu.memory_space<vmem>>
    tpu.wait_dma2 semaphore(%arg27 : memref<!tpu.dma_semaphore, #tpu.memory_space<semaphore_mem>>) src(%dma_wait3A_813 : memref<128x64xf32, #tpu.memory_space<vmem>>) dst(%dma_wait3A_809 : memref<128x64xf32, #tpu.memory_space<hbm>>)
    %dma_wait3A_814 = arith.constant 4 : i32
    %dma_wait3A_815 = arith.constant 0 : i32
    %dma_wait3A_816 = arith.constant 0 : i32
    %dma_wait3A_817 = tpu.memref_slice %arg8[%dma_wait3A_814, %dma_wait3A_815, %dma_wait3A_816] : memref<7x128x64xf32, #tpu.memory_space<vmem>> -> memref<1x128x64xf32, #tpu.memory_space<vmem>>
    %dma_wait3A_818 = tpu.memref_squeeze %dma_wait3A_817 : memref<1x128x64xf32, #tpu.memory_space<vmem>> -> memref<128x64xf32, #tpu.memory_space<vmem>>
    %dma_wait3A_819 = arith.constant 64 : i32
    %dma_wait3A_820 = tpu.memref_slice %arg5[%mul3A_462, %dma_wait3A_819] : memref<57344x128xf32, #tpu.memory_space<hbm>> -> memref<128x64xf32, #tpu.memory_space<hbm>>
    %dma_wait3A_821 = arith.constant 64 : i32
    %dma_wait3A_822 = tpu.memref_slice %arg5[%mul3A_462, %dma_wait3A_821] : memref<57344x128xf32, #tpu.memory_space<hbm>> -> memref<128x64xf32, #tpu.memory_space<hbm>>
    %dma_wait3A_823 = arith.constant 0 : i32
    %dma_wait3A_824 = arith.constant 0 : i32
    %dma_wait3A_825 = tpu.memref_slice %arg8[%dma_wait3A_814, %dma_wait3A_823, %dma_wait3A_824] : memref<7x128x64xf32, #tpu.memory_space<vmem>> -> memref<1x128x64xf32, #tpu.memory_space<vmem>>
    %dma_wait3A_826 = tpu.memref_squeeze %dma_wait3A_825 : memref<1x128x64xf32, #tpu.memory_space<vmem>> -> memref<128x64xf32, #tpu.memory_space<vmem>>
    tpu.wait_dma2 semaphore(%arg34 : memref<!tpu.dma_semaphore, #tpu.memory_space<semaphore_mem>>) src(%dma_wait3A_826 : memref<128x64xf32, #tpu.memory_space<vmem>>) dst(%dma_wait3A_822 : memref<128x64xf32, #tpu.memory_space<hbm>>)
    %dma_start3A_827 = arith.constant 11 : i32
    %dma_start3A_828 = arith.constant 4 : i32
    %dma_start3A_829 = arith.constant 0 : i32
    %dma_start3A_830 = arith.constant 0 : i32
    %dma_start3A_831 = tpu.memref_slice %arg7[%dma_start3A_828, %dma_start3A_829, %dma_start3A_830] : memref<7x128x64xf32, #tpu.memory_space<vmem>> -> memref<1x128x64xf32, #tpu.memory_space<vmem>>
    %dma_start3A_832 = tpu.memref_squeeze %dma_start3A_831 : memref<1x128x64xf32, #tpu.memory_space<vmem>> -> memref<128x64xf32, #tpu.memory_space<vmem>>
    %dma_start3A_833 = arith.constant 0 : i32
    %dma_start3A_834 = tpu.memref_slice %arg6[%dma_start3A_827, %dma_start3A_833] : memref<14x128xi32, #tpu.memory_space<vmem>> -> memref<1x128xi32, #tpu.memory_space<vmem>>
    %dma_start3A_835 = tpu.memref_squeeze %dma_start3A_834 : memref<1x128xi32, #tpu.memory_space<vmem>> -> memref<128xi32, #tpu.memory_space<vmem>>
    %dma_start3A_836 = arith.constant 0 : i32
    %dma_start3A_837 = arith.constant 0 : i32
    %dma_start3A_838 = tpu.memref_slice %arg3[%dma_start3A_836, %dma_start3A_837] : memref<100000x64xf32, #tpu.memory_space<hbm>> -> memref<100000x64xf32, #tpu.memory_space<hbm>>
    tpu.enqueue_indirect_dma source(%dma_start3A_838 : memref<100000x64xf32, #tpu.memory_space<hbm>>) target(%dma_start3A_832 : memref<128x64xf32, #tpu.memory_space<vmem>>) offsets(%dma_start3A_835 : memref<128xi32, #tpu.memory_space<vmem>>) semaphore(%arg13 : memref<!tpu.dma_semaphore, #tpu.memory_space<semaphore_mem>>)
    %dma_start3A_839 = arith.constant 11 : i32
    %dma_start3A_840 = arith.constant 4 : i32
    %dma_start3A_841 = arith.constant 0 : i32
    %dma_start3A_842 = arith.constant 0 : i32
    %dma_start3A_843 = tpu.memref_slice %arg8[%dma_start3A_840, %dma_start3A_841, %dma_start3A_842] : memref<7x128x64xf32, #tpu.memory_space<vmem>> -> memref<1x128x64xf32, #tpu.memory_space<vmem>>
    %dma_start3A_844 = tpu.memref_squeeze %dma_start3A_843 : memref<1x128x64xf32, #tpu.memory_space<vmem>> -> memref<128x64xf32, #tpu.memory_space<vmem>>
    %dma_start3A_845 = arith.constant 0 : i32
    %dma_start3A_846 = tpu.memref_slice %arg6[%dma_start3A_839, %dma_start3A_845] : memref<14x128xi32, #tpu.memory_space<vmem>> -> memref<1x128xi32, #tpu.memory_space<vmem>>
    %dma_start3A_847 = tpu.memref_squeeze %dma_start3A_846 : memref<1x128xi32, #tpu.memory_space<vmem>> -> memref<128xi32, #tpu.memory_space<vmem>>
    %dma_start3A_848 = arith.constant 0 : i32
    %dma_start3A_849 = arith.constant 0 : i32
    %dma_start3A_850 = tpu.memref_slice %arg4[%dma_start3A_848, %dma_start3A_849] : memref<100000x64xf32, #tpu.memory_space<hbm>> -> memref<100000x64xf32, #tpu.memory_space<hbm>>
    tpu.enqueue_indirect_dma source(%dma_start3A_850 : memref<100000x64xf32, #tpu.memory_space<hbm>>) target(%dma_start3A_844 : memref<128x64xf32, #tpu.memory_space<vmem>>) offsets(%dma_start3A_847 : memref<128xi32, #tpu.memory_space<vmem>>) semaphore(%arg20 : memref<!tpu.dma_semaphore, #tpu.memory_space<semaphore_mem>>)
    %dma_wait3A_851 = arith.constant 8 : i32
    %dma_wait3A_852 = arith.constant 1 : i32
    %dma_wait3A_853 = arith.constant 0 : i32
    %dma_wait3A_854 = arith.constant 0 : i32
    %dma_wait3A_855 = tpu.memref_slice %arg7[%dma_wait3A_852, %dma_wait3A_853, %dma_wait3A_854] : memref<7x128x64xf32, #tpu.memory_space<vmem>> -> memref<1x128x64xf32, #tpu.memory_space<vmem>>
    %dma_wait3A_856 = tpu.memref_squeeze %dma_wait3A_855 : memref<1x128x64xf32, #tpu.memory_space<vmem>> -> memref<128x64xf32, #tpu.memory_space<vmem>>
    %dma_wait3A_857 = arith.constant 0 : i32
    %dma_wait3A_858 = tpu.memref_slice %arg6[%dma_wait3A_851, %dma_wait3A_857] : memref<14x128xi32, #tpu.memory_space<vmem>> -> memref<1x128xi32, #tpu.memory_space<vmem>>
    %dma_wait3A_859 = tpu.memref_squeeze %dma_wait3A_858 : memref<1x128xi32, #tpu.memory_space<vmem>> -> memref<128xi32, #tpu.memory_space<vmem>>
    %dma_wait3A_860 = arith.constant 0 : i32
    %dma_wait3A_861 = arith.constant 0 : i32
    %dma_wait3A_862 = tpu.memref_slice %arg3[%dma_wait3A_860, %dma_wait3A_861] : memref<100000x64xf32, #tpu.memory_space<hbm>> -> memref<100000x64xf32, #tpu.memory_space<hbm>>
    tpu.wait_indirect_dma semaphore(%arg10 : memref<!tpu.dma_semaphore, #tpu.memory_space<semaphore_mem>>) src(%dma_wait3A_862 : memref<100000x64xf32, #tpu.memory_space<hbm>>) dst(%dma_wait3A_856 : memref<128x64xf32, #tpu.memory_space<vmem>>)
    %dma_wait3A_863 = arith.constant 8 : i32
    %dma_wait3A_864 = arith.constant 1 : i32
    %dma_wait3A_865 = arith.constant 0 : i32
    %dma_wait3A_866 = arith.constant 0 : i32
    %dma_wait3A_867 = tpu.memref_slice %arg8[%dma_wait3A_864, %dma_wait3A_865, %dma_wait3A_866] : memref<7x128x64xf32, #tpu.memory_space<vmem>> -> memref<1x128x64xf32, #tpu.memory_space<vmem>>
    %dma_wait3A_868 = tpu.memref_squeeze %dma_wait3A_867 : memref<1x128x64xf32, #tpu.memory_space<vmem>> -> memref<128x64xf32, #tpu.memory_space<vmem>>
    %dma_wait3A_869 = arith.constant 0 : i32
    %dma_wait3A_870 = tpu.memref_slice %arg6[%dma_wait3A_863, %dma_wait3A_869] : memref<14x128xi32, #tpu.memory_space<vmem>> -> memref<1x128xi32, #tpu.memory_space<vmem>>
    %dma_wait3A_871 = tpu.memref_squeeze %dma_wait3A_870 : memref<1x128xi32, #tpu.memory_space<vmem>> -> memref<128xi32, #tpu.memory_space<vmem>>
    %dma_wait3A_872 = arith.constant 0 : i32
    %dma_wait3A_873 = arith.constant 0 : i32
    %dma_wait3A_874 = tpu.memref_slice %arg4[%dma_wait3A_872, %dma_wait3A_873] : memref<100000x64xf32, #tpu.memory_space<hbm>> -> memref<100000x64xf32, #tpu.memory_space<hbm>>
    tpu.wait_indirect_dma semaphore(%arg17 : memref<!tpu.dma_semaphore, #tpu.memory_space<semaphore_mem>>) src(%dma_wait3A_874 : memref<100000x64xf32, #tpu.memory_space<hbm>>) dst(%dma_wait3A_868 : memref<128x64xf32, #tpu.memory_space<vmem>>)
    %add3A_875 = arith.constant 8 : i32
    %add3A_876 = arith.addi %mul3A_2, %add3A_875 : i32
    %mul3A_877 = arith.constant 128 : i32
    %mul3A_878 = arith.muli %add3A_876, %mul3A_877 : i32
    %dma_start3A_879 = arith.constant 1 : i32
    %dma_start3A_880 = arith.constant 0 : i32
    %dma_start3A_881 = arith.constant 0 : i32
    %dma_start3A_882 = tpu.memref_slice %arg7[%dma_start3A_879, %dma_start3A_880, %dma_start3A_881] : memref<7x128x64xf32, #tpu.memory_space<vmem>> -> memref<1x128x64xf32, #tpu.memory_space<vmem>>
    %dma_start3A_883 = tpu.memref_squeeze %dma_start3A_882 : memref<1x128x64xf32, #tpu.memory_space<vmem>> -> memref<128x64xf32, #tpu.memory_space<vmem>>
    %dma_start3A_884 = arith.constant 0 : i32
    %dma_start3A_885 = tpu.memref_slice %arg5[%mul3A_878, %dma_start3A_884] : memref<57344x128xf32, #tpu.memory_space<hbm>> -> memref<128x64xf32, #tpu.memory_space<hbm>>
    %dma_start3A_886 = arith.constant 0 : i32
    %dma_start3A_887 = tpu.memref_slice %arg5[%mul3A_878, %dma_start3A_886] : memref<57344x128xf32, #tpu.memory_space<hbm>> -> memref<128x64xf32, #tpu.memory_space<hbm>>
    %dma_start3A_888 = arith.constant 0 : i32
    %dma_start3A_889 = arith.constant 0 : i32
    %dma_start3A_890 = tpu.memref_slice %arg7[%dma_start3A_879, %dma_start3A_888, %dma_start3A_889] : memref<7x128x64xf32, #tpu.memory_space<vmem>> -> memref<1x128x64xf32, #tpu.memory_space<vmem>>
    %dma_start3A_891 = tpu.memref_squeeze %dma_start3A_890 : memref<1x128x64xf32, #tpu.memory_space<vmem>> -> memref<128x64xf32, #tpu.memory_space<vmem>>
    tpu.enqueue_dma source(%dma_start3A_891 : memref<128x64xf32, #tpu.memory_space<vmem>>) target(%dma_start3A_887 : memref<128x64xf32, #tpu.memory_space<hbm>>) target_semaphore(%arg24 : memref<!tpu.dma_semaphore, #tpu.memory_space<semaphore_mem>>)
    %dma_start3A_892 = arith.constant 1 : i32
    %dma_start3A_893 = arith.constant 0 : i32
    %dma_start3A_894 = arith.constant 0 : i32
    %dma_start3A_895 = tpu.memref_slice %arg8[%dma_start3A_892, %dma_start3A_893, %dma_start3A_894] : memref<7x128x64xf32, #tpu.memory_space<vmem>> -> memref<1x128x64xf32, #tpu.memory_space<vmem>>
    %dma_start3A_896 = tpu.memref_squeeze %dma_start3A_895 : memref<1x128x64xf32, #tpu.memory_space<vmem>> -> memref<128x64xf32, #tpu.memory_space<vmem>>
    %dma_start3A_897 = arith.constant 64 : i32
    %dma_start3A_898 = tpu.memref_slice %arg5[%mul3A_878, %dma_start3A_897] : memref<57344x128xf32, #tpu.memory_space<hbm>> -> memref<128x64xf32, #tpu.memory_space<hbm>>
    %dma_start3A_899 = arith.constant 64 : i32
    %dma_start3A_900 = tpu.memref_slice %arg5[%mul3A_878, %dma_start3A_899] : memref<57344x128xf32, #tpu.memory_space<hbm>> -> memref<128x64xf32, #tpu.memory_space<hbm>>
    %dma_start3A_901 = arith.constant 0 : i32
    %dma_start3A_902 = arith.constant 0 : i32
    %dma_start3A_903 = tpu.memref_slice %arg8[%dma_start3A_892, %dma_start3A_901, %dma_start3A_902] : memref<7x128x64xf32, #tpu.memory_space<vmem>> -> memref<1x128x64xf32, #tpu.memory_space<vmem>>
    %dma_start3A_904 = tpu.memref_squeeze %dma_start3A_903 : memref<1x128x64xf32, #tpu.memory_space<vmem>> -> memref<128x64xf32, #tpu.memory_space<vmem>>
    tpu.enqueue_dma source(%dma_start3A_904 : memref<128x64xf32, #tpu.memory_space<vmem>>) target(%dma_start3A_900 : memref<128x64xf32, #tpu.memory_space<hbm>>) target_semaphore(%arg31 : memref<!tpu.dma_semaphore, #tpu.memory_space<semaphore_mem>>)
    %dma_wait3A_905 = arith.constant 5 : i32
    %dma_wait3A_906 = arith.constant 0 : i32
    %dma_wait3A_907 = arith.constant 0 : i32
    %dma_wait3A_908 = tpu.memref_slice %arg7[%dma_wait3A_905, %dma_wait3A_906, %dma_wait3A_907] : memref<7x128x64xf32, #tpu.memory_space<vmem>> -> memref<1x128x64xf32, #tpu.memory_space<vmem>>
    %dma_wait3A_909 = tpu.memref_squeeze %dma_wait3A_908 : memref<1x128x64xf32, #tpu.memory_space<vmem>> -> memref<128x64xf32, #tpu.memory_space<vmem>>
    %dma_wait3A_910 = arith.constant 0 : i32
    %dma_wait3A_911 = tpu.memref_slice %arg5[%mul3A_566, %dma_wait3A_910] : memref<57344x128xf32, #tpu.memory_space<hbm>> -> memref<128x64xf32, #tpu.memory_space<hbm>>
    %dma_wait3A_912 = arith.constant 0 : i32
    %dma_wait3A_913 = tpu.memref_slice %arg5[%mul3A_566, %dma_wait3A_912] : memref<57344x128xf32, #tpu.memory_space<hbm>> -> memref<128x64xf32, #tpu.memory_space<hbm>>
    %dma_wait3A_914 = arith.constant 0 : i32
    %dma_wait3A_915 = arith.constant 0 : i32
    %dma_wait3A_916 = tpu.memref_slice %arg7[%dma_wait3A_905, %dma_wait3A_914, %dma_wait3A_915] : memref<7x128x64xf32, #tpu.memory_space<vmem>> -> memref<1x128x64xf32, #tpu.memory_space<vmem>>
    %dma_wait3A_917 = tpu.memref_squeeze %dma_wait3A_916 : memref<1x128x64xf32, #tpu.memory_space<vmem>> -> memref<128x64xf32, #tpu.memory_space<vmem>>
    tpu.wait_dma2 semaphore(%arg28 : memref<!tpu.dma_semaphore, #tpu.memory_space<semaphore_mem>>) src(%dma_wait3A_917 : memref<128x64xf32, #tpu.memory_space<vmem>>) dst(%dma_wait3A_913 : memref<128x64xf32, #tpu.memory_space<hbm>>)
    %dma_wait3A_918 = arith.constant 5 : i32
    %dma_wait3A_919 = arith.constant 0 : i32
    %dma_wait3A_920 = arith.constant 0 : i32
    %dma_wait3A_921 = tpu.memref_slice %arg8[%dma_wait3A_918, %dma_wait3A_919, %dma_wait3A_920] : memref<7x128x64xf32, #tpu.memory_space<vmem>> -> memref<1x128x64xf32, #tpu.memory_space<vmem>>
    %dma_wait3A_922 = tpu.memref_squeeze %dma_wait3A_921 : memref<1x128x64xf32, #tpu.memory_space<vmem>> -> memref<128x64xf32, #tpu.memory_space<vmem>>
    %dma_wait3A_923 = arith.constant 64 : i32
    %dma_wait3A_924 = tpu.memref_slice %arg5[%mul3A_566, %dma_wait3A_923] : memref<57344x128xf32, #tpu.memory_space<hbm>> -> memref<128x64xf32, #tpu.memory_space<hbm>>
    %dma_wait3A_925 = arith.constant 64 : i32
    %dma_wait3A_926 = tpu.memref_slice %arg5[%mul3A_566, %dma_wait3A_925] : memref<57344x128xf32, #tpu.memory_space<hbm>> -> memref<128x64xf32, #tpu.memory_space<hbm>>
    %dma_wait3A_927 = arith.constant 0 : i32
    %dma_wait3A_928 = arith.constant 0 : i32
    %dma_wait3A_929 = tpu.memref_slice %arg8[%dma_wait3A_918, %dma_wait3A_927, %dma_wait3A_928] : memref<7x128x64xf32, #tpu.memory_space<vmem>> -> memref<1x128x64xf32, #tpu.memory_space<vmem>>
    %dma_wait3A_930 = tpu.memref_squeeze %dma_wait3A_929 : memref<1x128x64xf32, #tpu.memory_space<vmem>> -> memref<128x64xf32, #tpu.memory_space<vmem>>
    tpu.wait_dma2 semaphore(%arg35 : memref<!tpu.dma_semaphore, #tpu.memory_space<semaphore_mem>>) src(%dma_wait3A_930 : memref<128x64xf32, #tpu.memory_space<vmem>>) dst(%dma_wait3A_926 : memref<128x64xf32, #tpu.memory_space<hbm>>)
    %dma_start3A_931 = arith.constant 12 : i32
    %dma_start3A_932 = arith.constant 5 : i32
    %dma_start3A_933 = arith.constant 0 : i32
    %dma_start3A_934 = arith.constant 0 : i32
    %dma_start3A_935 = tpu.memref_slice %arg7[%dma_start3A_932, %dma_start3A_933, %dma_start3A_934] : memref<7x128x64xf32, #tpu.memory_space<vmem>> -> memref<1x128x64xf32, #tpu.memory_space<vmem>>
    %dma_start3A_936 = tpu.memref_squeeze %dma_start3A_935 : memref<1x128x64xf32, #tpu.memory_space<vmem>> -> memref<128x64xf32, #tpu.memory_space<vmem>>
    %dma_start3A_937 = arith.constant 0 : i32
    %dma_start3A_938 = tpu.memref_slice %arg6[%dma_start3A_931, %dma_start3A_937] : memref<14x128xi32, #tpu.memory_space<vmem>> -> memref<1x128xi32, #tpu.memory_space<vmem>>
    %dma_start3A_939 = tpu.memref_squeeze %dma_start3A_938 : memref<1x128xi32, #tpu.memory_space<vmem>> -> memref<128xi32, #tpu.memory_space<vmem>>
    %dma_start3A_940 = arith.constant 0 : i32
    %dma_start3A_941 = arith.constant 0 : i32
    %dma_start3A_942 = tpu.memref_slice %arg3[%dma_start3A_940, %dma_start3A_941] : memref<100000x64xf32, #tpu.memory_space<hbm>> -> memref<100000x64xf32, #tpu.memory_space<hbm>>
    tpu.enqueue_indirect_dma source(%dma_start3A_942 : memref<100000x64xf32, #tpu.memory_space<hbm>>) target(%dma_start3A_936 : memref<128x64xf32, #tpu.memory_space<vmem>>) offsets(%dma_start3A_939 : memref<128xi32, #tpu.memory_space<vmem>>) semaphore(%arg14 : memref<!tpu.dma_semaphore, #tpu.memory_space<semaphore_mem>>)
    %dma_start3A_943 = arith.constant 12 : i32
    %dma_start3A_944 = arith.constant 5 : i32
    %dma_start3A_945 = arith.constant 0 : i32
    %dma_start3A_946 = arith.constant 0 : i32
    %dma_start3A_947 = tpu.memref_slice %arg8[%dma_start3A_944, %dma_start3A_945, %dma_start3A_946] : memref<7x128x64xf32, #tpu.memory_space<vmem>> -> memref<1x128x64xf32, #tpu.memory_space<vmem>>
    %dma_start3A_948 = tpu.memref_squeeze %dma_start3A_947 : memref<1x128x64xf32, #tpu.memory_space<vmem>> -> memref<128x64xf32, #tpu.memory_space<vmem>>
    %dma_start3A_949 = arith.constant 0 : i32
    %dma_start3A_950 = tpu.memref_slice %arg6[%dma_start3A_943, %dma_start3A_949] : memref<14x128xi32, #tpu.memory_space<vmem>> -> memref<1x128xi32, #tpu.memory_space<vmem>>
    %dma_start3A_951 = tpu.memref_squeeze %dma_start3A_950 : memref<1x128xi32, #tpu.memory_space<vmem>> -> memref<128xi32, #tpu.memory_space<vmem>>
    %dma_start3A_952 = arith.constant 0 : i32
    %dma_start3A_953 = arith.constant 0 : i32
    %dma_start3A_954 = tpu.memref_slice %arg4[%dma_start3A_952, %dma_start3A_953] : memref<100000x64xf32, #tpu.memory_space<hbm>> -> memref<100000x64xf32, #tpu.memory_space<hbm>>
    tpu.enqueue_indirect_dma source(%dma_start3A_954 : memref<100000x64xf32, #tpu.memory_space<hbm>>) target(%dma_start3A_948 : memref<128x64xf32, #tpu.memory_space<vmem>>) offsets(%dma_start3A_951 : memref<128xi32, #tpu.memory_space<vmem>>) semaphore(%arg21 : memref<!tpu.dma_semaphore, #tpu.memory_space<semaphore_mem>>)
    %dma_wait3A_955 = arith.constant 9 : i32
    %dma_wait3A_956 = arith.constant 2 : i32
    %dma_wait3A_957 = arith.constant 0 : i32
    %dma_wait3A_958 = arith.constant 0 : i32
    %dma_wait3A_959 = tpu.memref_slice %arg7[%dma_wait3A_956, %dma_wait3A_957, %dma_wait3A_958] : memref<7x128x64xf32, #tpu.memory_space<vmem>> -> memref<1x128x64xf32, #tpu.memory_space<vmem>>
    %dma_wait3A_960 = tpu.memref_squeeze %dma_wait3A_959 : memref<1x128x64xf32, #tpu.memory_space<vmem>> -> memref<128x64xf32, #tpu.memory_space<vmem>>
    %dma_wait3A_961 = arith.constant 0 : i32
    %dma_wait3A_962 = tpu.memref_slice %arg6[%dma_wait3A_955, %dma_wait3A_961] : memref<14x128xi32, #tpu.memory_space<vmem>> -> memref<1x128xi32, #tpu.memory_space<vmem>>
    %dma_wait3A_963 = tpu.memref_squeeze %dma_wait3A_962 : memref<1x128xi32, #tpu.memory_space<vmem>> -> memref<128xi32, #tpu.memory_space<vmem>>
    %dma_wait3A_964 = arith.constant 0 : i32
    %dma_wait3A_965 = arith.constant 0 : i32
    %dma_wait3A_966 = tpu.memref_slice %arg3[%dma_wait3A_964, %dma_wait3A_965] : memref<100000x64xf32, #tpu.memory_space<hbm>> -> memref<100000x64xf32, #tpu.memory_space<hbm>>
    tpu.wait_indirect_dma semaphore(%arg11 : memref<!tpu.dma_semaphore, #tpu.memory_space<semaphore_mem>>) src(%dma_wait3A_966 : memref<100000x64xf32, #tpu.memory_space<hbm>>) dst(%dma_wait3A_960 : memref<128x64xf32, #tpu.memory_space<vmem>>)
    %dma_wait3A_967 = arith.constant 9 : i32
    %dma_wait3A_968 = arith.constant 2 : i32
    %dma_wait3A_969 = arith.constant 0 : i32
    %dma_wait3A_970 = arith.constant 0 : i32
    %dma_wait3A_971 = tpu.memref_slice %arg8[%dma_wait3A_968, %dma_wait3A_969, %dma_wait3A_970] : memref<7x128x64xf32, #tpu.memory_space<vmem>> -> memref<1x128x64xf32, #tpu.memory_space<vmem>>
    %dma_wait3A_972 = tpu.memref_squeeze %dma_wait3A_971 : memref<1x128x64xf32, #tpu.memory_space<vmem>> -> memref<128x64xf32, #tpu.memory_space<vmem>>
    %dma_wait3A_973 = arith.constant 0 : i32
    %dma_wait3A_974 = tpu.memref_slice %arg6[%dma_wait3A_967, %dma_wait3A_973] : memref<14x128xi32, #tpu.memory_space<vmem>> -> memref<1x128xi32, #tpu.memory_space<vmem>>
    %dma_wait3A_975 = tpu.memref_squeeze %dma_wait3A_974 : memref<1x128xi32, #tpu.memory_space<vmem>> -> memref<128xi32, #tpu.memory_space<vmem>>
    %dma_wait3A_976 = arith.constant 0 : i32
    %dma_wait3A_977 = arith.constant 0 : i32
    %dma_wait3A_978 = tpu.memref_slice %arg4[%dma_wait3A_976, %dma_wait3A_977] : memref<100000x64xf32, #tpu.memory_space<hbm>> -> memref<100000x64xf32, #tpu.memory_space<hbm>>
    tpu.wait_indirect_dma semaphore(%arg18 : memref<!tpu.dma_semaphore, #tpu.memory_space<semaphore_mem>>) src(%dma_wait3A_978 : memref<100000x64xf32, #tpu.memory_space<hbm>>) dst(%dma_wait3A_972 : memref<128x64xf32, #tpu.memory_space<vmem>>)
    %add3A_979 = arith.constant 9 : i32
    %add3A_980 = arith.addi %mul3A_2, %add3A_979 : i32
    %mul3A_981 = arith.constant 128 : i32
    %mul3A_982 = arith.muli %add3A_980, %mul3A_981 : i32
    %dma_start3A_983 = arith.constant 2 : i32
    %dma_start3A_984 = arith.constant 0 : i32
    %dma_start3A_985 = arith.constant 0 : i32
    %dma_start3A_986 = tpu.memref_slice %arg7[%dma_start3A_983, %dma_start3A_984, %dma_start3A_985] : memref<7x128x64xf32, #tpu.memory_space<vmem>> -> memref<1x128x64xf32, #tpu.memory_space<vmem>>
    %dma_start3A_987 = tpu.memref_squeeze %dma_start3A_986 : memref<1x128x64xf32, #tpu.memory_space<vmem>> -> memref<128x64xf32, #tpu.memory_space<vmem>>
    %dma_start3A_988 = arith.constant 0 : i32
    %dma_start3A_989 = tpu.memref_slice %arg5[%mul3A_982, %dma_start3A_988] : memref<57344x128xf32, #tpu.memory_space<hbm>> -> memref<128x64xf32, #tpu.memory_space<hbm>>
    %dma_start3A_990 = arith.constant 0 : i32
    %dma_start3A_991 = tpu.memref_slice %arg5[%mul3A_982, %dma_start3A_990] : memref<57344x128xf32, #tpu.memory_space<hbm>> -> memref<128x64xf32, #tpu.memory_space<hbm>>
    %dma_start3A_992 = arith.constant 0 : i32
    %dma_start3A_993 = arith.constant 0 : i32
    %dma_start3A_994 = tpu.memref_slice %arg7[%dma_start3A_983, %dma_start3A_992, %dma_start3A_993] : memref<7x128x64xf32, #tpu.memory_space<vmem>> -> memref<1x128x64xf32, #tpu.memory_space<vmem>>
    %dma_start3A_995 = tpu.memref_squeeze %dma_start3A_994 : memref<1x128x64xf32, #tpu.memory_space<vmem>> -> memref<128x64xf32, #tpu.memory_space<vmem>>
    tpu.enqueue_dma source(%dma_start3A_995 : memref<128x64xf32, #tpu.memory_space<vmem>>) target(%dma_start3A_991 : memref<128x64xf32, #tpu.memory_space<hbm>>) target_semaphore(%arg25 : memref<!tpu.dma_semaphore, #tpu.memory_space<semaphore_mem>>)
    %dma_start3A_996 = arith.constant 2 : i32
    %dma_start3A_997 = arith.constant 0 : i32
    %dma_start3A_998 = arith.constant 0 : i32
    %dma_start3A_999 = tpu.memref_slice %arg8[%dma_start3A_996, %dma_start3A_997, %dma_start3A_998] : memref<7x128x64xf32, #tpu.memory_space<vmem>> -> memref<1x128x64xf32, #tpu.memory_space<vmem>>
    %dma_start3A_1000 = tpu.memref_squeeze %dma_start3A_999 : memref<1x128x64xf32, #tpu.memory_space<vmem>> -> memref<128x64xf32, #tpu.memory_space<vmem>>
    %dma_start3A_1001 = arith.constant 64 : i32
    %dma_start3A_1002 = tpu.memref_slice %arg5[%mul3A_982, %dma_start3A_1001] : memref<57344x128xf32, #tpu.memory_space<hbm>> -> memref<128x64xf32, #tpu.memory_space<hbm>>
    %dma_start3A_1003 = arith.constant 64 : i32
    %dma_start3A_1004 = tpu.memref_slice %arg5[%mul3A_982, %dma_start3A_1003] : memref<57344x128xf32, #tpu.memory_space<hbm>> -> memref<128x64xf32, #tpu.memory_space<hbm>>
    %dma_start3A_1005 = arith.constant 0 : i32
    %dma_start3A_1006 = arith.constant 0 : i32
    %dma_start3A_1007 = tpu.memref_slice %arg8[%dma_start3A_996, %dma_start3A_1005, %dma_start3A_1006] : memref<7x128x64xf32, #tpu.memory_space<vmem>> -> memref<1x128x64xf32, #tpu.memory_space<vmem>>
    %dma_start3A_1008 = tpu.memref_squeeze %dma_start3A_1007 : memref<1x128x64xf32, #tpu.memory_space<vmem>> -> memref<128x64xf32, #tpu.memory_space<vmem>>
    tpu.enqueue_dma source(%dma_start3A_1008 : memref<128x64xf32, #tpu.memory_space<vmem>>) target(%dma_start3A_1004 : memref<128x64xf32, #tpu.memory_space<hbm>>) target_semaphore(%arg32 : memref<!tpu.dma_semaphore, #tpu.memory_space<semaphore_mem>>)
    %dma_wait3A_1009 = arith.constant 6 : i32
    %dma_wait3A_1010 = arith.constant 0 : i32
    %dma_wait3A_1011 = arith.constant 0 : i32
    %dma_wait3A_1012 = tpu.memref_slice %arg7[%dma_wait3A_1009, %dma_wait3A_1010, %dma_wait3A_1011] : memref<7x128x64xf32, #tpu.memory_space<vmem>> -> memref<1x128x64xf32, #tpu.memory_space<vmem>>
    %dma_wait3A_1013 = tpu.memref_squeeze %dma_wait3A_1012 : memref<1x128x64xf32, #tpu.memory_space<vmem>> -> memref<128x64xf32, #tpu.memory_space<vmem>>
    %dma_wait3A_1014 = arith.constant 0 : i32
    %dma_wait3A_1015 = tpu.memref_slice %arg5[%mul3A_670, %dma_wait3A_1014] : memref<57344x128xf32, #tpu.memory_space<hbm>> -> memref<128x64xf32, #tpu.memory_space<hbm>>
    %dma_wait3A_1016 = arith.constant 0 : i32
    %dma_wait3A_1017 = tpu.memref_slice %arg5[%mul3A_670, %dma_wait3A_1016] : memref<57344x128xf32, #tpu.memory_space<hbm>> -> memref<128x64xf32, #tpu.memory_space<hbm>>
    %dma_wait3A_1018 = arith.constant 0 : i32
    %dma_wait3A_1019 = arith.constant 0 : i32
    %dma_wait3A_1020 = tpu.memref_slice %arg7[%dma_wait3A_1009, %dma_wait3A_1018, %dma_wait3A_1019] : memref<7x128x64xf32, #tpu.memory_space<vmem>> -> memref<1x128x64xf32, #tpu.memory_space<vmem>>
    %dma_wait3A_1021 = tpu.memref_squeeze %dma_wait3A_1020 : memref<1x128x64xf32, #tpu.memory_space<vmem>> -> memref<128x64xf32, #tpu.memory_space<vmem>>
    tpu.wait_dma2 semaphore(%arg29 : memref<!tpu.dma_semaphore, #tpu.memory_space<semaphore_mem>>) src(%dma_wait3A_1021 : memref<128x64xf32, #tpu.memory_space<vmem>>) dst(%dma_wait3A_1017 : memref<128x64xf32, #tpu.memory_space<hbm>>)
    %dma_wait3A_1022 = arith.constant 6 : i32
    %dma_wait3A_1023 = arith.constant 0 : i32
    %dma_wait3A_1024 = arith.constant 0 : i32
    %dma_wait3A_1025 = tpu.memref_slice %arg8[%dma_wait3A_1022, %dma_wait3A_1023, %dma_wait3A_1024] : memref<7x128x64xf32, #tpu.memory_space<vmem>> -> memref<1x128x64xf32, #tpu.memory_space<vmem>>
    %dma_wait3A_1026 = tpu.memref_squeeze %dma_wait3A_1025 : memref<1x128x64xf32, #tpu.memory_space<vmem>> -> memref<128x64xf32, #tpu.memory_space<vmem>>
    %dma_wait3A_1027 = arith.constant 64 : i32
    %dma_wait3A_1028 = tpu.memref_slice %arg5[%mul3A_670, %dma_wait3A_1027] : memref<57344x128xf32, #tpu.memory_space<hbm>> -> memref<128x64xf32, #tpu.memory_space<hbm>>
    %dma_wait3A_1029 = arith.constant 64 : i32
    %dma_wait3A_1030 = tpu.memref_slice %arg5[%mul3A_670, %dma_wait3A_1029] : memref<57344x128xf32, #tpu.memory_space<hbm>> -> memref<128x64xf32, #tpu.memory_space<hbm>>
    %dma_wait3A_1031 = arith.constant 0 : i32
    %dma_wait3A_1032 = arith.constant 0 : i32
    %dma_wait3A_1033 = tpu.memref_slice %arg8[%dma_wait3A_1022, %dma_wait3A_1031, %dma_wait3A_1032] : memref<7x128x64xf32, #tpu.memory_space<vmem>> -> memref<1x128x64xf32, #tpu.memory_space<vmem>>
    %dma_wait3A_1034 = tpu.memref_squeeze %dma_wait3A_1033 : memref<1x128x64xf32, #tpu.memory_space<vmem>> -> memref<128x64xf32, #tpu.memory_space<vmem>>
    tpu.wait_dma2 semaphore(%arg36 : memref<!tpu.dma_semaphore, #tpu.memory_space<semaphore_mem>>) src(%dma_wait3A_1034 : memref<128x64xf32, #tpu.memory_space<vmem>>) dst(%dma_wait3A_1030 : memref<128x64xf32, #tpu.memory_space<hbm>>)
    %dma_start3A_1035 = arith.constant 13 : i32
    %dma_start3A_1036 = arith.constant 6 : i32
    %dma_start3A_1037 = arith.constant 0 : i32
    %dma_start3A_1038 = arith.constant 0 : i32
    %dma_start3A_1039 = tpu.memref_slice %arg7[%dma_start3A_1036, %dma_start3A_1037, %dma_start3A_1038] : memref<7x128x64xf32, #tpu.memory_space<vmem>> -> memref<1x128x64xf32, #tpu.memory_space<vmem>>
    %dma_start3A_1040 = tpu.memref_squeeze %dma_start3A_1039 : memref<1x128x64xf32, #tpu.memory_space<vmem>> -> memref<128x64xf32, #tpu.memory_space<vmem>>
    %dma_start3A_1041 = arith.constant 0 : i32
    %dma_start3A_1042 = tpu.memref_slice %arg6[%dma_start3A_1035, %dma_start3A_1041] : memref<14x128xi32, #tpu.memory_space<vmem>> -> memref<1x128xi32, #tpu.memory_space<vmem>>
    %dma_start3A_1043 = tpu.memref_squeeze %dma_start3A_1042 : memref<1x128xi32, #tpu.memory_space<vmem>> -> memref<128xi32, #tpu.memory_space<vmem>>
    %dma_start3A_1044 = arith.constant 0 : i32
    %dma_start3A_1045 = arith.constant 0 : i32
    %dma_start3A_1046 = tpu.memref_slice %arg3[%dma_start3A_1044, %dma_start3A_1045] : memref<100000x64xf32, #tpu.memory_space<hbm>> -> memref<100000x64xf32, #tpu.memory_space<hbm>>
    tpu.enqueue_indirect_dma source(%dma_start3A_1046 : memref<100000x64xf32, #tpu.memory_space<hbm>>) target(%dma_start3A_1040 : memref<128x64xf32, #tpu.memory_space<vmem>>) offsets(%dma_start3A_1043 : memref<128xi32, #tpu.memory_space<vmem>>) semaphore(%arg15 : memref<!tpu.dma_semaphore, #tpu.memory_space<semaphore_mem>>)
    %dma_start3A_1047 = arith.constant 13 : i32
    %dma_start3A_1048 = arith.constant 6 : i32
    %dma_start3A_1049 = arith.constant 0 : i32
    %dma_start3A_1050 = arith.constant 0 : i32
    %dma_start3A_1051 = tpu.memref_slice %arg8[%dma_start3A_1048, %dma_start3A_1049, %dma_start3A_1050] : memref<7x128x64xf32, #tpu.memory_space<vmem>> -> memref<1x128x64xf32, #tpu.memory_space<vmem>>
    %dma_start3A_1052 = tpu.memref_squeeze %dma_start3A_1051 : memref<1x128x64xf32, #tpu.memory_space<vmem>> -> memref<128x64xf32, #tpu.memory_space<vmem>>
    %dma_start3A_1053 = arith.constant 0 : i32
    %dma_start3A_1054 = tpu.memref_slice %arg6[%dma_start3A_1047, %dma_start3A_1053] : memref<14x128xi32, #tpu.memory_space<vmem>> -> memref<1x128xi32, #tpu.memory_space<vmem>>
    %dma_start3A_1055 = tpu.memref_squeeze %dma_start3A_1054 : memref<1x128xi32, #tpu.memory_space<vmem>> -> memref<128xi32, #tpu.memory_space<vmem>>
    %dma_start3A_1056 = arith.constant 0 : i32
    %dma_start3A_1057 = arith.constant 0 : i32
    %dma_start3A_1058 = tpu.memref_slice %arg4[%dma_start3A_1056, %dma_start3A_1057] : memref<100000x64xf32, #tpu.memory_space<hbm>> -> memref<100000x64xf32, #tpu.memory_space<hbm>>
    tpu.enqueue_indirect_dma source(%dma_start3A_1058 : memref<100000x64xf32, #tpu.memory_space<hbm>>) target(%dma_start3A_1052 : memref<128x64xf32, #tpu.memory_space<vmem>>) offsets(%dma_start3A_1055 : memref<128xi32, #tpu.memory_space<vmem>>) semaphore(%arg22 : memref<!tpu.dma_semaphore, #tpu.memory_space<semaphore_mem>>)
    %dma_wait3A_1059 = arith.constant 10 : i32
    %dma_wait3A_1060 = arith.constant 3 : i32
    %dma_wait3A_1061 = arith.constant 0 : i32
    %dma_wait3A_1062 = arith.constant 0 : i32
    %dma_wait3A_1063 = tpu.memref_slice %arg7[%dma_wait3A_1060, %dma_wait3A_1061, %dma_wait3A_1062] : memref<7x128x64xf32, #tpu.memory_space<vmem>> -> memref<1x128x64xf32, #tpu.memory_space<vmem>>
    %dma_wait3A_1064 = tpu.memref_squeeze %dma_wait3A_1063 : memref<1x128x64xf32, #tpu.memory_space<vmem>> -> memref<128x64xf32, #tpu.memory_space<vmem>>
    %dma_wait3A_1065 = arith.constant 0 : i32
    %dma_wait3A_1066 = tpu.memref_slice %arg6[%dma_wait3A_1059, %dma_wait3A_1065] : memref<14x128xi32, #tpu.memory_space<vmem>> -> memref<1x128xi32, #tpu.memory_space<vmem>>
    %dma_wait3A_1067 = tpu.memref_squeeze %dma_wait3A_1066 : memref<1x128xi32, #tpu.memory_space<vmem>> -> memref<128xi32, #tpu.memory_space<vmem>>
    %dma_wait3A_1068 = arith.constant 0 : i32
    %dma_wait3A_1069 = arith.constant 0 : i32
    %dma_wait3A_1070 = tpu.memref_slice %arg3[%dma_wait3A_1068, %dma_wait3A_1069] : memref<100000x64xf32, #tpu.memory_space<hbm>> -> memref<100000x64xf32, #tpu.memory_space<hbm>>
    tpu.wait_indirect_dma semaphore(%arg12 : memref<!tpu.dma_semaphore, #tpu.memory_space<semaphore_mem>>) src(%dma_wait3A_1070 : memref<100000x64xf32, #tpu.memory_space<hbm>>) dst(%dma_wait3A_1064 : memref<128x64xf32, #tpu.memory_space<vmem>>)
    %dma_wait3A_1071 = arith.constant 10 : i32
    %dma_wait3A_1072 = arith.constant 3 : i32
    %dma_wait3A_1073 = arith.constant 0 : i32
    %dma_wait3A_1074 = arith.constant 0 : i32
    %dma_wait3A_1075 = tpu.memref_slice %arg8[%dma_wait3A_1072, %dma_wait3A_1073, %dma_wait3A_1074] : memref<7x128x64xf32, #tpu.memory_space<vmem>> -> memref<1x128x64xf32, #tpu.memory_space<vmem>>
    %dma_wait3A_1076 = tpu.memref_squeeze %dma_wait3A_1075 : memref<1x128x64xf32, #tpu.memory_space<vmem>> -> memref<128x64xf32, #tpu.memory_space<vmem>>
    %dma_wait3A_1077 = arith.constant 0 : i32
    %dma_wait3A_1078 = tpu.memref_slice %arg6[%dma_wait3A_1071, %dma_wait3A_1077] : memref<14x128xi32, #tpu.memory_space<vmem>> -> memref<1x128xi32, #tpu.memory_space<vmem>>
    %dma_wait3A_1079 = tpu.memref_squeeze %dma_wait3A_1078 : memref<1x128xi32, #tpu.memory_space<vmem>> -> memref<128xi32, #tpu.memory_space<vmem>>
    %dma_wait3A_1080 = arith.constant 0 : i32
    %dma_wait3A_1081 = arith.constant 0 : i32
    %dma_wait3A_1082 = tpu.memref_slice %arg4[%dma_wait3A_1080, %dma_wait3A_1081] : memref<100000x64xf32, #tpu.memory_space<hbm>> -> memref<100000x64xf32, #tpu.memory_space<hbm>>
    tpu.wait_indirect_dma semaphore(%arg19 : memref<!tpu.dma_semaphore, #tpu.memory_space<semaphore_mem>>) src(%dma_wait3A_1082 : memref<100000x64xf32, #tpu.memory_space<hbm>>) dst(%dma_wait3A_1076 : memref<128x64xf32, #tpu.memory_space<vmem>>)
    %add3A_1083 = arith.constant 10 : i32
    %add3A_1084 = arith.addi %mul3A_2, %add3A_1083 : i32
    %mul3A_1085 = arith.constant 128 : i32
    %mul3A_1086 = arith.muli %add3A_1084, %mul3A_1085 : i32
    %dma_start3A_1087 = arith.constant 3 : i32
    %dma_start3A_1088 = arith.constant 0 : i32
    %dma_start3A_1089 = arith.constant 0 : i32
    %dma_start3A_1090 = tpu.memref_slice %arg7[%dma_start3A_1087, %dma_start3A_1088, %dma_start3A_1089] : memref<7x128x64xf32, #tpu.memory_space<vmem>> -> memref<1x128x64xf32, #tpu.memory_space<vmem>>
    %dma_start3A_1091 = tpu.memref_squeeze %dma_start3A_1090 : memref<1x128x64xf32, #tpu.memory_space<vmem>> -> memref<128x64xf32, #tpu.memory_space<vmem>>
    %dma_start3A_1092 = arith.constant 0 : i32
    %dma_start3A_1093 = tpu.memref_slice %arg5[%mul3A_1086, %dma_start3A_1092] : memref<57344x128xf32, #tpu.memory_space<hbm>> -> memref<128x64xf32, #tpu.memory_space<hbm>>
    %dma_start3A_1094 = arith.constant 0 : i32
    %dma_start3A_1095 = tpu.memref_slice %arg5[%mul3A_1086, %dma_start3A_1094] : memref<57344x128xf32, #tpu.memory_space<hbm>> -> memref<128x64xf32, #tpu.memory_space<hbm>>
    %dma_start3A_1096 = arith.constant 0 : i32
    %dma_start3A_1097 = arith.constant 0 : i32
    %dma_start3A_1098 = tpu.memref_slice %arg7[%dma_start3A_1087, %dma_start3A_1096, %dma_start3A_1097] : memref<7x128x64xf32, #tpu.memory_space<vmem>> -> memref<1x128x64xf32, #tpu.memory_space<vmem>>
    %dma_start3A_1099 = tpu.memref_squeeze %dma_start3A_1098 : memref<1x128x64xf32, #tpu.memory_space<vmem>> -> memref<128x64xf32, #tpu.memory_space<vmem>>
    tpu.enqueue_dma source(%dma_start3A_1099 : memref<128x64xf32, #tpu.memory_space<vmem>>) target(%dma_start3A_1095 : memref<128x64xf32, #tpu.memory_space<hbm>>) target_semaphore(%arg26 : memref<!tpu.dma_semaphore, #tpu.memory_space<semaphore_mem>>)
    %dma_start3A_1100 = arith.constant 3 : i32
    %dma_start3A_1101 = arith.constant 0 : i32
    %dma_start3A_1102 = arith.constant 0 : i32
    %dma_start3A_1103 = tpu.memref_slice %arg8[%dma_start3A_1100, %dma_start3A_1101, %dma_start3A_1102] : memref<7x128x64xf32, #tpu.memory_space<vmem>> -> memref<1x128x64xf32, #tpu.memory_space<vmem>>
    %dma_start3A_1104 = tpu.memref_squeeze %dma_start3A_1103 : memref<1x128x64xf32, #tpu.memory_space<vmem>> -> memref<128x64xf32, #tpu.memory_space<vmem>>
    %dma_start3A_1105 = arith.constant 64 : i32
    %dma_start3A_1106 = tpu.memref_slice %arg5[%mul3A_1086, %dma_start3A_1105] : memref<57344x128xf32, #tpu.memory_space<hbm>> -> memref<128x64xf32, #tpu.memory_space<hbm>>
    %dma_start3A_1107 = arith.constant 64 : i32
    %dma_start3A_1108 = tpu.memref_slice %arg5[%mul3A_1086, %dma_start3A_1107] : memref<57344x128xf32, #tpu.memory_space<hbm>> -> memref<128x64xf32, #tpu.memory_space<hbm>>
    %dma_start3A_1109 = arith.constant 0 : i32
    %dma_start3A_1110 = arith.constant 0 : i32
    %dma_start3A_1111 = tpu.memref_slice %arg8[%dma_start3A_1100, %dma_start3A_1109, %dma_start3A_1110] : memref<7x128x64xf32, #tpu.memory_space<vmem>> -> memref<1x128x64xf32, #tpu.memory_space<vmem>>
    %dma_start3A_1112 = tpu.memref_squeeze %dma_start3A_1111 : memref<1x128x64xf32, #tpu.memory_space<vmem>> -> memref<128x64xf32, #tpu.memory_space<vmem>>
    tpu.enqueue_dma source(%dma_start3A_1112 : memref<128x64xf32, #tpu.memory_space<vmem>>) target(%dma_start3A_1108 : memref<128x64xf32, #tpu.memory_space<hbm>>) target_semaphore(%arg33 : memref<!tpu.dma_semaphore, #tpu.memory_space<semaphore_mem>>)
    %dma_wait3A_1113 = arith.constant 11 : i32
    %dma_wait3A_1114 = arith.constant 4 : i32
    %dma_wait3A_1115 = arith.constant 0 : i32
    %dma_wait3A_1116 = arith.constant 0 : i32
    %dma_wait3A_1117 = tpu.memref_slice %arg7[%dma_wait3A_1114, %dma_wait3A_1115, %dma_wait3A_1116] : memref<7x128x64xf32, #tpu.memory_space<vmem>> -> memref<1x128x64xf32, #tpu.memory_space<vmem>>
    %dma_wait3A_1118 = tpu.memref_squeeze %dma_wait3A_1117 : memref<1x128x64xf32, #tpu.memory_space<vmem>> -> memref<128x64xf32, #tpu.memory_space<vmem>>
    %dma_wait3A_1119 = arith.constant 0 : i32
    %dma_wait3A_1120 = tpu.memref_slice %arg6[%dma_wait3A_1113, %dma_wait3A_1119] : memref<14x128xi32, #tpu.memory_space<vmem>> -> memref<1x128xi32, #tpu.memory_space<vmem>>
    %dma_wait3A_1121 = tpu.memref_squeeze %dma_wait3A_1120 : memref<1x128xi32, #tpu.memory_space<vmem>> -> memref<128xi32, #tpu.memory_space<vmem>>
    %dma_wait3A_1122 = arith.constant 0 : i32
    %dma_wait3A_1123 = arith.constant 0 : i32
    %dma_wait3A_1124 = tpu.memref_slice %arg3[%dma_wait3A_1122, %dma_wait3A_1123] : memref<100000x64xf32, #tpu.memory_space<hbm>> -> memref<100000x64xf32, #tpu.memory_space<hbm>>
    tpu.wait_indirect_dma semaphore(%arg13 : memref<!tpu.dma_semaphore, #tpu.memory_space<semaphore_mem>>) src(%dma_wait3A_1124 : memref<100000x64xf32, #tpu.memory_space<hbm>>) dst(%dma_wait3A_1118 : memref<128x64xf32, #tpu.memory_space<vmem>>)
    %dma_wait3A_1125 = arith.constant 11 : i32
    %dma_wait3A_1126 = arith.constant 4 : i32
    %dma_wait3A_1127 = arith.constant 0 : i32
    %dma_wait3A_1128 = arith.constant 0 : i32
    %dma_wait3A_1129 = tpu.memref_slice %arg8[%dma_wait3A_1126, %dma_wait3A_1127, %dma_wait3A_1128] : memref<7x128x64xf32, #tpu.memory_space<vmem>> -> memref<1x128x64xf32, #tpu.memory_space<vmem>>
    %dma_wait3A_1130 = tpu.memref_squeeze %dma_wait3A_1129 : memref<1x128x64xf32, #tpu.memory_space<vmem>> -> memref<128x64xf32, #tpu.memory_space<vmem>>
    %dma_wait3A_1131 = arith.constant 0 : i32
    %dma_wait3A_1132 = tpu.memref_slice %arg6[%dma_wait3A_1125, %dma_wait3A_1131] : memref<14x128xi32, #tpu.memory_space<vmem>> -> memref<1x128xi32, #tpu.memory_space<vmem>>
    %dma_wait3A_1133 = tpu.memref_squeeze %dma_wait3A_1132 : memref<1x128xi32, #tpu.memory_space<vmem>> -> memref<128xi32, #tpu.memory_space<vmem>>
    %dma_wait3A_1134 = arith.constant 0 : i32
    %dma_wait3A_1135 = arith.constant 0 : i32
    %dma_wait3A_1136 = tpu.memref_slice %arg4[%dma_wait3A_1134, %dma_wait3A_1135] : memref<100000x64xf32, #tpu.memory_space<hbm>> -> memref<100000x64xf32, #tpu.memory_space<hbm>>
    tpu.wait_indirect_dma semaphore(%arg20 : memref<!tpu.dma_semaphore, #tpu.memory_space<semaphore_mem>>) src(%dma_wait3A_1136 : memref<100000x64xf32, #tpu.memory_space<hbm>>) dst(%dma_wait3A_1130 : memref<128x64xf32, #tpu.memory_space<vmem>>)
    %add3A_1137 = arith.constant 11 : i32
    %add3A_1138 = arith.addi %mul3A_2, %add3A_1137 : i32
    %mul3A_1139 = arith.constant 128 : i32
    %mul3A_1140 = arith.muli %add3A_1138, %mul3A_1139 : i32
    %dma_start3A_1141 = arith.constant 4 : i32
    %dma_start3A_1142 = arith.constant 0 : i32
    %dma_start3A_1143 = arith.constant 0 : i32
    %dma_start3A_1144 = tpu.memref_slice %arg7[%dma_start3A_1141, %dma_start3A_1142, %dma_start3A_1143] : memref<7x128x64xf32, #tpu.memory_space<vmem>> -> memref<1x128x64xf32, #tpu.memory_space<vmem>>
    %dma_start3A_1145 = tpu.memref_squeeze %dma_start3A_1144 : memref<1x128x64xf32, #tpu.memory_space<vmem>> -> memref<128x64xf32, #tpu.memory_space<vmem>>
    %dma_start3A_1146 = arith.constant 0 : i32
    %dma_start3A_1147 = tpu.memref_slice %arg5[%mul3A_1140, %dma_start3A_1146] : memref<57344x128xf32, #tpu.memory_space<hbm>> -> memref<128x64xf32, #tpu.memory_space<hbm>>
    %dma_start3A_1148 = arith.constant 0 : i32
    %dma_start3A_1149 = tpu.memref_slice %arg5[%mul3A_1140, %dma_start3A_1148] : memref<57344x128xf32, #tpu.memory_space<hbm>> -> memref<128x64xf32, #tpu.memory_space<hbm>>
    %dma_start3A_1150 = arith.constant 0 : i32
    %dma_start3A_1151 = arith.constant 0 : i32
    %dma_start3A_1152 = tpu.memref_slice %arg7[%dma_start3A_1141, %dma_start3A_1150, %dma_start3A_1151] : memref<7x128x64xf32, #tpu.memory_space<vmem>> -> memref<1x128x64xf32, #tpu.memory_space<vmem>>
    %dma_start3A_1153 = tpu.memref_squeeze %dma_start3A_1152 : memref<1x128x64xf32, #tpu.memory_space<vmem>> -> memref<128x64xf32, #tpu.memory_space<vmem>>
    tpu.enqueue_dma source(%dma_start3A_1153 : memref<128x64xf32, #tpu.memory_space<vmem>>) target(%dma_start3A_1149 : memref<128x64xf32, #tpu.memory_space<hbm>>) target_semaphore(%arg27 : memref<!tpu.dma_semaphore, #tpu.memory_space<semaphore_mem>>)
    %dma_start3A_1154 = arith.constant 4 : i32
    %dma_start3A_1155 = arith.constant 0 : i32
    %dma_start3A_1156 = arith.constant 0 : i32
    %dma_start3A_1157 = tpu.memref_slice %arg8[%dma_start3A_1154, %dma_start3A_1155, %dma_start3A_1156] : memref<7x128x64xf32, #tpu.memory_space<vmem>> -> memref<1x128x64xf32, #tpu.memory_space<vmem>>
    %dma_start3A_1158 = tpu.memref_squeeze %dma_start3A_1157 : memref<1x128x64xf32, #tpu.memory_space<vmem>> -> memref<128x64xf32, #tpu.memory_space<vmem>>
    %dma_start3A_1159 = arith.constant 64 : i32
    %dma_start3A_1160 = tpu.memref_slice %arg5[%mul3A_1140, %dma_start3A_1159] : memref<57344x128xf32, #tpu.memory_space<hbm>> -> memref<128x64xf32, #tpu.memory_space<hbm>>
    %dma_start3A_1161 = arith.constant 64 : i32
    %dma_start3A_1162 = tpu.memref_slice %arg5[%mul3A_1140, %dma_start3A_1161] : memref<57344x128xf32, #tpu.memory_space<hbm>> -> memref<128x64xf32, #tpu.memory_space<hbm>>
    %dma_start3A_1163 = arith.constant 0 : i32
    %dma_start3A_1164 = arith.constant 0 : i32
    %dma_start3A_1165 = tpu.memref_slice %arg8[%dma_start3A_1154, %dma_start3A_1163, %dma_start3A_1164] : memref<7x128x64xf32, #tpu.memory_space<vmem>> -> memref<1x128x64xf32, #tpu.memory_space<vmem>>
    %dma_start3A_1166 = tpu.memref_squeeze %dma_start3A_1165 : memref<1x128x64xf32, #tpu.memory_space<vmem>> -> memref<128x64xf32, #tpu.memory_space<vmem>>
    tpu.enqueue_dma source(%dma_start3A_1166 : memref<128x64xf32, #tpu.memory_space<vmem>>) target(%dma_start3A_1162 : memref<128x64xf32, #tpu.memory_space<hbm>>) target_semaphore(%arg34 : memref<!tpu.dma_semaphore, #tpu.memory_space<semaphore_mem>>)
    %dma_wait3A_1167 = arith.constant 12 : i32
    %dma_wait3A_1168 = arith.constant 5 : i32
    %dma_wait3A_1169 = arith.constant 0 : i32
    %dma_wait3A_1170 = arith.constant 0 : i32
    %dma_wait3A_1171 = tpu.memref_slice %arg7[%dma_wait3A_1168, %dma_wait3A_1169, %dma_wait3A_1170] : memref<7x128x64xf32, #tpu.memory_space<vmem>> -> memref<1x128x64xf32, #tpu.memory_space<vmem>>
    %dma_wait3A_1172 = tpu.memref_squeeze %dma_wait3A_1171 : memref<1x128x64xf32, #tpu.memory_space<vmem>> -> memref<128x64xf32, #tpu.memory_space<vmem>>
    %dma_wait3A_1173 = arith.constant 0 : i32
    %dma_wait3A_1174 = tpu.memref_slice %arg6[%dma_wait3A_1167, %dma_wait3A_1173] : memref<14x128xi32, #tpu.memory_space<vmem>> -> memref<1x128xi32, #tpu.memory_space<vmem>>
    %dma_wait3A_1175 = tpu.memref_squeeze %dma_wait3A_1174 : memref<1x128xi32, #tpu.memory_space<vmem>> -> memref<128xi32, #tpu.memory_space<vmem>>
    %dma_wait3A_1176 = arith.constant 0 : i32
    %dma_wait3A_1177 = arith.constant 0 : i32
    %dma_wait3A_1178 = tpu.memref_slice %arg3[%dma_wait3A_1176, %dma_wait3A_1177] : memref<100000x64xf32, #tpu.memory_space<hbm>> -> memref<100000x64xf32, #tpu.memory_space<hbm>>
    tpu.wait_indirect_dma semaphore(%arg14 : memref<!tpu.dma_semaphore, #tpu.memory_space<semaphore_mem>>) src(%dma_wait3A_1178 : memref<100000x64xf32, #tpu.memory_space<hbm>>) dst(%dma_wait3A_1172 : memref<128x64xf32, #tpu.memory_space<vmem>>)
    %dma_wait3A_1179 = arith.constant 12 : i32
    %dma_wait3A_1180 = arith.constant 5 : i32
    %dma_wait3A_1181 = arith.constant 0 : i32
    %dma_wait3A_1182 = arith.constant 0 : i32
    %dma_wait3A_1183 = tpu.memref_slice %arg8[%dma_wait3A_1180, %dma_wait3A_1181, %dma_wait3A_1182] : memref<7x128x64xf32, #tpu.memory_space<vmem>> -> memref<1x128x64xf32, #tpu.memory_space<vmem>>
    %dma_wait3A_1184 = tpu.memref_squeeze %dma_wait3A_1183 : memref<1x128x64xf32, #tpu.memory_space<vmem>> -> memref<128x64xf32, #tpu.memory_space<vmem>>
    %dma_wait3A_1185 = arith.constant 0 : i32
    %dma_wait3A_1186 = tpu.memref_slice %arg6[%dma_wait3A_1179, %dma_wait3A_1185] : memref<14x128xi32, #tpu.memory_space<vmem>> -> memref<1x128xi32, #tpu.memory_space<vmem>>
    %dma_wait3A_1187 = tpu.memref_squeeze %dma_wait3A_1186 : memref<1x128xi32, #tpu.memory_space<vmem>> -> memref<128xi32, #tpu.memory_space<vmem>>
    %dma_wait3A_1188 = arith.constant 0 : i32
    %dma_wait3A_1189 = arith.constant 0 : i32
    %dma_wait3A_1190 = tpu.memref_slice %arg4[%dma_wait3A_1188, %dma_wait3A_1189] : memref<100000x64xf32, #tpu.memory_space<hbm>> -> memref<100000x64xf32, #tpu.memory_space<hbm>>
    tpu.wait_indirect_dma semaphore(%arg21 : memref<!tpu.dma_semaphore, #tpu.memory_space<semaphore_mem>>) src(%dma_wait3A_1190 : memref<100000x64xf32, #tpu.memory_space<hbm>>) dst(%dma_wait3A_1184 : memref<128x64xf32, #tpu.memory_space<vmem>>)
    %add3A_1191 = arith.constant 12 : i32
    %add3A_1192 = arith.addi %mul3A_2, %add3A_1191 : i32
    %mul3A_1193 = arith.constant 128 : i32
    %mul3A_1194 = arith.muli %add3A_1192, %mul3A_1193 : i32
    %dma_start3A_1195 = arith.constant 5 : i32
    %dma_start3A_1196 = arith.constant 0 : i32
    %dma_start3A_1197 = arith.constant 0 : i32
    %dma_start3A_1198 = tpu.memref_slice %arg7[%dma_start3A_1195, %dma_start3A_1196, %dma_start3A_1197] : memref<7x128x64xf32, #tpu.memory_space<vmem>> -> memref<1x128x64xf32, #tpu.memory_space<vmem>>
    %dma_start3A_1199 = tpu.memref_squeeze %dma_start3A_1198 : memref<1x128x64xf32, #tpu.memory_space<vmem>> -> memref<128x64xf32, #tpu.memory_space<vmem>>
    %dma_start3A_1200 = arith.constant 0 : i32
    %dma_start3A_1201 = tpu.memref_slice %arg5[%mul3A_1194, %dma_start3A_1200] : memref<57344x128xf32, #tpu.memory_space<hbm>> -> memref<128x64xf32, #tpu.memory_space<hbm>>
    %dma_start3A_1202 = arith.constant 0 : i32
    %dma_start3A_1203 = tpu.memref_slice %arg5[%mul3A_1194, %dma_start3A_1202] : memref<57344x128xf32, #tpu.memory_space<hbm>> -> memref<128x64xf32, #tpu.memory_space<hbm>>
    %dma_start3A_1204 = arith.constant 0 : i32
    %dma_start3A_1205 = arith.constant 0 : i32
    %dma_start3A_1206 = tpu.memref_slice %arg7[%dma_start3A_1195, %dma_start3A_1204, %dma_start3A_1205] : memref<7x128x64xf32, #tpu.memory_space<vmem>> -> memref<1x128x64xf32, #tpu.memory_space<vmem>>
    %dma_start3A_1207 = tpu.memref_squeeze %dma_start3A_1206 : memref<1x128x64xf32, #tpu.memory_space<vmem>> -> memref<128x64xf32, #tpu.memory_space<vmem>>
    tpu.enqueue_dma source(%dma_start3A_1207 : memref<128x64xf32, #tpu.memory_space<vmem>>) target(%dma_start3A_1203 : memref<128x64xf32, #tpu.memory_space<hbm>>) target_semaphore(%arg28 : memref<!tpu.dma_semaphore, #tpu.memory_space<semaphore_mem>>)
    %dma_start3A_1208 = arith.constant 5 : i32
    %dma_start3A_1209 = arith.constant 0 : i32
    %dma_start3A_1210 = arith.constant 0 : i32
    %dma_start3A_1211 = tpu.memref_slice %arg8[%dma_start3A_1208, %dma_start3A_1209, %dma_start3A_1210] : memref<7x128x64xf32, #tpu.memory_space<vmem>> -> memref<1x128x64xf32, #tpu.memory_space<vmem>>
    %dma_start3A_1212 = tpu.memref_squeeze %dma_start3A_1211 : memref<1x128x64xf32, #tpu.memory_space<vmem>> -> memref<128x64xf32, #tpu.memory_space<vmem>>
    %dma_start3A_1213 = arith.constant 64 : i32
    %dma_start3A_1214 = tpu.memref_slice %arg5[%mul3A_1194, %dma_start3A_1213] : memref<57344x128xf32, #tpu.memory_space<hbm>> -> memref<128x64xf32, #tpu.memory_space<hbm>>
    %dma_start3A_1215 = arith.constant 64 : i32
    %dma_start3A_1216 = tpu.memref_slice %arg5[%mul3A_1194, %dma_start3A_1215] : memref<57344x128xf32, #tpu.memory_space<hbm>> -> memref<128x64xf32, #tpu.memory_space<hbm>>
    %dma_start3A_1217 = arith.constant 0 : i32
    %dma_start3A_1218 = arith.constant 0 : i32
    %dma_start3A_1219 = tpu.memref_slice %arg8[%dma_start3A_1208, %dma_start3A_1217, %dma_start3A_1218] : memref<7x128x64xf32, #tpu.memory_space<vmem>> -> memref<1x128x64xf32, #tpu.memory_space<vmem>>
    %dma_start3A_1220 = tpu.memref_squeeze %dma_start3A_1219 : memref<1x128x64xf32, #tpu.memory_space<vmem>> -> memref<128x64xf32, #tpu.memory_space<vmem>>
    tpu.enqueue_dma source(%dma_start3A_1220 : memref<128x64xf32, #tpu.memory_space<vmem>>) target(%dma_start3A_1216 : memref<128x64xf32, #tpu.memory_space<hbm>>) target_semaphore(%arg35 : memref<!tpu.dma_semaphore, #tpu.memory_space<semaphore_mem>>)
    %dma_wait3A_1221 = arith.constant 13 : i32
    %dma_wait3A_1222 = arith.constant 6 : i32
    %dma_wait3A_1223 = arith.constant 0 : i32
    %dma_wait3A_1224 = arith.constant 0 : i32
    %dma_wait3A_1225 = tpu.memref_slice %arg7[%dma_wait3A_1222, %dma_wait3A_1223, %dma_wait3A_1224] : memref<7x128x64xf32, #tpu.memory_space<vmem>> -> memref<1x128x64xf32, #tpu.memory_space<vmem>>
    %dma_wait3A_1226 = tpu.memref_squeeze %dma_wait3A_1225 : memref<1x128x64xf32, #tpu.memory_space<vmem>> -> memref<128x64xf32, #tpu.memory_space<vmem>>
    %dma_wait3A_1227 = arith.constant 0 : i32
    %dma_wait3A_1228 = tpu.memref_slice %arg6[%dma_wait3A_1221, %dma_wait3A_1227] : memref<14x128xi32, #tpu.memory_space<vmem>> -> memref<1x128xi32, #tpu.memory_space<vmem>>
    %dma_wait3A_1229 = tpu.memref_squeeze %dma_wait3A_1228 : memref<1x128xi32, #tpu.memory_space<vmem>> -> memref<128xi32, #tpu.memory_space<vmem>>
    %dma_wait3A_1230 = arith.constant 0 : i32
    %dma_wait3A_1231 = arith.constant 0 : i32
    %dma_wait3A_1232 = tpu.memref_slice %arg3[%dma_wait3A_1230, %dma_wait3A_1231] : memref<100000x64xf32, #tpu.memory_space<hbm>> -> memref<100000x64xf32, #tpu.memory_space<hbm>>
    tpu.wait_indirect_dma semaphore(%arg15 : memref<!tpu.dma_semaphore, #tpu.memory_space<semaphore_mem>>) src(%dma_wait3A_1232 : memref<100000x64xf32, #tpu.memory_space<hbm>>) dst(%dma_wait3A_1226 : memref<128x64xf32, #tpu.memory_space<vmem>>)
    %dma_wait3A_1233 = arith.constant 13 : i32
    %dma_wait3A_1234 = arith.constant 6 : i32
    %dma_wait3A_1235 = arith.constant 0 : i32
    %dma_wait3A_1236 = arith.constant 0 : i32
    %dma_wait3A_1237 = tpu.memref_slice %arg8[%dma_wait3A_1234, %dma_wait3A_1235, %dma_wait3A_1236] : memref<7x128x64xf32, #tpu.memory_space<vmem>> -> memref<1x128x64xf32, #tpu.memory_space<vmem>>
    %dma_wait3A_1238 = tpu.memref_squeeze %dma_wait3A_1237 : memref<1x128x64xf32, #tpu.memory_space<vmem>> -> memref<128x64xf32, #tpu.memory_space<vmem>>
    %dma_wait3A_1239 = arith.constant 0 : i32
    %dma_wait3A_1240 = tpu.memref_slice %arg6[%dma_wait3A_1233, %dma_wait3A_1239] : memref<14x128xi32, #tpu.memory_space<vmem>> -> memref<1x128xi32, #tpu.memory_space<vmem>>
    %dma_wait3A_1241 = tpu.memref_squeeze %dma_wait3A_1240 : memref<1x128xi32, #tpu.memory_space<vmem>> -> memref<128xi32, #tpu.memory_space<vmem>>
    %dma_wait3A_1242 = arith.constant 0 : i32
    %dma_wait3A_1243 = arith.constant 0 : i32
    %dma_wait3A_1244 = tpu.memref_slice %arg4[%dma_wait3A_1242, %dma_wait3A_1243] : memref<100000x64xf32, #tpu.memory_space<hbm>> -> memref<100000x64xf32, #tpu.memory_space<hbm>>
    tpu.wait_indirect_dma semaphore(%arg22 : memref<!tpu.dma_semaphore, #tpu.memory_space<semaphore_mem>>) src(%dma_wait3A_1244 : memref<100000x64xf32, #tpu.memory_space<hbm>>) dst(%dma_wait3A_1238 : memref<128x64xf32, #tpu.memory_space<vmem>>)
    %add3A_1245 = arith.constant 13 : i32
    %add3A_1246 = arith.addi %mul3A_2, %add3A_1245 : i32
    %mul3A_1247 = arith.constant 128 : i32
    %mul3A_1248 = arith.muli %add3A_1246, %mul3A_1247 : i32
    %dma_start3A_1249 = arith.constant 6 : i32
    %dma_start3A_1250 = arith.constant 0 : i32
    %dma_start3A_1251 = arith.constant 0 : i32
    %dma_start3A_1252 = tpu.memref_slice %arg7[%dma_start3A_1249, %dma_start3A_1250, %dma_start3A_1251] : memref<7x128x64xf32, #tpu.memory_space<vmem>> -> memref<1x128x64xf32, #tpu.memory_space<vmem>>
    %dma_start3A_1253 = tpu.memref_squeeze %dma_start3A_1252 : memref<1x128x64xf32, #tpu.memory_space<vmem>> -> memref<128x64xf32, #tpu.memory_space<vmem>>
    %dma_start3A_1254 = arith.constant 0 : i32
    %dma_start3A_1255 = tpu.memref_slice %arg5[%mul3A_1248, %dma_start3A_1254] : memref<57344x128xf32, #tpu.memory_space<hbm>> -> memref<128x64xf32, #tpu.memory_space<hbm>>
    %dma_start3A_1256 = arith.constant 0 : i32
    %dma_start3A_1257 = tpu.memref_slice %arg5[%mul3A_1248, %dma_start3A_1256] : memref<57344x128xf32, #tpu.memory_space<hbm>> -> memref<128x64xf32, #tpu.memory_space<hbm>>
    %dma_start3A_1258 = arith.constant 0 : i32
    %dma_start3A_1259 = arith.constant 0 : i32
    %dma_start3A_1260 = tpu.memref_slice %arg7[%dma_start3A_1249, %dma_start3A_1258, %dma_start3A_1259] : memref<7x128x64xf32, #tpu.memory_space<vmem>> -> memref<1x128x64xf32, #tpu.memory_space<vmem>>
    %dma_start3A_1261 = tpu.memref_squeeze %dma_start3A_1260 : memref<1x128x64xf32, #tpu.memory_space<vmem>> -> memref<128x64xf32, #tpu.memory_space<vmem>>
    tpu.enqueue_dma source(%dma_start3A_1261 : memref<128x64xf32, #tpu.memory_space<vmem>>) target(%dma_start3A_1257 : memref<128x64xf32, #tpu.memory_space<hbm>>) target_semaphore(%arg29 : memref<!tpu.dma_semaphore, #tpu.memory_space<semaphore_mem>>)
    %dma_start3A_1262 = arith.constant 6 : i32
    %dma_start3A_1263 = arith.constant 0 : i32
    %dma_start3A_1264 = arith.constant 0 : i32
    %dma_start3A_1265 = tpu.memref_slice %arg8[%dma_start3A_1262, %dma_start3A_1263, %dma_start3A_1264] : memref<7x128x64xf32, #tpu.memory_space<vmem>> -> memref<1x128x64xf32, #tpu.memory_space<vmem>>
    %dma_start3A_1266 = tpu.memref_squeeze %dma_start3A_1265 : memref<1x128x64xf32, #tpu.memory_space<vmem>> -> memref<128x64xf32, #tpu.memory_space<vmem>>
    %dma_start3A_1267 = arith.constant 64 : i32
    %dma_start3A_1268 = tpu.memref_slice %arg5[%mul3A_1248, %dma_start3A_1267] : memref<57344x128xf32, #tpu.memory_space<hbm>> -> memref<128x64xf32, #tpu.memory_space<hbm>>
    %dma_start3A_1269 = arith.constant 64 : i32
    %dma_start3A_1270 = tpu.memref_slice %arg5[%mul3A_1248, %dma_start3A_1269] : memref<57344x128xf32, #tpu.memory_space<hbm>> -> memref<128x64xf32, #tpu.memory_space<hbm>>
    %dma_start3A_1271 = arith.constant 0 : i32
    %dma_start3A_1272 = arith.constant 0 : i32
    %dma_start3A_1273 = tpu.memref_slice %arg8[%dma_start3A_1262, %dma_start3A_1271, %dma_start3A_1272] : memref<7x128x64xf32, #tpu.memory_space<vmem>> -> memref<1x128x64xf32, #tpu.memory_space<vmem>>
    %dma_start3A_1274 = tpu.memref_squeeze %dma_start3A_1273 : memref<1x128x64xf32, #tpu.memory_space<vmem>> -> memref<128x64xf32, #tpu.memory_space<vmem>>
    tpu.enqueue_dma source(%dma_start3A_1274 : memref<128x64xf32, #tpu.memory_space<vmem>>) target(%dma_start3A_1270 : memref<128x64xf32, #tpu.memory_space<hbm>>) target_semaphore(%arg36 : memref<!tpu.dma_semaphore, #tpu.memory_space<semaphore_mem>>)
    %dma_wait3A_1275 = arith.constant 0 : i32
    %dma_wait3A_1276 = arith.constant 0 : i32
    %dma_wait3A_1277 = arith.constant 0 : i32
    %dma_wait3A_1278 = tpu.memref_slice %arg7[%dma_wait3A_1275, %dma_wait3A_1276, %dma_wait3A_1277] : memref<7x128x64xf32, #tpu.memory_space<vmem>> -> memref<1x128x64xf32, #tpu.memory_space<vmem>>
    %dma_wait3A_1279 = tpu.memref_squeeze %dma_wait3A_1278 : memref<1x128x64xf32, #tpu.memory_space<vmem>> -> memref<128x64xf32, #tpu.memory_space<vmem>>
    %dma_wait3A_1280 = arith.constant 0 : i32
    %dma_wait3A_1281 = tpu.memref_slice %arg5[%mul3A_774, %dma_wait3A_1280] : memref<57344x128xf32, #tpu.memory_space<hbm>> -> memref<128x64xf32, #tpu.memory_space<hbm>>
    %dma_wait3A_1282 = arith.constant 0 : i32
    %dma_wait3A_1283 = tpu.memref_slice %arg5[%mul3A_774, %dma_wait3A_1282] : memref<57344x128xf32, #tpu.memory_space<hbm>> -> memref<128x64xf32, #tpu.memory_space<hbm>>
    %dma_wait3A_1284 = arith.constant 0 : i32
    %dma_wait3A_1285 = arith.constant 0 : i32
    %dma_wait3A_1286 = tpu.memref_slice %arg7[%dma_wait3A_1275, %dma_wait3A_1284, %dma_wait3A_1285] : memref<7x128x64xf32, #tpu.memory_space<vmem>> -> memref<1x128x64xf32, #tpu.memory_space<vmem>>
    %dma_wait3A_1287 = tpu.memref_squeeze %dma_wait3A_1286 : memref<1x128x64xf32, #tpu.memory_space<vmem>> -> memref<128x64xf32, #tpu.memory_space<vmem>>
    tpu.wait_dma2 semaphore(%arg23 : memref<!tpu.dma_semaphore, #tpu.memory_space<semaphore_mem>>) src(%dma_wait3A_1287 : memref<128x64xf32, #tpu.memory_space<vmem>>) dst(%dma_wait3A_1283 : memref<128x64xf32, #tpu.memory_space<hbm>>)
    %dma_wait3A_1288 = arith.constant 0 : i32
    %dma_wait3A_1289 = arith.constant 0 : i32
    %dma_wait3A_1290 = arith.constant 0 : i32
    %dma_wait3A_1291 = tpu.memref_slice %arg8[%dma_wait3A_1288, %dma_wait3A_1289, %dma_wait3A_1290] : memref<7x128x64xf32, #tpu.memory_space<vmem>> -> memref<1x128x64xf32, #tpu.memory_space<vmem>>
    %dma_wait3A_1292 = tpu.memref_squeeze %dma_wait3A_1291 : memref<1x128x64xf32, #tpu.memory_space<vmem>> -> memref<128x64xf32, #tpu.memory_space<vmem>>
    %dma_wait3A_1293 = arith.constant 64 : i32
    %dma_wait3A_1294 = tpu.memref_slice %arg5[%mul3A_774, %dma_wait3A_1293] : memref<57344x128xf32, #tpu.memory_space<hbm>> -> memref<128x64xf32, #tpu.memory_space<hbm>>
    %dma_wait3A_1295 = arith.constant 64 : i32
    %dma_wait3A_1296 = tpu.memref_slice %arg5[%mul3A_774, %dma_wait3A_1295] : memref<57344x128xf32, #tpu.memory_space<hbm>> -> memref<128x64xf32, #tpu.memory_space<hbm>>
    %dma_wait3A_1297 = arith.constant 0 : i32
    %dma_wait3A_1298 = arith.constant 0 : i32
    %dma_wait3A_1299 = tpu.memref_slice %arg8[%dma_wait3A_1288, %dma_wait3A_1297, %dma_wait3A_1298] : memref<7x128x64xf32, #tpu.memory_space<vmem>> -> memref<1x128x64xf32, #tpu.memory_space<vmem>>
    %dma_wait3A_1300 = tpu.memref_squeeze %dma_wait3A_1299 : memref<1x128x64xf32, #tpu.memory_space<vmem>> -> memref<128x64xf32, #tpu.memory_space<vmem>>
    tpu.wait_dma2 semaphore(%arg30 : memref<!tpu.dma_semaphore, #tpu.memory_space<semaphore_mem>>) src(%dma_wait3A_1300 : memref<128x64xf32, #tpu.memory_space<vmem>>) dst(%dma_wait3A_1296 : memref<128x64xf32, #tpu.memory_space<hbm>>)
    %dma_wait3A_1301 = arith.constant 1 : i32
    %dma_wait3A_1302 = arith.constant 0 : i32
    %dma_wait3A_1303 = arith.constant 0 : i32
    %dma_wait3A_1304 = tpu.memref_slice %arg7[%dma_wait3A_1301, %dma_wait3A_1302, %dma_wait3A_1303] : memref<7x128x64xf32, #tpu.memory_space<vmem>> -> memref<1x128x64xf32, #tpu.memory_space<vmem>>
    %dma_wait3A_1305 = tpu.memref_squeeze %dma_wait3A_1304 : memref<1x128x64xf32, #tpu.memory_space<vmem>> -> memref<128x64xf32, #tpu.memory_space<vmem>>
    %dma_wait3A_1306 = arith.constant 0 : i32
    %dma_wait3A_1307 = tpu.memref_slice %arg5[%mul3A_878, %dma_wait3A_1306] : memref<57344x128xf32, #tpu.memory_space<hbm>> -> memref<128x64xf32, #tpu.memory_space<hbm>>
    %dma_wait3A_1308 = arith.constant 0 : i32
    %dma_wait3A_1309 = tpu.memref_slice %arg5[%mul3A_878, %dma_wait3A_1308] : memref<57344x128xf32, #tpu.memory_space<hbm>> -> memref<128x64xf32, #tpu.memory_space<hbm>>
    %dma_wait3A_1310 = arith.constant 0 : i32
    %dma_wait3A_1311 = arith.constant 0 : i32
    %dma_wait3A_1312 = tpu.memref_slice %arg7[%dma_wait3A_1301, %dma_wait3A_1310, %dma_wait3A_1311] : memref<7x128x64xf32, #tpu.memory_space<vmem>> -> memref<1x128x64xf32, #tpu.memory_space<vmem>>
    %dma_wait3A_1313 = tpu.memref_squeeze %dma_wait3A_1312 : memref<1x128x64xf32, #tpu.memory_space<vmem>> -> memref<128x64xf32, #tpu.memory_space<vmem>>
    tpu.wait_dma2 semaphore(%arg24 : memref<!tpu.dma_semaphore, #tpu.memory_space<semaphore_mem>>) src(%dma_wait3A_1313 : memref<128x64xf32, #tpu.memory_space<vmem>>) dst(%dma_wait3A_1309 : memref<128x64xf32, #tpu.memory_space<hbm>>)
    %dma_wait3A_1314 = arith.constant 1 : i32
    %dma_wait3A_1315 = arith.constant 0 : i32
    %dma_wait3A_1316 = arith.constant 0 : i32
    %dma_wait3A_1317 = tpu.memref_slice %arg8[%dma_wait3A_1314, %dma_wait3A_1315, %dma_wait3A_1316] : memref<7x128x64xf32, #tpu.memory_space<vmem>> -> memref<1x128x64xf32, #tpu.memory_space<vmem>>
    %dma_wait3A_1318 = tpu.memref_squeeze %dma_wait3A_1317 : memref<1x128x64xf32, #tpu.memory_space<vmem>> -> memref<128x64xf32, #tpu.memory_space<vmem>>
    %dma_wait3A_1319 = arith.constant 64 : i32
    %dma_wait3A_1320 = tpu.memref_slice %arg5[%mul3A_878, %dma_wait3A_1319] : memref<57344x128xf32, #tpu.memory_space<hbm>> -> memref<128x64xf32, #tpu.memory_space<hbm>>
    %dma_wait3A_1321 = arith.constant 64 : i32
    %dma_wait3A_1322 = tpu.memref_slice %arg5[%mul3A_878, %dma_wait3A_1321] : memref<57344x128xf32, #tpu.memory_space<hbm>> -> memref<128x64xf32, #tpu.memory_space<hbm>>
    %dma_wait3A_1323 = arith.constant 0 : i32
    %dma_wait3A_1324 = arith.constant 0 : i32
    %dma_wait3A_1325 = tpu.memref_slice %arg8[%dma_wait3A_1314, %dma_wait3A_1323, %dma_wait3A_1324] : memref<7x128x64xf32, #tpu.memory_space<vmem>> -> memref<1x128x64xf32, #tpu.memory_space<vmem>>
    %dma_wait3A_1326 = tpu.memref_squeeze %dma_wait3A_1325 : memref<1x128x64xf32, #tpu.memory_space<vmem>> -> memref<128x64xf32, #tpu.memory_space<vmem>>
    tpu.wait_dma2 semaphore(%arg31 : memref<!tpu.dma_semaphore, #tpu.memory_space<semaphore_mem>>) src(%dma_wait3A_1326 : memref<128x64xf32, #tpu.memory_space<vmem>>) dst(%dma_wait3A_1322 : memref<128x64xf32, #tpu.memory_space<hbm>>)
    %dma_wait3A_1327 = arith.constant 2 : i32
    %dma_wait3A_1328 = arith.constant 0 : i32
    %dma_wait3A_1329 = arith.constant 0 : i32
    %dma_wait3A_1330 = tpu.memref_slice %arg7[%dma_wait3A_1327, %dma_wait3A_1328, %dma_wait3A_1329] : memref<7x128x64xf32, #tpu.memory_space<vmem>> -> memref<1x128x64xf32, #tpu.memory_space<vmem>>
    %dma_wait3A_1331 = tpu.memref_squeeze %dma_wait3A_1330 : memref<1x128x64xf32, #tpu.memory_space<vmem>> -> memref<128x64xf32, #tpu.memory_space<vmem>>
    %dma_wait3A_1332 = arith.constant 0 : i32
    %dma_wait3A_1333 = tpu.memref_slice %arg5[%mul3A_982, %dma_wait3A_1332] : memref<57344x128xf32, #tpu.memory_space<hbm>> -> memref<128x64xf32, #tpu.memory_space<hbm>>
    %dma_wait3A_1334 = arith.constant 0 : i32
    %dma_wait3A_1335 = tpu.memref_slice %arg5[%mul3A_982, %dma_wait3A_1334] : memref<57344x128xf32, #tpu.memory_space<hbm>> -> memref<128x64xf32, #tpu.memory_space<hbm>>
    %dma_wait3A_1336 = arith.constant 0 : i32
    %dma_wait3A_1337 = arith.constant 0 : i32
    %dma_wait3A_1338 = tpu.memref_slice %arg7[%dma_wait3A_1327, %dma_wait3A_1336, %dma_wait3A_1337] : memref<7x128x64xf32, #tpu.memory_space<vmem>> -> memref<1x128x64xf32, #tpu.memory_space<vmem>>
    %dma_wait3A_1339 = tpu.memref_squeeze %dma_wait3A_1338 : memref<1x128x64xf32, #tpu.memory_space<vmem>> -> memref<128x64xf32, #tpu.memory_space<vmem>>
    tpu.wait_dma2 semaphore(%arg25 : memref<!tpu.dma_semaphore, #tpu.memory_space<semaphore_mem>>) src(%dma_wait3A_1339 : memref<128x64xf32, #tpu.memory_space<vmem>>) dst(%dma_wait3A_1335 : memref<128x64xf32, #tpu.memory_space<hbm>>)
    %dma_wait3A_1340 = arith.constant 2 : i32
    %dma_wait3A_1341 = arith.constant 0 : i32
    %dma_wait3A_1342 = arith.constant 0 : i32
    %dma_wait3A_1343 = tpu.memref_slice %arg8[%dma_wait3A_1340, %dma_wait3A_1341, %dma_wait3A_1342] : memref<7x128x64xf32, #tpu.memory_space<vmem>> -> memref<1x128x64xf32, #tpu.memory_space<vmem>>
    %dma_wait3A_1344 = tpu.memref_squeeze %dma_wait3A_1343 : memref<1x128x64xf32, #tpu.memory_space<vmem>> -> memref<128x64xf32, #tpu.memory_space<vmem>>
    %dma_wait3A_1345 = arith.constant 64 : i32
    %dma_wait3A_1346 = tpu.memref_slice %arg5[%mul3A_982, %dma_wait3A_1345] : memref<57344x128xf32, #tpu.memory_space<hbm>> -> memref<128x64xf32, #tpu.memory_space<hbm>>
    %dma_wait3A_1347 = arith.constant 64 : i32
    %dma_wait3A_1348 = tpu.memref_slice %arg5[%mul3A_982, %dma_wait3A_1347] : memref<57344x128xf32, #tpu.memory_space<hbm>> -> memref<128x64xf32, #tpu.memory_space<hbm>>
    %dma_wait3A_1349 = arith.constant 0 : i32
    %dma_wait3A_1350 = arith.constant 0 : i32
    %dma_wait3A_1351 = tpu.memref_slice %arg8[%dma_wait3A_1340, %dma_wait3A_1349, %dma_wait3A_1350] : memref<7x128x64xf32, #tpu.memory_space<vmem>> -> memref<1x128x64xf32, #tpu.memory_space<vmem>>
    %dma_wait3A_1352 = tpu.memref_squeeze %dma_wait3A_1351 : memref<1x128x64xf32, #tpu.memory_space<vmem>> -> memref<128x64xf32, #tpu.memory_space<vmem>>
    tpu.wait_dma2 semaphore(%arg32 : memref<!tpu.dma_semaphore, #tpu.memory_space<semaphore_mem>>) src(%dma_wait3A_1352 : memref<128x64xf32, #tpu.memory_space<vmem>>) dst(%dma_wait3A_1348 : memref<128x64xf32, #tpu.memory_space<hbm>>)
    %dma_wait3A_1353 = arith.constant 3 : i32
    %dma_wait3A_1354 = arith.constant 0 : i32
    %dma_wait3A_1355 = arith.constant 0 : i32
    %dma_wait3A_1356 = tpu.memref_slice %arg7[%dma_wait3A_1353, %dma_wait3A_1354, %dma_wait3A_1355] : memref<7x128x64xf32, #tpu.memory_space<vmem>> -> memref<1x128x64xf32, #tpu.memory_space<vmem>>
    %dma_wait3A_1357 = tpu.memref_squeeze %dma_wait3A_1356 : memref<1x128x64xf32, #tpu.memory_space<vmem>> -> memref<128x64xf32, #tpu.memory_space<vmem>>
    %dma_wait3A_1358 = arith.constant 0 : i32
    %dma_wait3A_1359 = tpu.memref_slice %arg5[%mul3A_1086, %dma_wait3A_1358] : memref<57344x128xf32, #tpu.memory_space<hbm>> -> memref<128x64xf32, #tpu.memory_space<hbm>>
    %dma_wait3A_1360 = arith.constant 0 : i32
    %dma_wait3A_1361 = tpu.memref_slice %arg5[%mul3A_1086, %dma_wait3A_1360] : memref<57344x128xf32, #tpu.memory_space<hbm>> -> memref<128x64xf32, #tpu.memory_space<hbm>>
    %dma_wait3A_1362 = arith.constant 0 : i32
    %dma_wait3A_1363 = arith.constant 0 : i32
    %dma_wait3A_1364 = tpu.memref_slice %arg7[%dma_wait3A_1353, %dma_wait3A_1362, %dma_wait3A_1363] : memref<7x128x64xf32, #tpu.memory_space<vmem>> -> memref<1x128x64xf32, #tpu.memory_space<vmem>>
    %dma_wait3A_1365 = tpu.memref_squeeze %dma_wait3A_1364 : memref<1x128x64xf32, #tpu.memory_space<vmem>> -> memref<128x64xf32, #tpu.memory_space<vmem>>
    tpu.wait_dma2 semaphore(%arg26 : memref<!tpu.dma_semaphore, #tpu.memory_space<semaphore_mem>>) src(%dma_wait3A_1365 : memref<128x64xf32, #tpu.memory_space<vmem>>) dst(%dma_wait3A_1361 : memref<128x64xf32, #tpu.memory_space<hbm>>)
    %dma_wait3A_1366 = arith.constant 3 : i32
    %dma_wait3A_1367 = arith.constant 0 : i32
    %dma_wait3A_1368 = arith.constant 0 : i32
    %dma_wait3A_1369 = tpu.memref_slice %arg8[%dma_wait3A_1366, %dma_wait3A_1367, %dma_wait3A_1368] : memref<7x128x64xf32, #tpu.memory_space<vmem>> -> memref<1x128x64xf32, #tpu.memory_space<vmem>>
    %dma_wait3A_1370 = tpu.memref_squeeze %dma_wait3A_1369 : memref<1x128x64xf32, #tpu.memory_space<vmem>> -> memref<128x64xf32, #tpu.memory_space<vmem>>
    %dma_wait3A_1371 = arith.constant 64 : i32
    %dma_wait3A_1372 = tpu.memref_slice %arg5[%mul3A_1086, %dma_wait3A_1371] : memref<57344x128xf32, #tpu.memory_space<hbm>> -> memref<128x64xf32, #tpu.memory_space<hbm>>
    %dma_wait3A_1373 = arith.constant 64 : i32
    %dma_wait3A_1374 = tpu.memref_slice %arg5[%mul3A_1086, %dma_wait3A_1373] : memref<57344x128xf32, #tpu.memory_space<hbm>> -> memref<128x64xf32, #tpu.memory_space<hbm>>
    %dma_wait3A_1375 = arith.constant 0 : i32
    %dma_wait3A_1376 = arith.constant 0 : i32
    %dma_wait3A_1377 = tpu.memref_slice %arg8[%dma_wait3A_1366, %dma_wait3A_1375, %dma_wait3A_1376] : memref<7x128x64xf32, #tpu.memory_space<vmem>> -> memref<1x128x64xf32, #tpu.memory_space<vmem>>
    %dma_wait3A_1378 = tpu.memref_squeeze %dma_wait3A_1377 : memref<1x128x64xf32, #tpu.memory_space<vmem>> -> memref<128x64xf32, #tpu.memory_space<vmem>>
    tpu.wait_dma2 semaphore(%arg33 : memref<!tpu.dma_semaphore, #tpu.memory_space<semaphore_mem>>) src(%dma_wait3A_1378 : memref<128x64xf32, #tpu.memory_space<vmem>>) dst(%dma_wait3A_1374 : memref<128x64xf32, #tpu.memory_space<hbm>>)
    %dma_wait3A_1379 = arith.constant 4 : i32
    %dma_wait3A_1380 = arith.constant 0 : i32
    %dma_wait3A_1381 = arith.constant 0 : i32
    %dma_wait3A_1382 = tpu.memref_slice %arg7[%dma_wait3A_1379, %dma_wait3A_1380, %dma_wait3A_1381] : memref<7x128x64xf32, #tpu.memory_space<vmem>> -> memref<1x128x64xf32, #tpu.memory_space<vmem>>
    %dma_wait3A_1383 = tpu.memref_squeeze %dma_wait3A_1382 : memref<1x128x64xf32, #tpu.memory_space<vmem>> -> memref<128x64xf32, #tpu.memory_space<vmem>>
    %dma_wait3A_1384 = arith.constant 0 : i32
    %dma_wait3A_1385 = tpu.memref_slice %arg5[%mul3A_1140, %dma_wait3A_1384] : memref<57344x128xf32, #tpu.memory_space<hbm>> -> memref<128x64xf32, #tpu.memory_space<hbm>>
    %dma_wait3A_1386 = arith.constant 0 : i32
    %dma_wait3A_1387 = tpu.memref_slice %arg5[%mul3A_1140, %dma_wait3A_1386] : memref<57344x128xf32, #tpu.memory_space<hbm>> -> memref<128x64xf32, #tpu.memory_space<hbm>>
    %dma_wait3A_1388 = arith.constant 0 : i32
    %dma_wait3A_1389 = arith.constant 0 : i32
    %dma_wait3A_1390 = tpu.memref_slice %arg7[%dma_wait3A_1379, %dma_wait3A_1388, %dma_wait3A_1389] : memref<7x128x64xf32, #tpu.memory_space<vmem>> -> memref<1x128x64xf32, #tpu.memory_space<vmem>>
    %dma_wait3A_1391 = tpu.memref_squeeze %dma_wait3A_1390 : memref<1x128x64xf32, #tpu.memory_space<vmem>> -> memref<128x64xf32, #tpu.memory_space<vmem>>
    tpu.wait_dma2 semaphore(%arg27 : memref<!tpu.dma_semaphore, #tpu.memory_space<semaphore_mem>>) src(%dma_wait3A_1391 : memref<128x64xf32, #tpu.memory_space<vmem>>) dst(%dma_wait3A_1387 : memref<128x64xf32, #tpu.memory_space<hbm>>)
    %dma_wait3A_1392 = arith.constant 4 : i32
    %dma_wait3A_1393 = arith.constant 0 : i32
    %dma_wait3A_1394 = arith.constant 0 : i32
    %dma_wait3A_1395 = tpu.memref_slice %arg8[%dma_wait3A_1392, %dma_wait3A_1393, %dma_wait3A_1394] : memref<7x128x64xf32, #tpu.memory_space<vmem>> -> memref<1x128x64xf32, #tpu.memory_space<vmem>>
    %dma_wait3A_1396 = tpu.memref_squeeze %dma_wait3A_1395 : memref<1x128x64xf32, #tpu.memory_space<vmem>> -> memref<128x64xf32, #tpu.memory_space<vmem>>
    %dma_wait3A_1397 = arith.constant 64 : i32
    %dma_wait3A_1398 = tpu.memref_slice %arg5[%mul3A_1140, %dma_wait3A_1397] : memref<57344x128xf32, #tpu.memory_space<hbm>> -> memref<128x64xf32, #tpu.memory_space<hbm>>
    %dma_wait3A_1399 = arith.constant 64 : i32
    %dma_wait3A_1400 = tpu.memref_slice %arg5[%mul3A_1140, %dma_wait3A_1399] : memref<57344x128xf32, #tpu.memory_space<hbm>> -> memref<128x64xf32, #tpu.memory_space<hbm>>
    %dma_wait3A_1401 = arith.constant 0 : i32
    %dma_wait3A_1402 = arith.constant 0 : i32
    %dma_wait3A_1403 = tpu.memref_slice %arg8[%dma_wait3A_1392, %dma_wait3A_1401, %dma_wait3A_1402] : memref<7x128x64xf32, #tpu.memory_space<vmem>> -> memref<1x128x64xf32, #tpu.memory_space<vmem>>
    %dma_wait3A_1404 = tpu.memref_squeeze %dma_wait3A_1403 : memref<1x128x64xf32, #tpu.memory_space<vmem>> -> memref<128x64xf32, #tpu.memory_space<vmem>>
    tpu.wait_dma2 semaphore(%arg34 : memref<!tpu.dma_semaphore, #tpu.memory_space<semaphore_mem>>) src(%dma_wait3A_1404 : memref<128x64xf32, #tpu.memory_space<vmem>>) dst(%dma_wait3A_1400 : memref<128x64xf32, #tpu.memory_space<hbm>>)
    %dma_wait3A_1405 = arith.constant 5 : i32
    %dma_wait3A_1406 = arith.constant 0 : i32
    %dma_wait3A_1407 = arith.constant 0 : i32
    %dma_wait3A_1408 = tpu.memref_slice %arg7[%dma_wait3A_1405, %dma_wait3A_1406, %dma_wait3A_1407] : memref<7x128x64xf32, #tpu.memory_space<vmem>> -> memref<1x128x64xf32, #tpu.memory_space<vmem>>
    %dma_wait3A_1409 = tpu.memref_squeeze %dma_wait3A_1408 : memref<1x128x64xf32, #tpu.memory_space<vmem>> -> memref<128x64xf32, #tpu.memory_space<vmem>>
    %dma_wait3A_1410 = arith.constant 0 : i32
    %dma_wait3A_1411 = tpu.memref_slice %arg5[%mul3A_1194, %dma_wait3A_1410] : memref<57344x128xf32, #tpu.memory_space<hbm>> -> memref<128x64xf32, #tpu.memory_space<hbm>>
    %dma_wait3A_1412 = arith.constant 0 : i32
    %dma_wait3A_1413 = tpu.memref_slice %arg5[%mul3A_1194, %dma_wait3A_1412] : memref<57344x128xf32, #tpu.memory_space<hbm>> -> memref<128x64xf32, #tpu.memory_space<hbm>>
    %dma_wait3A_1414 = arith.constant 0 : i32
    %dma_wait3A_1415 = arith.constant 0 : i32
    %dma_wait3A_1416 = tpu.memref_slice %arg7[%dma_wait3A_1405, %dma_wait3A_1414, %dma_wait3A_1415] : memref<7x128x64xf32, #tpu.memory_space<vmem>> -> memref<1x128x64xf32, #tpu.memory_space<vmem>>
    %dma_wait3A_1417 = tpu.memref_squeeze %dma_wait3A_1416 : memref<1x128x64xf32, #tpu.memory_space<vmem>> -> memref<128x64xf32, #tpu.memory_space<vmem>>
    tpu.wait_dma2 semaphore(%arg28 : memref<!tpu.dma_semaphore, #tpu.memory_space<semaphore_mem>>) src(%dma_wait3A_1417 : memref<128x64xf32, #tpu.memory_space<vmem>>) dst(%dma_wait3A_1413 : memref<128x64xf32, #tpu.memory_space<hbm>>)
    %dma_wait3A_1418 = arith.constant 5 : i32
    %dma_wait3A_1419 = arith.constant 0 : i32
    %dma_wait3A_1420 = arith.constant 0 : i32
    %dma_wait3A_1421 = tpu.memref_slice %arg8[%dma_wait3A_1418, %dma_wait3A_1419, %dma_wait3A_1420] : memref<7x128x64xf32, #tpu.memory_space<vmem>> -> memref<1x128x64xf32, #tpu.memory_space<vmem>>
    %dma_wait3A_1422 = tpu.memref_squeeze %dma_wait3A_1421 : memref<1x128x64xf32, #tpu.memory_space<vmem>> -> memref<128x64xf32, #tpu.memory_space<vmem>>
    %dma_wait3A_1423 = arith.constant 64 : i32
    %dma_wait3A_1424 = tpu.memref_slice %arg5[%mul3A_1194, %dma_wait3A_1423] : memref<57344x128xf32, #tpu.memory_space<hbm>> -> memref<128x64xf32, #tpu.memory_space<hbm>>
    %dma_wait3A_1425 = arith.constant 64 : i32
    %dma_wait3A_1426 = tpu.memref_slice %arg5[%mul3A_1194, %dma_wait3A_1425] : memref<57344x128xf32, #tpu.memory_space<hbm>> -> memref<128x64xf32, #tpu.memory_space<hbm>>
    %dma_wait3A_1427 = arith.constant 0 : i32
    %dma_wait3A_1428 = arith.constant 0 : i32
    %dma_wait3A_1429 = tpu.memref_slice %arg8[%dma_wait3A_1418, %dma_wait3A_1427, %dma_wait3A_1428] : memref<7x128x64xf32, #tpu.memory_space<vmem>> -> memref<1x128x64xf32, #tpu.memory_space<vmem>>
    %dma_wait3A_1430 = tpu.memref_squeeze %dma_wait3A_1429 : memref<1x128x64xf32, #tpu.memory_space<vmem>> -> memref<128x64xf32, #tpu.memory_space<vmem>>
    tpu.wait_dma2 semaphore(%arg35 : memref<!tpu.dma_semaphore, #tpu.memory_space<semaphore_mem>>) src(%dma_wait3A_1430 : memref<128x64xf32, #tpu.memory_space<vmem>>) dst(%dma_wait3A_1426 : memref<128x64xf32, #tpu.memory_space<hbm>>)
    %dma_wait3A_1431 = arith.constant 6 : i32
    %dma_wait3A_1432 = arith.constant 0 : i32
    %dma_wait3A_1433 = arith.constant 0 : i32
    %dma_wait3A_1434 = tpu.memref_slice %arg7[%dma_wait3A_1431, %dma_wait3A_1432, %dma_wait3A_1433] : memref<7x128x64xf32, #tpu.memory_space<vmem>> -> memref<1x128x64xf32, #tpu.memory_space<vmem>>
    %dma_wait3A_1435 = tpu.memref_squeeze %dma_wait3A_1434 : memref<1x128x64xf32, #tpu.memory_space<vmem>> -> memref<128x64xf32, #tpu.memory_space<vmem>>
    %dma_wait3A_1436 = arith.constant 0 : i32
    %dma_wait3A_1437 = tpu.memref_slice %arg5[%mul3A_1248, %dma_wait3A_1436] : memref<57344x128xf32, #tpu.memory_space<hbm>> -> memref<128x64xf32, #tpu.memory_space<hbm>>
    %dma_wait3A_1438 = arith.constant 0 : i32
    %dma_wait3A_1439 = tpu.memref_slice %arg5[%mul3A_1248, %dma_wait3A_1438] : memref<57344x128xf32, #tpu.memory_space<hbm>> -> memref<128x64xf32, #tpu.memory_space<hbm>>
    %dma_wait3A_1440 = arith.constant 0 : i32
    %dma_wait3A_1441 = arith.constant 0 : i32
    %dma_wait3A_1442 = tpu.memref_slice %arg7[%dma_wait3A_1431, %dma_wait3A_1440, %dma_wait3A_1441] : memref<7x128x64xf32, #tpu.memory_space<vmem>> -> memref<1x128x64xf32, #tpu.memory_space<vmem>>
    %dma_wait3A_1443 = tpu.memref_squeeze %dma_wait3A_1442 : memref<1x128x64xf32, #tpu.memory_space<vmem>> -> memref<128x64xf32, #tpu.memory_space<vmem>>
    tpu.wait_dma2 semaphore(%arg29 : memref<!tpu.dma_semaphore, #tpu.memory_space<semaphore_mem>>) src(%dma_wait3A_1443 : memref<128x64xf32, #tpu.memory_space<vmem>>) dst(%dma_wait3A_1439 : memref<128x64xf32, #tpu.memory_space<hbm>>)
    %dma_wait3A_1444 = arith.constant 6 : i32
    %dma_wait3A_1445 = arith.constant 0 : i32
    %dma_wait3A_1446 = arith.constant 0 : i32
    %dma_wait3A_1447 = tpu.memref_slice %arg8[%dma_wait3A_1444, %dma_wait3A_1445, %dma_wait3A_1446] : memref<7x128x64xf32, #tpu.memory_space<vmem>> -> memref<1x128x64xf32, #tpu.memory_space<vmem>>
    %dma_wait3A_1448 = tpu.memref_squeeze %dma_wait3A_1447 : memref<1x128x64xf32, #tpu.memory_space<vmem>> -> memref<128x64xf32, #tpu.memory_space<vmem>>
    %dma_wait3A_1449 = arith.constant 64 : i32
    %dma_wait3A_1450 = tpu.memref_slice %arg5[%mul3A_1248, %dma_wait3A_1449] : memref<57344x128xf32, #tpu.memory_space<hbm>> -> memref<128x64xf32, #tpu.memory_space<hbm>>
    %dma_wait3A_1451 = arith.constant 64 : i32
    %dma_wait3A_1452 = tpu.memref_slice %arg5[%mul3A_1248, %dma_wait3A_1451] : memref<57344x128xf32, #tpu.memory_space<hbm>> -> memref<128x64xf32, #tpu.memory_space<hbm>>
    %dma_wait3A_1453 = arith.constant 0 : i32
    %dma_wait3A_1454 = arith.constant 0 : i32
    %dma_wait3A_1455 = tpu.memref_slice %arg8[%dma_wait3A_1444, %dma_wait3A_1453, %dma_wait3A_1454] : memref<7x128x64xf32, #tpu.memory_space<vmem>> -> memref<1x128x64xf32, #tpu.memory_space<vmem>>
    %dma_wait3A_1456 = tpu.memref_squeeze %dma_wait3A_1455 : memref<1x128x64xf32, #tpu.memory_space<vmem>> -> memref<128x64xf32, #tpu.memory_space<vmem>>
    tpu.wait_dma2 semaphore(%arg36 : memref<!tpu.dma_semaphore, #tpu.memory_space<semaphore_mem>>) src(%dma_wait3A_1456 : memref<128x64xf32, #tpu.memory_space<vmem>>) dst(%dma_wait3A_1452 : memref<128x64xf32, #tpu.memory_space<hbm>>)
    return
  }
}

module attributes {stable_mosaic.version = 14 : i64} {
  func.func @body(%arg0: i32, %arg1: memref<7168x128xf32, #tpu.memory_space<vmem>>, %arg2: memref<128x64xf32, #tpu.memory_space<vmem>>, %arg3: memref<128x64xf32, #tpu.memory_space<vmem>>, %arg4: memref<128x64xf32, #tpu.memory_space<vmem>>, %arg5: memref<1x64xf32, #tpu.memory_space<vmem>>, %arg6: memref<64x64xf32, #tpu.memory_space<vmem>>, %arg7: memref<64x64xf32, #tpu.memory_space<vmem>>, %arg8: memref<1x64xf32, #tpu.memory_space<vmem>>, %arg9: memref<64x64xf32, #tpu.memory_space<vmem>>, %arg10: memref<1x64xf32, #tpu.memory_space<vmem>>, %arg11: memref<128x64xf32, #tpu.memory_space<vmem>>, %arg12: memref<128x56xf32, #tpu.memory_space<vmem>>) attributes {dimension_semantics = [#tpu.dimension_semantics<arbitrary>], iteration_bounds = array<i64: 8>, scalar_prefetch = 0 : i64, scratch_operands = 0 : i64, tpu.core_type = #tpu.core_type<tc>, window_params = [{transform_indices = @transform_0, window_bounds = array<i64: 7168, 128>}, {transform_indices = @transform_1, window_bounds = array<i64: 128, 64>}, {transform_indices = @transform_2, window_bounds = array<i64: 128, 64>}, {pipeline_mode = #tpu.pipeline_mode<synchronous>, transform_indices = @transform_3, window_bounds = array<i64: 128, 64>}, {pipeline_mode = #tpu.pipeline_mode<synchronous>, transform_indices = @transform_4, window_bounds = array<i64: 1, 64>}, {pipeline_mode = #tpu.pipeline_mode<synchronous>, transform_indices = @transform_5, window_bounds = array<i64: 64, 64>}, {pipeline_mode = #tpu.pipeline_mode<synchronous>, transform_indices = @transform_6, window_bounds = array<i64: 64, 64>}, {pipeline_mode = #tpu.pipeline_mode<synchronous>, transform_indices = @transform_7, window_bounds = array<i64: 1, 64>}, {pipeline_mode = #tpu.pipeline_mode<synchronous>, transform_indices = @transform_8, window_bounds = array<i64: 64, 64>}, {pipeline_mode = #tpu.pipeline_mode<synchronous>, transform_indices = @transform_9, window_bounds = array<i64: 1, 64>}, {transform_indices = @transform_10, window_bounds = array<i64: 128, 64>}, {transform_indices = @transform_11, window_bounds = array<i64: 128, 56>}]} {
    %get3A = arith.constant 0 : index
    %get3A_0 = arith.constant 0 : index
    %get3A_1 = vector.load %arg1[%get3A, %get3A_0] : memref<7168x128xf32, #tpu.memory_space<vmem>>, vector<7168x128xf32>
    %get3A_2 = arith.constant 0 : index
    %get3A_3 = arith.constant 0 : index
    %get3A_4 = vector.load %arg4[%get3A_2, %get3A_3] : memref<128x64xf32, #tpu.memory_space<vmem>>, vector<128x64xf32>
    %dot_general3A = arith.constant dense<0.000000e+00> : vector<7168x64xf32>
    %dot_general3A_5 = tpu.matmul %get3A_1, %get3A_4, %dot_general3A {dimension_numbers = #tpu.dot_dimension_numbers<[1], [0], [0], [1], [0, 0, 1, 1], [], []>, transpose_lhs_hint = false} : vector<7168x128xf32>, vector<128x64xf32>, vector<7168x64xf32> -> vector<7168x64xf32>
    %get3A_6 = arith.constant 0 : index
    %get3A_7 = arith.constant 0 : index
    %get3A_8 = vector.load %arg5[%get3A_6, %get3A_7] : memref<1x64xf32, #tpu.memory_space<vmem>>, vector<1x64xf32>
    %add3A = vector.broadcast %get3A_8 : vector<1x64xf32> to vector<7168x64xf32>
    %add3A_9 = arith.addf %dot_general3A_5, %add3A : vector<7168x64xf32>
    %max3A = arith.constant 0.000000e+00 : f32
    %max3A_10 = vector.broadcast %max3A : f32 to vector<7168x64xf32>
    %max3A_11 = arith.maximumf %add3A_9, %max3A_10 : vector<7168x64xf32>
    %get3A_12 = arith.constant 0 : index
    %get3A_13 = arith.constant 0 : index
    %get3A_14 = vector.load %arg3[%get3A_12, %get3A_13] : memref<128x64xf32, #tpu.memory_space<vmem>>, vector<128x64xf32>
    %get3A_15 = arith.constant 0 : index
    %get3A_16 = arith.constant 0 : index
    %get3A_17 = vector.load %arg7[%get3A_15, %get3A_16] : memref<64x64xf32, #tpu.memory_space<vmem>>, vector<64x64xf32>
    %dot_general3A_18 = arith.constant dense<0.000000e+00> : vector<128x64xf32>
    %dot_general3A_19 = tpu.matmul %get3A_14, %get3A_17, %dot_general3A_18 {dimension_numbers = #tpu.dot_dimension_numbers<[1], [0], [0], [1], [0, 0, 1, 1], [], []>, transpose_lhs_hint = false} : vector<128x64xf32>, vector<64x64xf32>, vector<128x64xf32> -> vector<128x64xf32>
    %get3A_20 = arith.constant 0 : index
    %get3A_21 = arith.constant 0 : index
    %get3A_22 = vector.load %arg6[%get3A_20, %get3A_21] : memref<64x64xf32, #tpu.memory_space<vmem>>, vector<64x64xf32>
    %dot_general3A_23 = arith.constant dense<0.000000e+00> : vector<7168x64xf32>
    %dot_general3A_24 = tpu.matmul %max3A_11, %get3A_22, %dot_general3A_23 {dimension_numbers = #tpu.dot_dimension_numbers<[1], [0], [0], [1], [0, 0, 1, 1], [], []>, transpose_lhs_hint = false} : vector<7168x64xf32>, vector<64x64xf32>, vector<7168x64xf32> -> vector<7168x64xf32>
    %reshape3A = vector.shape_cast %dot_general3A_24 : vector<7168x64xf32> to vector<128x56x64xf32>
    %broadcast_in_dim3A = vector.shape_cast %dot_general3A_19 : vector<128x64xf32> to vector<128x1x64xf32>
    %add3A_25 = vector.broadcast %broadcast_in_dim3A : vector<128x1x64xf32> to vector<128x56x64xf32>
    %add3A_26 = arith.addf %reshape3A, %add3A_25 : vector<128x56x64xf32>
    %get3A_27 = arith.constant 0 : index
    %get3A_28 = arith.constant 0 : index
    %get3A_29 = vector.load %arg8[%get3A_27, %get3A_28] : memref<1x64xf32, #tpu.memory_space<vmem>>, vector<1x64xf32>
    %broadcast_in_dim3A_30 = vector.shape_cast %get3A_29 : vector<1x64xf32> to vector<1x1x64xf32>
    %add3A_31 = vector.broadcast %broadcast_in_dim3A_30 : vector<1x1x64xf32> to vector<128x56x64xf32>
    %add3A_32 = arith.addf %add3A_26, %add3A_31 : vector<128x56x64xf32>
    %max3A_33 = arith.constant 0.000000e+00 : f32
    %max3A_34 = vector.broadcast %max3A_33 : f32 to vector<128x56x64xf32>
    %max3A_35 = arith.maximumf %add3A_32, %max3A_34 : vector<128x56x64xf32>
    %reshape3A_36 = vector.shape_cast %max3A_35 : vector<128x56x64xf32> to vector<7168x64xf32>
    %get3A_37 = arith.constant 0 : index
    %get3A_38 = arith.constant 0 : index
    %get3A_39 = vector.load %arg9[%get3A_37, %get3A_38] : memref<64x64xf32, #tpu.memory_space<vmem>>, vector<64x64xf32>
    %dot_general3A_40 = arith.constant dense<0.000000e+00> : vector<7168x64xf32>
    %dot_general3A_41 = tpu.matmul %reshape3A_36, %get3A_39, %dot_general3A_40 {dimension_numbers = #tpu.dot_dimension_numbers<[1], [0], [0], [1], [0, 0, 1, 1], [], []>, transpose_lhs_hint = false} : vector<7168x64xf32>, vector<64x64xf32>, vector<7168x64xf32> -> vector<7168x64xf32>
    %reshape3A_42 = vector.shape_cast %dot_general3A_41 : vector<7168x64xf32> to vector<128x56x64xf32>
    %get3A_43 = arith.constant 0 : index
    %get3A_44 = arith.constant 0 : index
    %get3A_45 = vector.load %arg10[%get3A_43, %get3A_44] : memref<1x64xf32, #tpu.memory_space<vmem>>, vector<1x64xf32>
    %broadcast_in_dim3A_46 = vector.shape_cast %get3A_45 : vector<1x64xf32> to vector<1x1x64xf32>
    %add3A_47 = vector.broadcast %broadcast_in_dim3A_46 : vector<1x1x64xf32> to vector<128x56x64xf32>
    %add3A_48 = arith.addf %reshape3A_42, %add3A_47 : vector<128x56x64xf32>
    %max3A_49 = arith.constant 0.000000e+00 : f32
    %max3A_50 = vector.broadcast %max3A_49 : f32 to vector<128x56x64xf32>
    %max3A_51 = arith.maximumf %add3A_48, %max3A_50 : vector<128x56x64xf32>
    %get3A_52 = arith.constant 0 : index
    %get3A_53 = arith.constant 0 : index
    %get3A_54 = vector.load %arg2[%get3A_52, %get3A_53] : memref<128x64xf32, #tpu.memory_space<vmem>>, vector<128x64xf32>
    %broadcast_in_dim3A_55 = vector.shape_cast %get3A_54 : vector<128x64xf32> to vector<128x1x64xf32>
    %mul3A = vector.broadcast %broadcast_in_dim3A_55 : vector<128x1x64xf32> to vector<128x56x64xf32>
    %mul3A_56 = arith.mulf %max3A_51, %mul3A : vector<128x56x64xf32>
    %reduce_sum3A = arith.constant dense<0.000000e+00> : vector<128x56xf32>
    %reduce_sum3A_57 = vector.multi_reduction <add>, %mul3A_56, %reduce_sum3A [2] : vector<128x56x64xf32> to vector<128x56xf32>
    %iota3A = tpu.iota {dimensions = array<i32: 1>} : vector<128x56xi32>
    %lt3A = arith.constant 50 : i32
    %lt3A_58 = vector.broadcast %lt3A : i32 to vector<128x56xi32>
    %lt3A_59 = arith.cmpi slt, %iota3A, %lt3A_58 : vector<128x56xi32>
    %jit3A = arith.constant 0xFF800000 : f32
    %broadcast_in_dim3A_60 = vector.broadcast %jit3A : f32 to vector<128x56xf32>
    %select_n3A = arith.select %lt3A_59, %reduce_sum3A_57, %broadcast_in_dim3A_60 : vector<128x56xi1>, vector<128x56xf32>
    %reduce_max3A = arith.constant dense<0xFF800000> : vector<128xf32>
    %reduce_max3A_61 = vector.multi_reduction <maximumf>, %select_n3A, %reduce_max3A [1] : vector<128x56xf32> to vector<128xf32>
    %broadcast_in_dim3A_62 = vector.shape_cast %reduce_max3A_61 : vector<128xf32> to vector<128x1xf32>
    %sub3A = vector.broadcast %broadcast_in_dim3A_62 : vector<128x1xf32> to vector<128x56xf32>
    %sub3A_63 = arith.subf %select_n3A, %sub3A : vector<128x56xf32>
    %exp3A = math.exp %sub3A_63 : vector<128x56xf32>
    %reduce_sum3A_64 = arith.constant dense<0.000000e+00> : vector<128xf32>
    %reduce_sum3A_65 = vector.multi_reduction <add>, %exp3A, %reduce_sum3A_64 [1] : vector<128x56xf32> to vector<128xf32>
    %broadcast_in_dim3A_66 = vector.shape_cast %reduce_sum3A_65 : vector<128xf32> to vector<128x1xf32>
    %div3A = vector.broadcast %broadcast_in_dim3A_66 : vector<128x1xf32> to vector<128x56xf32>
    %div3A_67 = arith.divf %exp3A, %div3A : vector<128x56xf32>
    %broadcast_in_dim3A_68 = vector.shape_cast %div3A_67 : vector<128x56xf32> to vector<128x56x1xf32>
    %mul3A_69 = vector.broadcast %broadcast_in_dim3A_68 : vector<128x56x1xf32> to vector<128x56x64xf32>
    %mul3A_70 = arith.mulf %max3A_51, %mul3A_69 : vector<128x56x64xf32>
    %reduce_sum3A_71 = arith.constant dense<0.000000e+00> : vector<128x64xf32>
    %reduce_sum3A_72 = vector.multi_reduction <add>, %mul3A_70, %reduce_sum3A_71 [1] : vector<128x56x64xf32> to vector<128x64xf32>
    %swap3A = arith.constant 0 : index
    %swap3A_73 = arith.constant 0 : index
    %swap3A_74 = vector.load %arg11[%swap3A, %swap3A_73] : memref<128x64xf32, #tpu.memory_space<vmem>>, vector<128x64xf32>
    tpu.vector_store %arg11[%swap3A, %swap3A_73], %reduce_sum3A_72 {strides = array<i32>} : memref<128x64xf32, #tpu.memory_space<vmem>>, vector<128x64xf32>,
    %swap3A_75 = arith.constant 0 : index
    %swap3A_76 = arith.constant 0 : index
    %swap3A_77 = vector.load %arg12[%swap3A_75, %swap3A_76] : memref<128x56xf32, #tpu.memory_space<vmem>>, vector<128x56xf32>
    tpu.vector_store %arg12[%swap3A_75, %swap3A_76], %div3A_67 {strides = array<i32>} : memref<128x56xf32, #tpu.memory_space<vmem>>, vector<128x56xf32>,
    return
  }
  func.func @transform_0(%arg0: i32) -> (i32, i32) {
    %c0_i32 = arith.constant 0 : i32
    %c0_i32_0 = arith.constant 0 : i32
    return %arg0, %c0_i32 : i32, i32
  }
  func.func @transform_1(%arg0: i32) -> (i32, i32) {
    %c0_i32 = arith.constant 0 : i32
    %c0_i32_0 = arith.constant 0 : i32
    return %arg0, %c0_i32 : i32, i32
  }
  func.func @transform_2(%arg0: i32) -> (i32, i32) {
    %c0_i32 = arith.constant 0 : i32
    %c0_i32_0 = arith.constant 0 : i32
    return %arg0, %c0_i32 : i32, i32
  }
  func.func @transform_3(%arg0: i32) -> (i32, i32) {
    %c0_i32 = arith.constant 0 : i32
    %c0_i32_0 = arith.constant 0 : i32
    %c0_i32_1 = arith.constant 0 : i32
    return %c0_i32, %c0_i32_0 : i32, i32
  }
  func.func @transform_4(%arg0: i32) -> (i32, i32) {
    %c0_i32 = arith.constant 0 : i32
    %c0_i32_0 = arith.constant 0 : i32
    %c0_i32_1 = arith.constant 0 : i32
    return %c0_i32, %c0_i32_0 : i32, i32
  }
  func.func @transform_5(%arg0: i32) -> (i32, i32) {
    %c0_i32 = arith.constant 0 : i32
    %c0_i32_0 = arith.constant 0 : i32
    %c0_i32_1 = arith.constant 0 : i32
    return %c0_i32, %c0_i32_0 : i32, i32
  }
  func.func @transform_6(%arg0: i32) -> (i32, i32) {
    %c0_i32 = arith.constant 0 : i32
    %c0_i32_0 = arith.constant 0 : i32
    %c0_i32_1 = arith.constant 0 : i32
    return %c0_i32, %c0_i32_0 : i32, i32
  }
  func.func @transform_7(%arg0: i32) -> (i32, i32) {
    %c0_i32 = arith.constant 0 : i32
    %c0_i32_0 = arith.constant 0 : i32
    %c0_i32_1 = arith.constant 0 : i32
    return %c0_i32, %c0_i32_0 : i32, i32
  }
  func.func @transform_8(%arg0: i32) -> (i32, i32) {
    %c0_i32 = arith.constant 0 : i32
    %c0_i32_0 = arith.constant 0 : i32
    %c0_i32_1 = arith.constant 0 : i32
    return %c0_i32, %c0_i32_0 : i32, i32
  }
  func.func @transform_9(%arg0: i32) -> (i32, i32) {
    %c0_i32 = arith.constant 0 : i32
    %c0_i32_0 = arith.constant 0 : i32
    %c0_i32_1 = arith.constant 0 : i32
    return %c0_i32, %c0_i32_0 : i32, i32
  }
  func.func @transform_10(%arg0: i32) -> (i32, i32) {
    %c0_i32 = arith.constant 0 : i32
    %c0_i32_0 = arith.constant 0 : i32
    return %arg0, %c0_i32 : i32, i32
  }
  func.func @transform_11(%arg0: i32) -> (i32, i32) {
    %c0_i32 = arith.constant 0 : i32
    %c0_i32_0 = arith.constant 0 : i32
    return %arg0, %c0_i32 : i32, i32
  }
}

</mosaic_0001>

<sc_bundles>
// kernel: kernel.4.cloned.1.call-start
scs
__scs_entry_jumppad:
0x0: {  	(pc) =	sbr.rel $0x88, $3  }
0x1: {  	(tag) =	ssettag $0x0;
	lr =	simm.s32 $0x1  }
0x2: {  	[smem:$0x3F96] =	sst lr;
	_ =	strace $0xD0000000  }
0x3: {  	_ = 	snop  }
0x4: {  	_ = 	snop  }
0x5: {  	_ = 	snop  }
0x6: {  	_ = 	snop  }
0x7: {  	_ = 	snop  }
__scs_overlays_trampoline_lowered:
0x8: {  	[smem:$0x3FA5] =	sst s0  }
0x9: {  	[smem:$0x3FA6] =	sst s1  }
0xa: {  	[smem:$0x3FA7] =	sst s2  }
0xb: {  	[smem:$0x3FA8] =	sst s3  }
0xc: {  	[smem:$0x3FA9] =	sst s4  }
0xd: {  	[smem:$0x3FAA] =	sst s5  }
0xe: {  	[smem:$0x3FAB] =	sst s6  }
0xf: {  	[smem:$0x3FAC] =	sst s7  }
0x10: {  	[smem:$0x3FAD] =	sst s8  }
0x11: {  	[smem:$0x3FAE] =	sst s9;
	s0 =	simm.s32 @!p0 $0x0  }
0x12: {  	s1 =	sld [smem:$0x3F94];
	s0 =	simm.s32 @p0 $0x1  }
0x13: {  	[smem:$0x3FAF] =	sst s0;
	s0 =	simm.s32 @!p1 $0x0  }
0x14: {  	s2 =	sld [smem:$0x3F93];
	s0 =	simm.s32 @p1 $0x1  }
0x15: {  	[smem:$0x3FB0] =	sst s0;
	s0 =	simm.s32 @!p2 $0x0  }
0x16: {  	s3 =	sld [smem:$0x3FDB];
	s0 =	simm.s32 @p2 $0x1  }
0x17: {  	s4 =	simm.s32 $0x1BF5;
	[smem:$0x3FB2] =	sst s0  }
0x18: {  	s0 =	sld [smem:$0x3F95];
	_ =	swait.ge [sflag:s4], $0x0  }
0x19: {  	s7 =	sld [smem:$0x3F96]  }
0x1a: {  	s8 =	sadd.s32 $0xFFFFE003, lr  }
0x1b: {  	s9 =	sadd.s32 $0xFFFFFEF7, lr;
	s5 =	simm.s32 $0xFFFFFFFF;
	p2 =	slt.u32 s8, $0xFFFFF086  }
0x1c: {  	p1 =	slt.u32 s9, $0xF7A;
	s5 =	simm.s32 @!p2 $0x0  }
0x1d: {  	s5 =	simm.s32 @p1 $0x1;
	p0 =	seq.s32 s7, s2  }
0x1e: {  	s7 =	smul.u32 @!p0 $0xF7A, s2;
	p2 =	seq.s32 @!p0 s5, $0x0  }
0x1f: {  	s9 =	smul.u32 $0xF7A, s1;
	s8 =	simm.s32 @!p0 $0x1BF5;
	p2 =	por !p2, p0  }
0x20: {  	[sflag:s8] =	ssyncset.s32 @!p0 $0xFFFFF086;
	s6 =	sadd.s32 @!p0 s3, s7;
	s7 =	simm.s32 @!p0 $0x108  }
0x21: {  	s3 =	sadd.s32 s3, s9;
	s6 =	sadd.s32 @!p0 $0x88, s6;
	s7 =	simm.s32 @p2 $0x1082  }
0x22: {  	[simem:s7], [sflag:s8] =	dma.local @!p0 [hbm:s6], $0xF7A  }
0x23: {  	s9 =	sor.u32 $0xD0000000, s2;
	s6 =	simm.s32 $0x108;
	_ =	swait.ge @!p0 [sflag:s8], $0x0  }
0x24: {  	s3 =	sadd.s32 $0x88, s3;
	s6 =	simm.s32 @!p1 $0x1082;
	[sflag:s4] =	ssyncset.s32 $0xFFFFF086  }
0x25: {  	[simem:s6], [sflag:s4] =	dma.local [hbm:s3], $0xF7A  }
0x26: {  	[smem:$0x3F96] =	sst s1;
	(tag) =	ssettag s2;
	_ =	strace s9  }
0x27: {  	s1 =	sld [smem:$0x3FA6]  }
0x28: {  	s2 =	sld [smem:$0x3FA7]  }
0x29: {  	s4 =	sld [smem:$0x3FA9]  }
0x2a: {  	p0 =	seq.s32 s5, $0x0;
	s5 =	sld [smem:$0x3FAA]  }
0x2b: {  	s6 =	sld [smem:$0x3FAB]  }
0x2c: {  	s7 =	sld [smem:$0x3FAC]  }
0x2d: {  	s3 =	simm.s32 $0x108;
	s8 =	sld [smem:$0x3FAD]  }
0x2e: {  	s3 =	simm.s32 @!p0 $0x1082;
	s9 =	sld [smem:$0x3FAE]  }
0x2f: {  	lr =	sadd.s32 s0, s3;
	s0 =	sld [smem:$0x3FA5]  }
0x30: {  	s3 =	sld [smem:$0x3FA8]  }
0x31: {  	[smem:$0x3FB1] =	sst s10  }
0x32: {  	s10 =	sld [smem:$0x3FAF];
	_ =	sdelay $0x3  }
0x33: {  	p0 =	seq.s32 s10, $0x1;
	s10 =	sld [smem:$0x3FB1];
	_ =	sdelay $0x3  }
0x34: {  	[smem:$0x3FB1] =	sst s10  }
0x35: {  	s10 =	sld [smem:$0x3FB0];
	_ =	sdelay $0x3  }
0x36: {  	p1 =	seq.s32 s10, $0x1;
	s10 =	sld [smem:$0x3FB1];
	_ =	sdelay $0x3  }
0x37: {  	[smem:$0x3FB1] =	sst s10  }
0x38: {  	s10 =	sld [smem:$0x3FB2]  }
0x39: {  	_ = 	snop;
	(pc) =	sbr.ind lr, $3  }
0x3a: {  	_ = 	snop  }
0x3b: {  	_ = 	snop  }
0x3c: {  	p2 =	seq.s32 s10, $0x1;
	s10 =	sld [smem:$0x3FB1]  }
0x3d: {  	_ =	shalt  }
0x3e: {  	_ =	shalt  }
0x3f: {  	_ =	shalt  }
0x40: {  	_ =	shalt  }
0x41: {  	_ =	shalt  }
0x42: {  	_ =	shalt  }
0x43: {  	_ =	shalt  }
0x44: {  	_ =	shalt  }
0x45: {  	_ =	shalt  }
0x46: {  	_ =	shalt  }
0x47: {  	_ =	shalt  }
0x48: {  	_ =	shalt  }
0x49: {  	_ =	shalt  }
0x4a: {  	_ =	shalt  }
0x4b: {  	_ =	shalt  }
0x4c: {  	_ =	shalt  }
0x4d: {  	_ =	shalt  }
0x4e: {  	_ =	shalt  }
0x4f: {  	_ =	shalt  }
0x50: {  	_ =	shalt  }
0x51: {  	_ =	shalt  }
0x52: {  	_ =	shalt  }
0x53: {  	_ =	shalt  }
0x54: {  	_ =	shalt  }
0x55: {  	_ =	shalt  }
0x56: {  	_ =	shalt  }
0x57: {  	_ =	shalt  }
0x58: {  	_ =	shalt  }
0x59: {  	_ =	shalt  }
0x5a: {  	_ =	shalt  }
0x5b: {  	_ =	shalt  }
0x5c: {  	_ =	shalt  }
0x5d: {  	_ =	shalt  }
0x5e: {  	_ =	shalt  }
0x5f: {  	_ =	shalt  }
0x60: {  	_ =	shalt  }
0x61: {  	_ =	shalt  }
0x62: {  	_ =	shalt  }
0x63: {  	_ =	shalt  }
0x64: {  	_ =	shalt  }
0x65: {  	_ =	shalt  }
0x66: {  	_ =	shalt  }
0x67: {  	_ =	shalt  }
0x68: {  	_ =	shalt  }
0x69: {  	_ =	shalt  }
0x6a: {  	_ =	shalt  }
0x6b: {  	_ =	shalt  }
0x6c: {  	_ =	shalt  }
0x6d: {  	_ =	shalt  }
0x6e: {  	_ =	shalt  }
0x6f: {  	_ =	shalt  }
0x70: {  	_ =	shalt  }
0x71: {  	_ =	shalt  }
0x72: {  	_ =	shalt  }
0x73: {  	_ =	shalt  }
0x74: {  	_ =	shalt  }
0x75: {  	_ =	shalt  }
0x76: {  	_ =	shalt  }
0x77: {  	_ =	shalt  }
0x78: {  	_ =	shalt  }
0x79: {  	_ =	shalt  }
0x7a: {  	_ =	shalt  }
0x7b: {  	_ =	shalt  }
0x7c: {  	_ =	shalt  }
0x7d: {  	_ =	shalt  }
0x7e: {  	_ =	shalt  }
0x7f: {  	_ =	shalt  }
0x80: {  	_ =	shalt  }
0x81: {  	_ =	shalt  }
0x82: {  	_ =	shalt  }
0x83: {  	_ =	shalt  }
0x84: {  	_ =	shalt  }
0x85: {  	_ =	shalt  }
0x86: {  	_ =	shalt  }
0x87: {  	_ =	shalt  }
.Lfunc_end0:
.L_simem_size_0:
called_computation_lowered:
.L_overlay_start_0:
0x88: {  	s2 =	sld [smem:$0x3FD9]  }
0x89: {  	s3 =	sld [smem:$0x3FFE];
	_ =	sdelay $0x1  }
0x8a: {  	s1 =	srdreg.scid  }
0x8b: {  	s0 =	sand.u32 $0x1, s1  }
0x8c: {  	s14 =	sshll.u32 s0, $0xA;
	s2 =	sadd.s32 s3, s2  }
0x8d: {  	s2 =	sadd.s32 s2, s14  }
0x8e: {  	[smem:$0x3FBD] =	sst s2  }
0x8f: {  	_ = 	snop  }
0x90: {  	s2 =	sld [smem:$0x3FD0];
	_ =	sdelay $0x2  }
0x91: {  	s15 =	simm.s32 $0xA;
	s4 =	simm.s32 $0x10  }
0x92: {  	[smem:s4], [sflag:s15] =	dma.local [hbm:s2], $0x1  }
0x93: {  	_ =	swait.eq [sflag:s15], $0x1  }
0x94: {  	[sflag:s15] =	ssyncset.done $0x0  }
0x95: {  	[sflag:s15] =	ssyncadd.s32 $0xFFFFFFFF  }
0x96: {  	s16 =	sld [smem:$0x10];
	(tm) =	ssettm $0x1  }
0x97: {  	s17 =	sld [smem:$0x3FFB];
	_ =	sdelay $0x3  }
0x98: {  	_ =	strace s17  }
0x99: {  	s3 =	sld [smem:$0x3FFC];
	_ =	sdelay $0x3  }
0x9a: {  	_ =	strace s3  }
0x9b: {  	s3 =	sld [smem:$0x3FFD];
	_ =	sdelay $0x3  }
0x9c: {  	_ =	strace s3  }
0x9d: {  	_ =	strace $0x8FFFFFFF  }
0x9e: {  	s18 =	sld [smem:$0x3FDB];
	_ =	sdelay $0x1  }
0x9f: {  	s19 =	simm.s32 $_scs_section_size  }
0xa0: {  	s5 =	simm.s32 $_size__tile_overlayer_lowered;
	s6 =	simm.s32 $_tile_overlayer_lowered  }
0xa1: {  	s22 =	simm.s32 $0x1BFF;
	s21 =	sshll.u32 s6, $0x1;
	s3 =	sadd.s32 s19, s18  }
0xa2: {  	s7 =	simm.s32 $0x0;
	s20 =	sshll.u32 s5, $0x1;
	s5 =	sadd.s32 s21, s3  }
0xa3: {  	[timem:s7], [sflag:s22] =	dma.local [hbm:s5], s20  }
0xa4: {  	_ =	swait.ge [sflag:s22], s20  }
0xa5: {  	s4 =	ssub.s32 $0x0, s20;
	[sflag:s22] =	ssyncset.done $0x0  }
0xa6: {  	[sflag:s22] =	ssyncadd.s32 s4;
	_ =	sdelay $0x1  }
0xa7: {  	s23 =	simm.s32 $0x1B8B  }
0xa8: {  	_ =	swait.ge [sflag:s23], $0x1  }
0xa9: {  	[sflag:s23] =	ssyncset.done $0x0  }
0xaa: {  	s25 =	simm.s32 $0x1B8E;
	s24 =	sld [smem:$0x3FFE];
	[sflag:s23] =	ssyncadd.s32 $0xFFFFFFFF  }
0xab: {  	s26 =	simm.s32 $execute0_lowered;
	[smem:$0x3FD2] =	sst s25  }
0xac: {  	s5 =	sshll.u32 s26, $0x1;
	_ =	strace $0x80000046;
	[dreg:$0x1] =	wrdreg $0xFFFFFFFF  }
0xad: {  	s28 =	simm.s32 $_size_execute0_lowered;
	s3 =	sadd.s32 s3, s5;
	[dreg:$0x0] =	wrdreg $0x0  }
0xae: {  	s5 =	sshll.u32 s28, $0x1;
	[dreg:$0x2] =	wrdreg s3  }
0xaf: {  	[dreg:$0x3] =	wrdreg s5  }
0xb0: {  	[dreg:$0x4] =	wrdreg $0xC0  }
0xb1: {  	_ =	task [dreg:s7], $0x5FFFF  }
0xb2: {  	[dreg:$0x1] =	wrdreg $0xFFFFFFFF  }
0xb3: {  	[dreg:$0x0] =	wrdreg $0x60  }
0xb4: {  	[dreg:$0x2] =	wrdreg s16  }
0xb5: {  	[dreg:$0x3] =	wrdreg s24  }
0xb6: {  	[dreg:$0x4] =	wrdreg $0x9  }
0xb7: {  	_ =	task.clear_ibuf [dreg:s7], $0x5FFFF;
	_ =	strace $0x90000046  }
0xb8: {  	s29 =	simm.s32 $0x9;
	_ =	strace $0x80000048  }
0xb9: {  	_ =	swait.ge [sflag:s29], $0x1  }
0xba: {  	[sflag:s29] =	ssyncadd.s32 $0xFFFFFFFF  }
0xbb: {  	_ =	strace $0x90000048  }
0xbc: {  	_ =	sfence  }
0xbd: {  	s30 =	sld [smem:$0x0];
	_ =	sdelay $0x2  }
0xbe: {  	s31 =	sshll.u32 s1, $0xD;
	s1 =	sshrl.u32 s1, $0x2  }
0xbf: {  	s3 =	sand.u32 $0x4000, s31;
	s1 =	sadd.s32 s1, s30  }
0xc0: {  	s0 =	sor.u32 s3, s0;
	s1 =	sshll.u32 s1, $0x11  }
0xc1: {  	s0 =	sor.u32 s1, s0  }
0xc2: {  	s0 =	sadd.s32 $0x8F2B, s0  }
0xc3: {  	[sflag:s0] =	ssyncadd.remote.s32 $0x1  }
0xc4: {  	_ =	sfence.sel $0xFFFF  }
0xc5: {  	[dreg:$0x0] =	wrdreg $0xFFFFFFFF;
	(pc) =	sbr.abs _section_cstart, $3  }
0xc6: {  	[dreg:$0x1] =	wrdreg $0xFFFFFFFF  }
0xc7: {  	_ =	task.clear_ibuf [dreg:s7], $0x2FFFF;
	_ =	strace $0x9FFFFFFF  }
0xc8: {  	(tm) =	ssettm $0x7FFFFFFF  }
0xc9: {  	_ =	shalt  }
tec
execute0_lowered:
.L_overlay_start_1:
0x0: {  	(tag) =	ssettag $0x1  }
0x1: {  	s0 =	srdreg.scid;
	s1 =	stileid.u32  }
0x2: {  	s0 =	sand.u32 $0x1, s0;
	s1 =	sshll.u32 s1, $0x1  }
0x3: {  	s1 =	sor.u32 s0, s1  }
0x4: {  	s4 =	smul.u32 $0x38000, s1  }
0x5: {  	s2 =	rddreg [dreg:$0x0];
	s1 =	smul.u32 $0xE0, s1  }
0x6: {  	s3 =	rddreg [dreg:$0x1];
	s5 =	simm.s32 $0x0;
	s4 =	sshrl.u32 s4, $0x3  }
0x7: {  	[smem:$0x7FF] =	sst s5;
	s1 =	sadd.s32 s2, s1;
	s4 =	sadd.s32 s4, s3  }
0x8: {  	_ =	strace $0x80000047;
	[dreg:$0x3] =	wrdreg s1;
	s23 =	sadd.s32 $0x3200, s4  }
0x9: {  	s24 =	sadd.s32 $0x3208, s4;
	[dreg:$0x4] =	wrdreg s23  }
0xa: {  	s25 =	sadd.s32 $0x3A00, s4;
	[dreg:$0x5] =	wrdreg s24  }
0xb: {  	s26 =	sadd.s32 $0x3A08, s4;
	[dreg:$0x6] =	wrdreg s25  }
0xc: {  	s30 =	sadd.s32 $0x4200, s4;
	[dreg:$0x7] =	wrdreg s26  }
0xd: {  	s2 =	sadd.s32 $0x4208, s4;
	[dreg:$0x8] =	wrdreg s30  }
0xe: {  	s5 =	sadd.s32 $0x4A00, s4;
	[dreg:$0x9] =	wrdreg s2  }
0xf: {  	s6 =	sadd.s32 $0x4A08, s4;
	[dreg:$0xa] =	wrdreg s5  }
0x10: {  	s7 =	sadd.s32 $0x5200, s4;
	[dreg:$0xb] =	wrdreg s6  }
0x11: {  	s8 =	sadd.s32 $0x5208, s4;
	[dreg:$0xc] =	wrdreg s7  }
0x12: {  	s9 =	sadd.s32 $0x5A00, s4;
	[dreg:$0xd] =	wrdreg s8  }
0x13: {  	s10 =	sadd.s32 $0x5A08, s4;
	[dreg:$0xe] =	wrdreg s9  }
0x14: {  	s11 =	sadd.s32 $0x6200, s4;
	[dreg:$0xf] =	wrdreg s10  }
0x15: {  	s12 =	sadd.s32 $0x6208, s4;
	[dreg:$0x10] =	wrdreg s11  }
0x16: {  	s13 =	sadd.s32 $0x6A00, s4;
	[dreg:$0x11] =	wrdreg s12  }
0x17: {  	s14 =	sadd.s32 $0x6A08, s4;
	[dreg:$0x12] =	wrdreg s13  }
0x18: {  	s15 =	sadd.s32 $0x7200, s4;
	[dreg:$0x13] =	wrdreg s14  }
0x19: {  	s31 =	simm.s32 $0x10700;
	s16 =	sadd.s32 $0x7208, s4;
	[dreg:$0x14] =	wrdreg s15  }
0x1a: {  	s29 =	simm.s32 $0x4700;
	s17 =	sadd.s32 $0x7A00, s4;
	[dreg:$0x15] =	wrdreg s16  }
0x1b: {  	p0 =	por $0x0, $0x0;
	s18 =	sadd.s32 $0x7A08, s4;
	[dreg:$0x16] =	wrdreg s17  }
0x1c: {  	s28 =	simm.s32 $0xC;
	s19 =	sadd.s32 $0x8200, s4;
	[dreg:$0x17] =	wrdreg s18  }
0x1d: {  	s0 =	ssub.s32 $0x2, s0;
	s20 =	sadd.s32 $0x8208, s4;
	[dreg:$0x18] =	wrdreg s19  }
0x1e: {  	s21 =	sadd.s32 $0x8A00, s4;
	s22 =	sadd.s32 $0x8A08, s4;
	[dreg:$0x19] =	wrdreg s20  }
0x1f: {  	s9 =	sadd.s32 $0x24D200, s3;
	[dreg:$0x1a] =	wrdreg s21;
	s12 =	sadd.s32 $0x189C00, s3  }
0x20: {  	[dreg:$0x1b] =	wrdreg s22;
	s23 =	sadd.s32 $0x9200, s4;
	s24 =	sadd.s32 $0x9208, s4  }
0x21: {  	s25 =	sshrl.u32 s0, $0x1;
	s26 =	sadd.s32 $0x9A00, s4;
	s30 =	sadd.s32 $0x9A08, s4  }
0x22: {  	s7 =	simm.s32 $0x1D;
	s2 =	simm.s32 $0x80;
	s5 =	simm.s32 $0x700  }
0x23: {  	s17 =	simm.s32 $0x2700;
	s8 =	simm.s32 $0x6700;
	s0 =	ssub.s32 s0, s25  }
0x24: {  	s3 =	simm.s32 $0x40;
	s18 =	simm.s32 $0x8700;
	s0 =	smax.u32 s0, $0x1  }
0x25: {  	s20 =	simm.s32 $0x16700;
	s6 =	rddreg [dreg:$0x3];
	p1 =	sne.s32 s0, $0x1  }
.Ltmp0:
0x26: {  	s22 =	simm.s32 $0x4;
	[dreg:$0x1c] =	wrdreg s23;
	(pc) =	sbr.rel @!p1 .LBB2_5-.Ltmp0, $4  }
0x27: {  	s21 =	simm.s32 $0xB;
	s19 =	simm.s32 $0x5;
	[dreg:$0x1d] =	wrdreg s24  }
0x28: {  	s4 =	simm.s32 $0x6;
	s10 =	simm.s32 $0xE;
	[dreg:$0x1e] =	wrdreg s26  }
0x29: {  	[dreg:$0x1f] =	wrdreg s30;
	s25 =	simm.s32 $0x12700;
	s24 =	simm.s32 $0x14700  }
0x2a: {  	s26 =	simm.s32 $0xD;
	s1 =	sadd.s32 $0xFFFFFFFF, s0;
	s0 =	simm.s32 $0x7  }
0x2b: {  	[smem:$0x7FD] =	sst s1;
	s30 =	simm.s32 $0x1D;
	s7 =	simm.s32 $0x0  }
0x2c: {  	[tilespmem:s7], [sflag:$0x1D] =	stream.linear.gather [hbm4b:s6+s7], $0x700, $0x38;
	[tilespmem:$0x1C700] =	vst v63  }
0x2d: {  	_ =	swait.ge [sflag:s30], $0x700  }
0x2e: {  	[sflag:s30] =	ssyncset.done $0x0  }
0x2f: {  	[sflag:s30] =	ssyncadd.s32 $0xFFFFF900  }
0x30: {  	[tilespmem:s5], [sflag:$0x1] =	stream.indirect.gather [hbm4b:s9+s2], $0x40, s7, s2, $0xb8;
	[tilespmem:$0x1C700] =	vst v63  }
0x31: {  	s30 =	simm.s32 $0xE700  }
0x32: {  	[tilespmem:s30], [sflag:$0x8] =	stream.indirect.gather [hbm4b:s12+s2], $0x40, s7, s2, $0xb8;
	[tilespmem:$0x1C700] =	vst v63  }
0x33: {  	_ = 	snop  }
0x34: {  	[tilespmem:s17], [sflag:$0x2] =	stream.indirect.gather [hbm4b:s9+s2], $0x40, s2, s2, $0xb8;
	[tilespmem:$0x1C700] =	vst v63  }
0x35: {  	_ = 	snop  }
0x36: {  	[tilespmem:s31], [sflag:$0x9] =	stream.indirect.gather [hbm4b:s12+s2], $0x40, s2, s2, $0xb8;
	[tilespmem:$0x1C700] =	vst v63  }
0x37: {  	s1 =	simm.s32 $0x100  }
0x38: {  	[tilespmem:s29], [sflag:$0x3] =	stream.indirect.gather [hbm4b:s9+s2], $0x40, s1, s2, $0xb8;
	[tilespmem:$0x1C700] =	vst v63  }
0x39: {  	_ = 	snop  }
0x3a: {  	[tilespmem:s25], [sflag:$0xA] =	stream.indirect.gather [hbm4b:s12+s2], $0x40, s1, s2, $0xb8;
	[tilespmem:$0x1C700] =	vst v63  }
0x3b: {  	s6 =	simm.s32 $0x180  }
0x3c: {  	[tilespmem:s8], [sflag:$0x4] =	stream.indirect.gather [hbm4b:s9+s2], $0x40, s6, s2, $0xb8;
	[tilespmem:$0x1C700] =	vst v63  }
0x3d: {  	s15 =	simm.s32 $0x1  }
0x3e: {  	[tilespmem:s24], [sflag:$0xB] =	stream.indirect.gather [hbm4b:s12+s2], $0x40, s6, s2, $0xb8;
	[tilespmem:$0x1C700] =	vst v63  }
0x3f: {  	_ =	swait.ge [sflag:s15], $0x2000  }
0x40: {  	[sflag:s15] =	ssyncset.done $0x0  }
0x41: {  	s14 =	simm.s32 $0x8;
	[sflag:s15] =	ssyncadd.s32 $0xFFFFE000  }
0x42: {  	_ =	swait.ge [sflag:s14], $0x2000  }
0x43: {  	[sflag:s14] =	ssyncset.done $0x0  }
0x44: {  	s11 =	simm.s32 $0x700;
	s7 =	rddreg [dreg:$0x4];
	[sflag:s14] =	ssyncadd.s32 $0xFFFFE000  }
0x45: {  	[hbm4b:s7+s3] =	stream.strided.scatter [tilespmem:s11], [sflag:$0xF], $0x2000, s2, s3, $0x38;
	[tilespmem:$0x1C700] =	vst v63  }
0x46: {  	s13 =	rddreg [dreg:$0x5]  }
0x47: {  	[hbm4b:s13+s3] =	stream.strided.scatter [tilespmem:s30], [sflag:$0x16], $0x2000, s2, s3, $0x38;
	[tilespmem:$0x1C700] =	vst v63  }
0x48: {  	s16 =	simm.s32 $0x200  }
0x49: {  	[tilespmem:s18], [sflag:$0x5] =	stream.indirect.gather [hbm4b:s9+s2], $0x40, s16, s2, $0xb8;
	[tilespmem:$0x1C700] =	vst v63  }
0x4a: {  	s13 =	simm.s32 $0x2  }
0x4b: {  	[tilespmem:s20], [sflag:$0xC] =	stream.indirect.gather [hbm4b:s12+s2], $0x40, s16, s2, $0xb8;
	[tilespmem:$0x1C700] =	vst v63  }
0x4c: {  	_ =	swait.ge [sflag:s13], $0x2000  }
0x4d: {  	[sflag:s13] =	ssyncset.done $0x0  }
0x4e: {  	s11 =	simm.s32 $0x9;
	[sflag:s13] =	ssyncadd.s32 $0xFFFFE000  }
0x4f: {  	_ =	swait.ge [sflag:s11], $0x2000  }
0x50: {  	[sflag:s11] =	ssyncset.done $0x0  }
0x51: {  	s23 =	rddreg [dreg:$0x6];
	[sflag:s11] =	ssyncadd.s32 $0xFFFFE000  }
0x52: {  	[hbm4b:s23+s3] =	stream.strided.scatter [tilespmem:s17], [sflag:$0x10], $0x2000, s2, s3, $0x38;
	[tilespmem:$0x1C700] =	vst v63  }
0x53: {  	s1 =	rddreg [dreg:$0x7]  }
0x54: {  	[hbm4b:s1+s3] =	stream.strided.scatter [tilespmem:s31], [sflag:$0x17], $0x2000, s2, s3, $0x38;
	[tilespmem:$0x1C700] =	vst v63  }
0x55: {  	s6 =	simm.s32 $0xA700;
	s16 =	simm.s32 $0x280  }
0x56: {  	[tilespmem:s6], [sflag:$0x6] =	stream.indirect.gather [hbm4b:s9+s2], $0x40, s16, s2, $0xb8;
	[tilespmem:$0x1C700] =	vst v63  }
0x57: {  	s23 =	simm.s32 $0x18700  }
0x58: {  	[tilespmem:s23], [sflag:$0xD] =	stream.indirect.gather [hbm4b:s12+s2], $0x40, s16, s2, $0xb8;
	[tilespmem:$0x1C700] =	vst v63  }
0x59: {  	s16 =	simm.s32 $0x3  }
0x5a: {  	_ =	swait.ge [sflag:s16], $0x2000  }
0x5b: {  	[sflag:s16] =	ssyncset.done $0x0  }
0x5c: {  	s1 =	simm.s32 $0xA;
	[sflag:s16] =	ssyncadd.s32 $0xFFFFE000  }
0x5d: {  	_ =	swait.ge [sflag:s1], $0x2000  }
0x5e: {  	[sflag:s1] =	ssyncset.done $0x0  }
0x5f: {  	s5 =	rddreg [dreg:$0x8];
	[sflag:s1] =	ssyncadd.s32 $0xFFFFE000  }
0x60: {  	[hbm4b:s5+s3] =	stream.strided.scatter [tilespmem:s29], [sflag:$0x11], $0x2000, s2, s3, $0x38;
	[tilespmem:$0x1C700] =	vst v63  }
0x61: {  	s6 =	rddreg [dreg:$0x9]  }
0x62: {  	[hbm4b:s6+s3] =	stream.strided.scatter [tilespmem:s25], [sflag:$0x18], $0x2000, s2, s3, $0x38;
	[tilespmem:$0x1C700] =	vst v63  }
0x63: {  	s5 =	simm.s32 $0x300;
	s6 =	simm.s32 $0xC700  }
0x64: {  	[tilespmem:s6], [sflag:$0x7] =	stream.indirect.gather [hbm4b:s9+s2], $0x40, s5, s2, $0xb8;
	[tilespmem:$0x1C700] =	vst v63  }
0x65: {  	s6 =	simm.s32 $0x1A700  }
0x66: {  	[tilespmem:s6], [sflag:$0xE] =	stream.indirect.gather [hbm4b:s12+s2], $0x40, s5, s2, $0xb8;
	[tilespmem:$0x1C700] =	vst v63  }
0x67: {  	_ =	swait.ge [sflag:s22], $0x2000  }
0x68: {  	[sflag:s22] =	ssyncset.done $0x0  }
0x69: {  	[sflag:s22] =	ssyncadd.s32 $0xFFFFE000  }
0x6a: {  	_ =	swait.ge [sflag:s21], $0x2000  }
0x6b: {  	[sflag:s21] =	ssyncset.done $0x0  }
0x6c: {  	s6 =	rddreg [dreg:$0xa];
	[sflag:s21] =	ssyncadd.s32 $0xFFFFE000  }
0x6d: {  	[hbm4b:s6+s3] =	stream.strided.scatter [tilespmem:s8], [sflag:$0x12], $0x2000, s2, s3, $0x38;
	[tilespmem:$0x1C700] =	vst v63  }
0x6e: {  	s22 =	rddreg [dreg:$0xb];
	s21 =	simm.s32 $0xF  }
0x6f: {  	[hbm4b:s22+s3] =	stream.strided.scatter [tilespmem:s24], [sflag:$0x19], $0x2000, s2, s3, $0x38;
	[tilespmem:$0x1C700] =	vst v63  }
0x70: {  	_ =	swait.ge [sflag:s21], $0x2000  }
0x71: {  	[sflag:s21] =	ssyncset.done $0x0  }
0x72: {  	s22 =	simm.s32 $0x16;
	[sflag:s21] =	ssyncadd.s32 $0xFFFFE000  }
0x73: {  	_ =	swait.ge [sflag:s22], $0x2000  }
0x74: {  	[sflag:s22] =	ssyncset.done $0x0  }
0x75: {  	s7 =	simm.s32 $0x700;
	s6 =	simm.s32 $0x380;
	[sflag:s22] =	ssyncadd.s32 $0xFFFFE000  }
0x76: {  	[tilespmem:s7], [sflag:$0x1] =	stream.indirect.gather [hbm4b:s9+s2], $0x40, s6, s2, $0xb8;
	[tilespmem:$0x1C700] =	vst v63  }
0x77: {  	_ = 	snop  }
0x78: {  	[tilespmem:s30], [sflag:$0x8] =	stream.indirect.gather [hbm4b:s12+s2], $0x40, s6, s2, $0xb8;
	[tilespmem:$0x1C700] =	vst v63  }
0x79: {  	_ =	swait.ge [sflag:s19], $0x2000  }
0x7a: {  	[sflag:s19] =	ssyncset.done $0x0  }
0x7b: {  	[sflag:s19] =	ssyncadd.s32 $0xFFFFE000  }
0x7c: {  	_ =	swait.ge [sflag:s28], $0x2000  }
0x7d: {  	[sflag:s28] =	ssyncset.done $0x0  }
0x7e: {  	s21 =	rddreg [dreg:$0xc];
	[sflag:s28] =	ssyncadd.s32 $0xFFFFE000  }
0x7f: {  	[hbm4b:s21+s3] =	stream.strided.scatter [tilespmem:s18], [sflag:$0x13], $0x2000, s2, s3, $0x38;
	[tilespmem:$0x1C700] =	vst v63  }
0x80: {  	s22 =	rddreg [dreg:$0xd]  }
0x81: {  	[hbm4b:s22+s3] =	stream.strided.scatter [tilespmem:s20], [sflag:$0x1A], $0x2000, s2, s3, $0x38;
	[tilespmem:$0x1C700] =	vst v63  }
0x82: {  	s22 =	simm.s32 $0x10  }
0x83: {  	_ =	swait.ge [sflag:s22], $0x2000  }
0x84: {  	[sflag:s22] =	ssyncset.done $0x0  }
0x85: {  	s21 =	simm.s32 $0x17;
	[sflag:s22] =	ssyncadd.s32 $0xFFFFE000  }
0x86: {  	_ =	swait.ge [sflag:s21], $0x2000  }
0x87: {  	[sflag:s21] =	ssyncset.done $0x0  }
0x88: {  	s6 =	simm.s32 $0x400;
	[sflag:s21] =	ssyncadd.s32 $0xFFFFE000  }
0x89: {  	[tilespmem:s17], [sflag:$0x2] =	stream.indirect.gather [hbm4b:s9+s2], $0x40, s6, s2, $0xb8;
	[tilespmem:$0x1C700] =	vst v63  }
0x8a: {  	_ = 	snop  }
0x8b: {  	[tilespmem:s31], [sflag:$0x9] =	stream.indirect.gather [hbm4b:s12+s2], $0x40, s6, s2, $0xb8;
	[tilespmem:$0x1C700] =	vst v63  }
0x8c: {  	_ =	swait.ge [sflag:s4], $0x2000  }
0x8d: {  	[sflag:s4] =	ssyncset.done $0x0  }
0x8e: {  	[sflag:s4] =	ssyncadd.s32 $0xFFFFE000  }
0x8f: {  	_ =	swait.ge [sflag:s26], $0x2000  }
0x90: {  	[sflag:s26] =	ssyncset.done $0x0  }
0x91: {  	s19 =	simm.s32 $0xA700;
	s7 =	rddreg [dreg:$0xe];
	[sflag:s26] =	ssyncadd.s32 $0xFFFFE000  }
0x92: {  	[hbm4b:s7+s3] =	stream.strided.scatter [tilespmem:s19], [sflag:$0x14], $0x2000, s2, s3, $0x38;
	[tilespmem:$0x1C700] =	vst v63  }
0x93: {  	s23 =	simm.s32 $0x18700;
	s6 =	rddreg [dreg:$0xf];
	s19 =	simm.s32 $0x11  }
0x94: {  	[hbm4b:s6+s3] =	stream.strided.scatter [tilespmem:s23], [sflag:$0x1B], $0x2000, s2, s3, $0x38;
	[tilespmem:$0x1C700] =	vst v63  }
0x95: {  	_ =	swait.ge [sflag:s19], $0x2000  }
0x96: {  	[sflag:s19] =	ssyncset.done $0x0  }
0x97: {  	s23 =	simm.s32 $0x18;
	[sflag:s19] =	ssyncadd.s32 $0xFFFFE000  }
0x98: {  	_ =	swait.ge [sflag:s23], $0x2000  }
0x99: {  	[sflag:s23] =	ssyncset.done $0x0  }
0x9a: {  	s6 =	simm.s32 $0x480;
	[sflag:s23] =	ssyncadd.s32 $0xFFFFE000  }
0x9b: {  	[tilespmem:s29], [sflag:$0x3] =	stream.indirect.gather [hbm4b:s9+s2], $0x40, s6, s2, $0xb8;
	[tilespmem:$0x1C700] =	vst v63  }
0x9c: {  	_ = 	snop  }
0x9d: {  	[tilespmem:s25], [sflag:$0xA] =	stream.indirect.gather [hbm4b:s12+s2], $0x40, s6, s2, $0xb8;
	[tilespmem:$0x1C700] =	vst v63  }
0x9e: {  	_ =	swait.ge [sflag:s0], $0x2000  }
0x9f: {  	[sflag:s0] =	ssyncset.done $0x0  }
0xa0: {  	[sflag:s0] =	ssyncadd.s32 $0xFFFFE000  }
0xa1: {  	_ =	swait.ge [sflag:s10], $0x2000  }
0xa2: {  	[sflag:s10] =	ssyncset.done $0x0  }
0xa3: {  	s7 =	rddreg [dreg:$0x10];
	[sflag:s10] =	ssyncadd.s32 $0xFFFFE000;
	s10 =	simm.s32 $0xC700  }
0xa4: {  	[hbm4b:s7+s3] =	stream.strided.scatter [tilespmem:s10], [sflag:$0x15], $0x2000, s2, s3, $0x38;
	[tilespmem:$0x1C700] =	vst v63  }
0xa5: {  	s6 =	rddreg [dreg:$0x11];
	s10 =	simm.s32 $0x1A700;
	s7 =	simm.s32 $0x12  }
0xa6: {  	[hbm4b:s6+s3] =	stream.strided.scatter [tilespmem:s10], [sflag:$0x1C], $0x2000, s2, s3, $0x38;
	[tilespmem:$0x1C700] =	vst v63  }
0xa7: {  	_ =	swait.ge [sflag:s7], $0x2000  }
0xa8: {  	[sflag:s7] =	ssyncset.done $0x0  }
0xa9: {  	s10 =	simm.s32 $0x19;
	[sflag:s7] =	ssyncadd.s32 $0xFFFFE000  }
0xaa: {  	_ =	swait.ge [sflag:s10], $0x2000  }
0xab: {  	[sflag:s10] =	ssyncset.done $0x0  }
0xac: {  	s6 =	simm.s32 $0x500;
	[sflag:s10] =	ssyncadd.s32 $0xFFFFE000  }
0xad: {  	[tilespmem:s8], [sflag:$0x4] =	stream.indirect.gather [hbm4b:s9+s2], $0x40, s6, s2, $0xb8;
	[tilespmem:$0x1C700] =	vst v63  }
0xae: {  	_ = 	snop  }
0xaf: {  	[tilespmem:s24], [sflag:$0xB] =	stream.indirect.gather [hbm4b:s12+s2], $0x40, s6, s2, $0xb8;
	[tilespmem:$0x1C700] =	vst v63  }
0xb0: {  	_ =	swait.ge [sflag:s15], $0x2000  }
0xb1: {  	[sflag:s15] =	ssyncset.done $0x0  }
0xb2: {  	[sflag:s15] =	ssyncadd.s32 $0xFFFFE000  }
0xb3: {  	_ =	swait.ge [sflag:s14], $0x2000  }
0xb4: {  	[sflag:s14] =	ssyncset.done $0x0  }
0xb5: {  	s15 =	simm.s32 $0x700;
	s5 =	rddreg [dreg:$0x12];
	[sflag:s14] =	ssyncadd.s32 $0xFFFFE000  }
0xb6: {  	[hbm4b:s5+s3] =	stream.strided.scatter [tilespmem:s15], [sflag:$0xF], $0x2000, s2, s3, $0x38;
	[tilespmem:$0x1C700] =	vst v63  }
0xb7: {  	s6 =	rddreg [dreg:$0x13];
	s14 =	simm.s32 $0x13  }
0xb8: {  	[hbm4b:s6+s3] =	stream.strided.scatter [tilespmem:s30], [sflag:$0x16], $0x2000, s2, s3, $0x38;
	[tilespmem:$0x1C700] =	vst v63  }
0xb9: {  	_ =	swait.ge [sflag:s14], $0x2000  }
0xba: {  	[sflag:s14] =	ssyncset.done $0x0  }
0xbb: {  	s15 =	simm.s32 $0x1A;
	[sflag:s14] =	ssyncadd.s32 $0xFFFFE000  }
0xbc: {  	_ =	swait.ge [sflag:s15], $0x2000  }
0xbd: {  	[sflag:s15] =	ssyncset.done $0x0  }
0xbe: {  	s6 =	simm.s32 $0x580;
	[sflag:s15] =	ssyncadd.s32 $0xFFFFE000  }
0xbf: {  	[tilespmem:s18], [sflag:$0x5] =	stream.indirect.gather [hbm4b:s9+s2], $0x40, s6, s2, $0xb8;
	[tilespmem:$0x1C700] =	vst v63  }
0xc0: {  	_ = 	snop  }
0xc1: {  	[tilespmem:s20], [sflag:$0xC] =	stream.indirect.gather [hbm4b:s12+s2], $0x40, s6, s2, $0xb8;
	[tilespmem:$0x1C700] =	vst v63  }
0xc2: {  	_ =	swait.ge [sflag:s13], $0x2000  }
0xc3: {  	[sflag:s13] =	ssyncset.done $0x0  }
0xc4: {  	[sflag:s13] =	ssyncadd.s32 $0xFFFFE000  }
0xc5: {  	_ =	swait.ge [sflag:s11], $0x2000  }
0xc6: {  	[sflag:s11] =	ssyncset.done $0x0  }
0xc7: {  	s13 =	rddreg [dreg:$0x14];
	[sflag:s11] =	ssyncadd.s32 $0xFFFFE000  }
0xc8: {  	[hbm4b:s13+s3] =	stream.strided.scatter [tilespmem:s17], [sflag:$0x10], $0x2000, s2, s3, $0x38;
	[tilespmem:$0x1C700] =	vst v63  }
0xc9: {  	s30 =	rddreg [dreg:$0x15];
	s11 =	simm.s32 $0x14  }
0xca: {  	[hbm4b:s30+s3] =	stream.strided.scatter [tilespmem:s31], [sflag:$0x17], $0x2000, s2, s3, $0x38;
	[tilespmem:$0x1C700] =	vst v63  }
0xcb: {  	_ =	swait.ge [sflag:s11], $0x2000  }
0xcc: {  	[sflag:s11] =	ssyncset.done $0x0  }
0xcd: {  	s13 =	simm.s32 $0x1B;
	[sflag:s11] =	ssyncadd.s32 $0xFFFFE000  }
0xce: {  	_ =	swait.ge [sflag:s13], $0x2000  }
0xcf: {  	[sflag:s13] =	ssyncset.done $0x0  }
0xd0: {  	s6 =	simm.s32 $0x600;
	s30 =	simm.s32 $0xA700;
	[sflag:s13] =	ssyncadd.s32 $0xFFFFE000  }
0xd1: {  	[tilespmem:s30], [sflag:$0x6] =	stream.indirect.gather [hbm4b:s9+s2], $0x40, s6, s2, $0xb8;
	[tilespmem:$0x1C700] =	vst v63  }
0xd2: {  	s31 =	simm.s32 $0x18700  }
0xd3: {  	[tilespmem:s31], [sflag:$0xD] =	stream.indirect.gather [hbm4b:s12+s2], $0x40, s6, s2, $0xb8;
	[tilespmem:$0x1C700] =	vst v63  }
0xd4: {  	_ =	swait.ge [sflag:s16], $0x2000  }
0xd5: {  	[sflag:s16] =	ssyncset.done $0x0  }
0xd6: {  	[sflag:s16] =	ssyncadd.s32 $0xFFFFE000  }
0xd7: {  	_ =	swait.ge [sflag:s1], $0x2000  }
0xd8: {  	[sflag:s1] =	ssyncset.done $0x0  }
0xd9: {  	s16 =	rddreg [dreg:$0x16];
	[sflag:s1] =	ssyncadd.s32 $0xFFFFE000  }
0xda: {  	[hbm4b:s16+s3] =	stream.strided.scatter [tilespmem:s29], [sflag:$0x11], $0x2000, s2, s3, $0x38;
	[tilespmem:$0x1C700] =	vst v63  }
0xdb: {  	s17 =	rddreg [dreg:$0x17];
	s16 =	simm.s32 $0x15  }
0xdc: {  	[hbm4b:s17+s3] =	stream.strided.scatter [tilespmem:s25], [sflag:$0x18], $0x2000, s2, s3, $0x38;
	[tilespmem:$0x1C700] =	vst v63  }
0xdd: {  	_ =	swait.ge [sflag:s16], $0x2000  }
0xde: {  	[sflag:s16] =	ssyncset.done $0x0  }
0xdf: {  	s29 =	simm.s32 $0x1C;
	[sflag:s16] =	ssyncadd.s32 $0xFFFFE000  }
0xe0: {  	_ =	swait.ge [sflag:s29], $0x2000  }
0xe1: {  	[sflag:s29] =	ssyncset.done $0x0  }
0xe2: {  	s5 =	simm.s32 $0x680;
	s17 =	simm.s32 $0xC700;
	[sflag:s29] =	ssyncadd.s32 $0xFFFFE000  }
0xe3: {  	[tilespmem:s17], [sflag:$0x7] =	stream.indirect.gather [hbm4b:s9+s2], $0x40, s5, s2, $0xb8;
	[tilespmem:$0x1C700] =	vst v63  }
0xe4: {  	s6 =	simm.s32 $0x4;
	s25 =	simm.s32 $0x1A700  }
0xe5: {  	[tilespmem:s25], [sflag:$0xE] =	stream.indirect.gather [hbm4b:s12+s2], $0x40, s5, s2, $0xb8;
	[tilespmem:$0x1C700] =	vst v63  }
0xe6: {  	_ =	swait.ge [sflag:s6], $0x2000  }
0xe7: {  	[sflag:s6] =	ssyncset.done $0x0  }
0xe8: {  	s5 =	simm.s32 $0xB;
	[sflag:s6] =	ssyncadd.s32 $0xFFFFE000  }
0xe9: {  	_ =	swait.ge [sflag:s5], $0x2000  }
0xea: {  	[sflag:s5] =	ssyncset.done $0x0  }
0xeb: {  	s6 =	rddreg [dreg:$0x18];
	[sflag:s5] =	ssyncadd.s32 $0xFFFFE000  }
0xec: {  	[hbm4b:s6+s3] =	stream.strided.scatter [tilespmem:s8], [sflag:$0x12], $0x2000, s2, s3, $0x38;
	[tilespmem:$0x1C700] =	vst v63  }
0xed: {  	s1 =	rddreg [dreg:$0x19];
	s8 =	simm.s32 $0x5  }
0xee: {  	[hbm4b:s1+s3] =	stream.strided.scatter [tilespmem:s24], [sflag:$0x19], $0x2000, s2, s3, $0x38;
	[tilespmem:$0x1C700] =	vst v63  }
0xef: {  	_ =	swait.ge [sflag:s8], $0x2000  }
0xf0: {  	[sflag:s8] =	ssyncset.done $0x0  }
0xf1: {  	[sflag:s8] =	ssyncadd.s32 $0xFFFFE000  }
0xf2: {  	_ =	swait.ge [sflag:s28], $0x2000  }
0xf3: {  	[sflag:s28] =	ssyncset.done $0x0  }
0xf4: {  	s24 =	rddreg [dreg:$0x1a];
	[sflag:s28] =	ssyncadd.s32 $0xFFFFE000  }
0xf5: {  	[hbm4b:s24+s3] =	stream.strided.scatter [tilespmem:s18], [sflag:$0x13], $0x2000, s2, s3, $0x38;
	[tilespmem:$0x1C700] =	vst v63  }
0xf6: {  	s1 =	rddreg [dreg:$0x1b]  }
0xf7: {  	[hbm4b:s1+s3] =	stream.strided.scatter [tilespmem:s20], [sflag:$0x1A], $0x2000, s2, s3, $0x38;
	[tilespmem:$0x1C700] =	vst v63  }
0xf8: {  	_ =	swait.ge [sflag:s4], $0x2000  }
0xf9: {  	[sflag:s4] =	ssyncset.done $0x0  }
0xfa: {  	[sflag:s4] =	ssyncadd.s32 $0xFFFFE000  }
0xfb: {  	_ =	swait.ge [sflag:s26], $0x2000  }
0xfc: {  	[sflag:s26] =	ssyncset.done $0x0  }
0xfd: {  	s6 =	rddreg [dreg:$0x1c];
	[sflag:s26] =	ssyncadd.s32 $0xFFFFE000  }
0xfe: {  	[hbm4b:s6+s3] =	stream.strided.scatter [tilespmem:s30], [sflag:$0x14], $0x2000, s2, s3, $0x38;
	[tilespmem:$0x1C700] =	vst v63  }
0xff: {  	s8 =	rddreg [dreg:$0x1d]  }
0x100: {  	[hbm4b:s8+s3] =	stream.strided.scatter [tilespmem:s31], [sflag:$0x1B], $0x2000, s2, s3, $0x38;
	[tilespmem:$0x1C700] =	vst v63  }
0x101: {  	_ =	swait.ge [sflag:s0], $0x2000  }
0x102: {  	[sflag:s0] =	ssyncset.done $0x0  }
0x103: {  	s18 =	simm.s32 $0xE;
	[sflag:s0] =	ssyncadd.s32 $0xFFFFE000  }
0x104: {  	_ =	swait.ge [sflag:s18], $0x2000  }
0x105: {  	[sflag:s18] =	ssyncset.done $0x0  }
0x106: {  	s20 =	rddreg [dreg:$0x1e];
	[sflag:s18] =	ssyncadd.s32 $0xFFFFE000  }
0x107: {  	[hbm4b:s20+s3] =	stream.strided.scatter [tilespmem:s17], [sflag:$0x15], $0x2000, s2, s3, $0x38;
	[tilespmem:$0x1C700] =	vst v63  }
0x108: {  	s26 =	simm.s32 $0xF;
	s24 =	rddreg [dreg:$0x1f]  }
0x109: {  	[hbm4b:s24+s3] =	stream.strided.scatter [tilespmem:s25], [sflag:$0x1C], $0x2000, s2, s3, $0x38;
	[tilespmem:$0x1C700] =	vst v63  }
0x10a: {  	_ =	swait.ge [sflag:s26], $0x2000  }
0x10b: {  	[sflag:s26] =	ssyncset.done $0x0  }
0x10c: {  	s28 =	simm.s32 $0x16;
	[sflag:s26] =	ssyncadd.s32 $0xFFFFE000  }
0x10d: {  	_ =	swait.ge [sflag:s28], $0x2000  }
0x10e: {  	[sflag:s28] =	ssyncset.done $0x0  }
0x10f: {  	[sflag:s28] =	ssyncadd.s32 $0xFFFFE000  }
0x110: {  	_ =	swait.ge [sflag:s22], $0x2000  }
0x111: {  	[sflag:s22] =	ssyncset.done $0x0  }
0x112: {  	[sflag:s22] =	ssyncadd.s32 $0xFFFFE000  }
0x113: {  	_ =	swait.ge [sflag:s21], $0x2000  }
0x114: {  	[sflag:s21] =	ssyncset.done $0x0  }
0x115: {  	[sflag:s21] =	ssyncadd.s32 $0xFFFFE000  }
0x116: {  	_ =	swait.ge [sflag:s19], $0x2000  }
0x117: {  	[sflag:s19] =	ssyncset.done $0x0  }
0x118: {  	[sflag:s19] =	ssyncadd.s32 $0xFFFFE000  }
0x119: {  	_ =	swait.ge [sflag:s23], $0x2000  }
0x11a: {  	[sflag:s23] =	ssyncset.done $0x0  }
0x11b: {  	[sflag:s23] =	ssyncadd.s32 $0xFFFFE000  }
0x11c: {  	_ =	swait.ge [sflag:s7], $0x2000  }
0x11d: {  	[sflag:s7] =	ssyncset.done $0x0  }
0x11e: {  	[sflag:s7] =	ssyncadd.s32 $0xFFFFE000  }
0x11f: {  	_ =	swait.ge [sflag:s10], $0x2000  }
0x120: {  	[sflag:s10] =	ssyncset.done $0x0  }
0x121: {  	[sflag:s10] =	ssyncadd.s32 $0xFFFFE000  }
0x122: {  	_ =	swait.ge [sflag:s14], $0x2000  }
0x123: {  	[sflag:s14] =	ssyncset.done $0x0  }
0x124: {  	[sflag:s14] =	ssyncadd.s32 $0xFFFFE000  }
0x125: {  	_ =	swait.ge [sflag:s15], $0x2000  }
0x126: {  	[sflag:s15] =	ssyncset.done $0x0  }
0x127: {  	[sflag:s15] =	ssyncadd.s32 $0xFFFFE000  }
0x128: {  	_ =	swait.ge [sflag:s11], $0x2000  }
0x129: {  	[sflag:s11] =	ssyncset.done $0x0  }
0x12a: {  	[sflag:s11] =	ssyncadd.s32 $0xFFFFE000  }
0x12b: {  	_ =	swait.ge [sflag:s13], $0x2000  }
0x12c: {  	[sflag:s13] =	ssyncset.done $0x0  }
0x12d: {  	[sflag:s13] =	ssyncadd.s32 $0xFFFFE000  }
0x12e: {  	_ =	swait.ge [sflag:s16], $0x2000  }
0x12f: {  	s30 =	sld [smem:$0x7FD];
	_ =	sdelay $0x2  }
0x130: {  	p1 =	sne.s32 s30, $0x1  }
.Ltmp1:
0x131: {  	_ = 	snop;
	(pc) =	sbr.rel @!p1 .LBB2_6-.Ltmp1, $4  }
0x132: {  	[sflag:s16] =	ssyncset.done $0x0  }
0x133: {  	s29 =	simm.s32 $0x1C;
	[sflag:s16] =	ssyncadd.s32 $0xFFFFE000  }
0x134: {  	p0 =	por $0x1, $0x1;
	s7 =	simm.s32 $0x1C;
	_ =	swait.ge [sflag:s29], $0x2000  }
0x135: {  	s31 =	sadd.s32 $0xFFFFFFFF, s30;
	s6 =	rddreg [dreg:$0x3];
	[sflag:s29] =	ssyncset.done $0x0  }
0x136: {  	s24 =	simm.s32 $0xF;
	s21 =	simm.s32 $0x16  }
0x137: {  	s22 =	simm.s32 $0x5;
	s25 =	simm.s32 $0x10;
	s19 =	simm.s32 $0x17  }
.LBB2_3:
0x138: {  	[sflag:s7] =	ssyncadd.s32 $0xFFFFE000;
	s18 =	simm.s32 $0x0;
	s0 =	simm.s32 $0x1D  }
0x139: {  	[tilespmem:s18], [sflag:$0x1D] =	stream.linear.gather [hbm4b:s6+s18], $0x700, $0x38;
	[tilespmem:$0x1C700] =	vst v63  }
0x13a: {  	_ =	swait.ge [sflag:s0], $0x700  }
0x13b: {  	[sflag:s0] =	ssyncset.done $0x0  }
0x13c: {  	s29 =	simm.s32 $0x700;
	[sflag:s0] =	ssyncadd.s32 $0xFFFFF900  }
0x13d: {  	[tilespmem:s29], [sflag:$0x1] =	stream.indirect.gather [hbm4b:s9+s2], $0x40, s18, s2, $0xb8;
	[tilespmem:$0x1C700] =	vst v63  }
0x13e: {  	s30 =	simm.s32 $0xE700  }
0x13f: {  	[tilespmem:s30], [sflag:$0x8] =	stream.indirect.gather [hbm4b:s12+s2], $0x40, s18, s2, $0xb8;
	[tilespmem:$0x1C700] =	vst v63  }
0x140: {  	s20 =	simm.s32 $0x2700  }
0x141: {  	[tilespmem:s20], [sflag:$0x2] =	stream.indirect.gather [hbm4b:s9+s2], $0x40, s2, s2, $0xb8;
	[tilespmem:$0x1C700] =	vst v63  }
0x142: {  	s23 =	simm.s32 $0x10700  }
0x143: {  	[tilespmem:s23], [sflag:$0x9] =	stream.indirect.gather [hbm4b:s12+s2], $0x40, s2, s2, $0xb8;
	[tilespmem:$0x1C700] =	vst v63  }
0x144: {  	s26 =	simm.s32 $0x100;
	s28 =	simm.s32 $0x4700  }
0x145: {  	[tilespmem:s28], [sflag:$0x3] =	stream.indirect.gather [hbm4b:s9+s2], $0x40, s26, s2, $0xb8;
	[tilespmem:$0x1C700] =	vst v63  }
0x146: {  	s5 =	simm.s32 $0x12700  }
0x147: {  	[tilespmem:s5], [sflag:$0xA] =	stream.indirect.gather [hbm4b:s12+s2], $0x40, s26, s2, $0xb8;
	[tilespmem:$0x1C700] =	vst v63  }
0x148: {  	s7 =	simm.s32 $0x180;
	s8 =	simm.s32 $0x6700  }
0x149: {  	[tilespmem:s8], [sflag:$0x4] =	stream.indirect.gather [hbm4b:s9+s2], $0x40, s7, s2, $0xb8;
	[tilespmem:$0x1C700] =	vst v63  }
0x14a: {  	s11 =	simm.s32 $0x14700;
	s15 =	simm.s32 $0x1  }
0x14b: {  	[tilespmem:s11], [sflag:$0xB] =	stream.indirect.gather [hbm4b:s12+s2], $0x40, s7, s2, $0xb8;
	[tilespmem:$0x1C700] =	vst v63  }
0x14c: {  	_ =	swait.ge [sflag:s15], $0x2000  }
0x14d: {  	[sflag:s15] =	ssyncset.done $0x0  }
0x14e: {  	s14 =	simm.s32 $0x8;
	[sflag:s15] =	ssyncadd.s32 $0xFFFFE000  }
0x14f: {  	_ =	swait.ge [sflag:s14], $0x2000  }
0x150: {  	[sflag:s14] =	ssyncset.done $0x0  }
0x151: {  	s13 =	rddreg [dreg:$0x4];
	[sflag:s14] =	ssyncadd.s32 $0xFFFFE000  }
0x152: {  	[hbm4b:s13+s3] =	stream.strided.scatter [tilespmem:s29], [sflag:$0xF], $0x2000, s2, s3, $0x38;
	[tilespmem:$0x1C700] =	vst v63  }
0x153: {  	s17 =	rddreg [dreg:$0x5]  }
0x154: {  	[hbm4b:s17+s3] =	stream.strided.scatter [tilespmem:s30], [sflag:$0x16], $0x2000, s2, s3, $0x38;
	[tilespmem:$0x1C700] =	vst v63  }
0x155: {  	s20 =	simm.s32 $0x200;
	s23 =	simm.s32 $0x8700  }
0x156: {  	[tilespmem:s23], [sflag:$0x5] =	stream.indirect.gather [hbm4b:s9+s2], $0x40, s20, s2, $0xb8;
	[tilespmem:$0x1C700] =	vst v63  }
0x157: {  	s26 =	simm.s32 $0x16700;
	s13 =	simm.s32 $0x2  }
0x158: {  	[tilespmem:s26], [sflag:$0xC] =	stream.indirect.gather [hbm4b:s12+s2], $0x40, s20, s2, $0xb8;
	[tilespmem:$0x1C700] =	vst v63  }
0x159: {  	_ =	swait.ge [sflag:s13], $0x2000  }
0x15a: {  	[sflag:s13] =	ssyncset.done $0x0  }
0x15b: {  	s11 =	simm.s32 $0x9;
	[sflag:s13] =	ssyncadd.s32 $0xFFFFE000  }
0x15c: {  	_ =	swait.ge [sflag:s11], $0x2000  }
0x15d: {  	[sflag:s11] =	ssyncset.done $0x0  }
0x15e: {  	s4 =	simm.s32 $0x2700;
	s28 =	rddreg [dreg:$0x6];
	[sflag:s11] =	ssyncadd.s32 $0xFFFFE000  }
0x15f: {  	[hbm4b:s28+s3] =	stream.strided.scatter [tilespmem:s4], [sflag:$0x10], $0x2000, s2, s3, $0x38;
	[tilespmem:$0x1C700] =	vst v63  }
0x160: {  	s1 =	simm.s32 $0x10700;
	s0 =	rddreg [dreg:$0x7]  }
0x161: {  	[hbm4b:s0+s3] =	stream.strided.scatter [tilespmem:s1], [sflag:$0x17], $0x2000, s2, s3, $0x38;
	[tilespmem:$0x1C700] =	vst v63  }
0x162: {  	s20 =	simm.s32 $0xA700;
	s26 =	simm.s32 $0x280  }
0x163: {  	[tilespmem:s20], [sflag:$0x6] =	stream.indirect.gather [hbm4b:s9+s2], $0x40, s26, s2, $0xb8;
	[tilespmem:$0x1C700] =	vst v63  }
0x164: {  	s28 =	simm.s32 $0x18700;
	s20 =	simm.s32 $0x3  }
0x165: {  	[tilespmem:s28], [sflag:$0xD] =	stream.indirect.gather [hbm4b:s12+s2], $0x40, s26, s2, $0xb8;
	[tilespmem:$0x1C700] =	vst v63  }
0x166: {  	_ =	swait.ge [sflag:s20], $0x2000  }
0x167: {  	[sflag:s20] =	ssyncset.done $0x0  }
0x168: {  	s28 =	simm.s32 $0xA;
	[sflag:s20] =	ssyncadd.s32 $0xFFFFE000  }
0x169: {  	_ =	swait.ge [sflag:s28], $0x2000  }
0x16a: {  	[sflag:s28] =	ssyncset.done $0x0  }
0x16b: {  	s16 =	simm.s32 $0x4700;
	s0 =	rddreg [dreg:$0x8];
	[sflag:s28] =	ssyncadd.s32 $0xFFFFE000  }
0x16c: {  	[hbm4b:s0+s3] =	stream.strided.scatter [tilespmem:s16], [sflag:$0x11], $0x2000, s2, s3, $0x38;
	[tilespmem:$0x1C700] =	vst v63  }
0x16d: {  	s10 =	simm.s32 $0x12700;
	s1 =	rddreg [dreg:$0x9]  }
0x16e: {  	[hbm4b:s1+s3] =	stream.strided.scatter [tilespmem:s10], [sflag:$0x18], $0x2000, s2, s3, $0x38;
	[tilespmem:$0x1C700] =	vst v63  }
0x16f: {  	s7 =	simm.s32 $0xC700;
	s10 =	simm.s32 $0x300  }
0x170: {  	[tilespmem:s7], [sflag:$0x7] =	stream.indirect.gather [hbm4b:s9+s2], $0x40, s10, s2, $0xb8;
	[tilespmem:$0x1C700] =	vst v63  }
0x171: {  	s16 =	simm.s32 $0x1A700  }
0x172: {  	[tilespmem:s16], [sflag:$0xE] =	stream.indirect.gather [hbm4b:s12+s2], $0x40, s10, s2, $0xb8;
	[tilespmem:$0x1C700] =	vst v63  }
0x173: {  	s10 =	simm.s32 $0x4  }
0x174: {  	_ =	swait.ge [sflag:s10], $0x2000  }
0x175: {  	[sflag:s10] =	ssyncset.done $0x0  }
0x176: {  	s16 =	simm.s32 $0xB;
	[sflag:s10] =	ssyncadd.s32 $0xFFFFE000  }
0x177: {  	_ =	swait.ge [sflag:s16], $0x2000  }
0x178: {  	[sflag:s16] =	ssyncset.done $0x0  }
0x179: {  	s18 =	simm.s32 $0x6700;
	s7 =	rddreg [dreg:$0xa];
	[sflag:s16] =	ssyncadd.s32 $0xFFFFE000  }
0x17a: {  	[hbm4b:s7+s3] =	stream.strided.scatter [tilespmem:s18], [sflag:$0x12], $0x2000, s2, s3, $0x38;
	[tilespmem:$0x1C700] =	vst v63  }
0x17b: {  	s8 =	simm.s32 $0x14700;
	s1 =	rddreg [dreg:$0xb]  }
0x17c: {  	[hbm4b:s1+s3] =	stream.strided.scatter [tilespmem:s8], [sflag:$0x19], $0x2000, s2, s3, $0x38;
	[tilespmem:$0x1C700] =	vst v63  }
0x17d: {  	_ =	swait.ge [sflag:s24], $0x2000  }
0x17e: {  	[sflag:s24] =	ssyncset.done $0x0  }
0x17f: {  	[sflag:s24] =	ssyncadd.s32 $0xFFFFE000  }
0x180: {  	_ =	swait.ge [sflag:s21], $0x2000  }
0x181: {  	[sflag:s21] =	ssyncset.done $0x0  }
0x182: {  	s8 =	simm.s32 $0x380;
	[sflag:s21] =	ssyncadd.s32 $0xFFFFE000  }
0x183: {  	[tilespmem:s29], [sflag:$0x1] =	stream.indirect.gather [hbm4b:s9+s2], $0x40, s8, s2, $0xb8;
	[tilespmem:$0x1C700] =	vst v63  }
0x184: {  	_ = 	snop  }
0x185: {  	[tilespmem:s30], [sflag:$0x8] =	stream.indirect.gather [hbm4b:s12+s2], $0x40, s8, s2, $0xb8;
	[tilespmem:$0x1C700] =	vst v63  }
0x186: {  	_ =	swait.ge [sflag:s22], $0x2000  }
0x187: {  	[sflag:s22] =	ssyncset.done $0x0  }
0x188: {  	s8 =	simm.s32 $0xC;
	[sflag:s22] =	ssyncadd.s32 $0xFFFFE000  }
0x189: {  	_ =	swait.ge [sflag:s8], $0x2000  }
0x18a: {  	[sflag:s8] =	ssyncset.done $0x0  }
0x18b: {  	s17 =	simm.s32 $0x8700;
	s18 =	rddreg [dreg:$0xc];
	[sflag:s8] =	ssyncadd.s32 $0xFFFFE000  }
0x18c: {  	[hbm4b:s18+s3] =	stream.strided.scatter [tilespmem:s17], [sflag:$0x13], $0x2000, s2, s3, $0x38;
	[tilespmem:$0x1C700] =	vst v63  }
0x18d: {  	s5 =	simm.s32 $0x16700;
	s1 =	rddreg [dreg:$0xd]  }
0x18e: {  	[hbm4b:s1+s3] =	stream.strided.scatter [tilespmem:s5], [sflag:$0x1A], $0x2000, s2, s3, $0x38;
	[tilespmem:$0x1C700] =	vst v63  }
0x18f: {  	_ =	swait.ge [sflag:s25], $0x2000  }
0x190: {  	[sflag:s25] =	ssyncset.done $0x0  }
0x191: {  	[sflag:s25] =	ssyncadd.s32 $0xFFFFE000  }
0x192: {  	_ =	swait.ge [sflag:s19], $0x2000  }
0x193: {  	[sflag:s19] =	ssyncset.done $0x0  }
0x194: {  	s4 =	simm.s32 $0x2700;
	s17 =	simm.s32 $0x400;
	[sflag:s19] =	ssyncadd.s32 $0xFFFFE000  }
0x195: {  	[tilespmem:s4], [sflag:$0x2] =	stream.indirect.gather [hbm4b:s9+s2], $0x40, s17, s2, $0xb8;
	[tilespmem:$0x1C700] =	vst v63  }
0x196: {  	s23 =	simm.s32 $0x10700;
	s5 =	simm.s32 $0x6  }
0x197: {  	[tilespmem:s23], [sflag:$0x9] =	stream.indirect.gather [hbm4b:s12+s2], $0x40, s17, s2, $0xb8;
	[tilespmem:$0x1C700] =	vst v63  }
0x198: {  	_ =	swait.ge [sflag:s5], $0x2000  }
0x199: {  	[sflag:s5] =	ssyncset.done $0x0  }
0x19a: {  	s1 =	simm.s32 $0xD;
	[sflag:s5] =	ssyncadd.s32 $0xFFFFE000  }
0x19b: {  	_ =	swait.ge [sflag:s1], $0x2000  }
0x19c: {  	[sflag:s1] =	ssyncset.done $0x0  }
0x19d: {  	s17 =	simm.s32 $0xA700;
	s18 =	rddreg [dreg:$0xe];
	[sflag:s1] =	ssyncadd.s32 $0xFFFFE000  }
0x19e: {  	[hbm4b:s18+s3] =	stream.strided.scatter [tilespmem:s17], [sflag:$0x14], $0x2000, s2, s3, $0x38;
	[tilespmem:$0x1C700] =	vst v63  }
0x19f: {  	s23 =	rddreg [dreg:$0xf];
	s18 =	simm.s32 $0x18700  }
0x1a0: {  	[hbm4b:s23+s3] =	stream.strided.scatter [tilespmem:s18], [sflag:$0x1B], $0x2000, s2, s3, $0x38;
	[tilespmem:$0x1C700] =	vst v63  }
0x1a1: {  	s18 =	simm.s32 $0x11  }
0x1a2: {  	_ =	swait.ge [sflag:s18], $0x2000  }
0x1a3: {  	[sflag:s18] =	ssyncset.done $0x0  }
0x1a4: {  	s17 =	simm.s32 $0x18;
	[sflag:s18] =	ssyncadd.s32 $0xFFFFE000  }
0x1a5: {  	_ =	swait.ge [sflag:s17], $0x2000  }
0x1a6: {  	[sflag:s17] =	ssyncset.done $0x0  }
0x1a7: {  	s0 =	simm.s32 $0x4700;
	s23 =	simm.s32 $0x480;
	[sflag:s17] =	ssyncadd.s32 $0xFFFFE000  }
0x1a8: {  	[tilespmem:s0], [sflag:$0x3] =	stream.indirect.gather [hbm4b:s9+s2], $0x40, s23, s2, $0xb8;
	[tilespmem:$0x1C700] =	vst v63  }
0x1a9: {  	s26 =	simm.s32 $0x12700;
	s0 =	simm.s32 $0x7  }
0x1aa: {  	[tilespmem:s26], [sflag:$0xA] =	stream.indirect.gather [hbm4b:s12+s2], $0x40, s23, s2, $0xb8;
	[tilespmem:$0x1C700] =	vst v63  }
0x1ab: {  	_ =	swait.ge [sflag:s0], $0x2000  }
0x1ac: {  	[sflag:s0] =	ssyncset.done $0x0  }
0x1ad: {  	s23 =	simm.s32 $0xE;
	[sflag:s0] =	ssyncadd.s32 $0xFFFFE000  }
0x1ae: {  	_ =	swait.ge [sflag:s23], $0x2000  }
0x1af: {  	[sflag:s23] =	ssyncset.done $0x0  }
0x1b0: {  	s26 =	simm.s32 $0xC700;
	s4 =	rddreg [dreg:$0x10];
	[sflag:s23] =	ssyncadd.s32 $0xFFFFE000  }
0x1b1: {  	[hbm4b:s4+s3] =	stream.strided.scatter [tilespmem:s26], [sflag:$0x15], $0x2000, s2, s3, $0x38;
	[tilespmem:$0x1C700] =	vst v63  }
0x1b2: {  	s6 =	simm.s32 $0x1A700;
	s7 =	rddreg [dreg:$0x11];
	s26 =	simm.s32 $0x12  }
0x1b3: {  	[hbm4b:s7+s3] =	stream.strided.scatter [tilespmem:s6], [sflag:$0x1C], $0x2000, s2, s3, $0x38;
	[tilespmem:$0x1C700] =	vst v63  }
0x1b4: {  	_ =	swait.ge [sflag:s26], $0x2000  }
0x1b5: {  	[sflag:s26] =	ssyncset.done $0x0  }
0x1b6: {  	s4 =	simm.s32 $0x19;
	[sflag:s26] =	ssyncadd.s32 $0xFFFFE000  }
0x1b7: {  	_ =	swait.ge [sflag:s4], $0x2000  }
0x1b8: {  	[sflag:s4] =	ssyncset.done $0x0  }
0x1b9: {  	s6 =	simm.s32 $0x500;
	s7 =	simm.s32 $0x6700;
	[sflag:s4] =	ssyncadd.s32 $0xFFFFE000  }
0x1ba: {  	[tilespmem:s7], [sflag:$0x4] =	stream.indirect.gather [hbm4b:s9+s2], $0x40, s6, s2, $0xb8;
	[tilespmem:$0x1C700] =	vst v63  }
0x1bb: {  	s7 =	simm.s32 $0x14700  }
0x1bc: {  	[tilespmem:s7], [sflag:$0xB] =	stream.indirect.gather [hbm4b:s12+s2], $0x40, s6, s2, $0xb8;
	[tilespmem:$0x1C700] =	vst v63  }
0x1bd: {  	_ =	swait.ge [sflag:s15], $0x2000  }
0x1be: {  	[sflag:s15] =	ssyncset.done $0x0  }
0x1bf: {  	[sflag:s15] =	ssyncadd.s32 $0xFFFFE000  }
0x1c0: {  	_ =	swait.ge [sflag:s14], $0x2000  }
0x1c1: {  	[sflag:s14] =	ssyncset.done $0x0  }
0x1c2: {  	s7 =	rddreg [dreg:$0x12];
	[sflag:s14] =	ssyncadd.s32 $0xFFFFE000  }
0x1c3: {  	[hbm4b:s7+s3] =	stream.strided.scatter [tilespmem:s29], [sflag:$0xF], $0x2000, s2, s3, $0x38;
	[tilespmem:$0x1C700] =	vst v63  }
0x1c4: {  	s15 =	rddreg [dreg:$0x13];
	s14 =	simm.s32 $0x13  }
0x1c5: {  	[hbm4b:s15+s3] =	stream.strided.scatter [tilespmem:s30], [sflag:$0x16], $0x2000, s2, s3, $0x38;
	[tilespmem:$0x1C700] =	vst v63  }
0x1c6: {  	_ =	swait.ge [sflag:s14], $0x2000  }
0x1c7: {  	[sflag:s14] =	ssyncset.done $0x0  }
0x1c8: {  	s15 =	simm.s32 $0x1A;
	[sflag:s14] =	ssyncadd.s32 $0xFFFFE000  }
0x1c9: {  	_ =	swait.ge [sflag:s15], $0x2000  }
0x1ca: {  	[sflag:s15] =	ssyncset.done $0x0  }
0x1cb: {  	s6 =	simm.s32 $0x580;
	s29 =	simm.s32 $0x8700;
	[sflag:s15] =	ssyncadd.s32 $0xFFFFE000  }
0x1cc: {  	[tilespmem:s29], [sflag:$0x5] =	stream.indirect.gather [hbm4b:s9+s2], $0x40, s6, s2, $0xb8;
	[tilespmem:$0x1C700] =	vst v63  }
0x1cd: {  	s30 =	simm.s32 $0x16700  }
0x1ce: {  	[tilespmem:s30], [sflag:$0xC] =	stream.indirect.gather [hbm4b:s12+s2], $0x40, s6, s2, $0xb8;
	[tilespmem:$0x1C700] =	vst v63  }
0x1cf: {  	_ =	swait.ge [sflag:s13], $0x2000  }
0x1d0: {  	[sflag:s13] =	ssyncset.done $0x0  }
0x1d1: {  	[sflag:s13] =	ssyncadd.s32 $0xFFFFE000  }
0x1d2: {  	_ =	swait.ge [sflag:s11], $0x2000  }
0x1d3: {  	[sflag:s11] =	ssyncset.done $0x0  }
0x1d4: {  	s30 =	simm.s32 $0x2700;
	s13 =	rddreg [dreg:$0x14];
	[sflag:s11] =	ssyncadd.s32 $0xFFFFE000  }
0x1d5: {  	[hbm4b:s13+s3] =	stream.strided.scatter [tilespmem:s30], [sflag:$0x10], $0x2000, s2, s3, $0x38;
	[tilespmem:$0x1C700] =	vst v63  }
0x1d6: {  	s29 =	rddreg [dreg:$0x15];
	s11 =	simm.s32 $0x14;
	s13 =	simm.s32 $0x10700  }
0x1d7: {  	[hbm4b:s29+s3] =	stream.strided.scatter [tilespmem:s13], [sflag:$0x17], $0x2000, s2, s3, $0x38;
	[tilespmem:$0x1C700] =	vst v63  }
0x1d8: {  	_ =	swait.ge [sflag:s11], $0x2000  }
0x1d9: {  	[sflag:s11] =	ssyncset.done $0x0  }
0x1da: {  	s13 =	simm.s32 $0x1B;
	[sflag:s11] =	ssyncadd.s32 $0xFFFFE000  }
0x1db: {  	_ =	swait.ge [sflag:s13], $0x2000  }
0x1dc: {  	[sflag:s13] =	ssyncset.done $0x0  }
0x1dd: {  	s6 =	simm.s32 $0x600;
	s29 =	simm.s32 $0xA700;
	[sflag:s13] =	ssyncadd.s32 $0xFFFFE000  }
0x1de: {  	[tilespmem:s29], [sflag:$0x6] =	stream.indirect.gather [hbm4b:s9+s2], $0x40, s6, s2, $0xb8;
	[tilespmem:$0x1C700] =	vst v63  }
0x1df: {  	s30 =	simm.s32 $0x18700  }
0x1e0: {  	[tilespmem:s30], [sflag:$0xD] =	stream.indirect.gather [hbm4b:s12+s2], $0x40, s6, s2, $0xb8;
	[tilespmem:$0x1C700] =	vst v63  }
0x1e1: {  	_ =	swait.ge [sflag:s20], $0x2000  }
0x1e2: {  	[sflag:s20] =	ssyncset.done $0x0  }
0x1e3: {  	[sflag:s20] =	ssyncadd.s32 $0xFFFFE000  }
0x1e4: {  	_ =	swait.ge [sflag:s28], $0x2000  }
0x1e5: {  	[sflag:s28] =	ssyncset.done $0x0  }
0x1e6: {  	s29 =	simm.s32 $0x4700;
	s20 =	rddreg [dreg:$0x16];
	[sflag:s28] =	ssyncadd.s32 $0xFFFFE000  }
0x1e7: {  	[hbm4b:s20+s3] =	stream.strided.scatter [tilespmem:s29], [sflag:$0x11], $0x2000, s2, s3, $0x38;
	[tilespmem:$0x1C700] =	vst v63  }
0x1e8: {  	s28 =	rddreg [dreg:$0x17];
	s20 =	simm.s32 $0x12700  }
0x1e9: {  	[hbm4b:s28+s3] =	stream.strided.scatter [tilespmem:s20], [sflag:$0x18], $0x2000, s2, s3, $0x38;
	[tilespmem:$0x1C700] =	vst v63  }
0x1ea: {  	s20 =	simm.s32 $0x15  }
0x1eb: {  	_ =	swait.ge [sflag:s20], $0x2000  }
0x1ec: {  	[sflag:s20] =	ssyncset.done $0x0  }
0x1ed: {  	s28 =	simm.s32 $0x1C;
	[sflag:s20] =	ssyncadd.s32 $0xFFFFE000  }
0x1ee: {  	s29 =	simm.s32 $0x1C;
	_ =	swait.ge [sflag:s28], $0x2000  }
0x1ef: {  	s7 =	simm.s32 $0x1C;
	[sflag:s29] =	ssyncset.done $0x0  }
0x1f0: {  	s6 =	simm.s32 $0x680;
	s28 =	simm.s32 $0xC700;
	[sflag:s7] =	ssyncadd.s32 $0xFFFFE000  }
0x1f1: {  	[tilespmem:s28], [sflag:$0x7] =	stream.indirect.gather [hbm4b:s9+s2], $0x40, s6, s2, $0xb8;
	[tilespmem:$0x1C700] =	vst v63  }
0x1f2: {  	s29 =	simm.s32 $0x1A700  }
0x1f3: {  	[tilespmem:s29], [sflag:$0xE] =	stream.indirect.gather [hbm4b:s12+s2], $0x40, s6, s2, $0xb8;
	[tilespmem:$0x1C700] =	vst v63  }
0x1f4: {  	_ =	swait.ge [sflag:s10], $0x2000  }
0x1f5: {  	[sflag:s10] =	ssyncset.done $0x0  }
0x1f6: {  	[sflag:s10] =	ssyncadd.s32 $0xFFFFE000  }
0x1f7: {  	_ =	swait.ge [sflag:s16], $0x2000  }
0x1f8: {  	[sflag:s16] =	ssyncset.done $0x0  }
0x1f9: {  	s10 =	rddreg [dreg:$0x18];
	[sflag:s16] =	ssyncadd.s32 $0xFFFFE000;
	s16 =	simm.s32 $0x6700  }
0x1fa: {  	[hbm4b:s10+s3] =	stream.strided.scatter [tilespmem:s16], [sflag:$0x12], $0x2000, s2, s3, $0x38;
	[tilespmem:$0x1C700] =	vst v63  }
0x1fb: {  	s7 =	rddreg [dreg:$0x19];
	s10 =	simm.s32 $0x14700  }
0x1fc: {  	[hbm4b:s7+s3] =	stream.strided.scatter [tilespmem:s10], [sflag:$0x19], $0x2000, s2, s3, $0x38;
	[tilespmem:$0x1C700] =	vst v63  }
0x1fd: {  	_ =	swait.ge [sflag:s22], $0x2000  }
0x1fe: {  	[sflag:s22] =	ssyncset.done $0x0  }
0x1ff: {  	[sflag:s22] =	ssyncadd.s32 $0xFFFFE000  }
0x200: {  	_ =	swait.ge [sflag:s8], $0x2000  }
0x201: {  	[sflag:s8] =	ssyncset.done $0x0  }
0x202: {  	s10 =	simm.s32 $0x8700;
	s16 =	rddreg [dreg:$0x1a];
	[sflag:s8] =	ssyncadd.s32 $0xFFFFE000  }
0x203: {  	[hbm4b:s16+s3] =	stream.strided.scatter [tilespmem:s10], [sflag:$0x13], $0x2000, s2, s3, $0x38;
	[tilespmem:$0x1C700] =	vst v63  }
0x204: {  	s7 =	rddreg [dreg:$0x1b];
	s16 =	simm.s32 $0x16700  }
0x205: {  	[hbm4b:s7+s3] =	stream.strided.scatter [tilespmem:s16], [sflag:$0x1A], $0x2000, s2, s3, $0x38;
	[tilespmem:$0x1C700] =	vst v63  }
0x206: {  	_ =	swait.ge [sflag:s5], $0x2000  }
0x207: {  	[sflag:s5] =	ssyncset.done $0x0  }
0x208: {  	[sflag:s5] =	ssyncadd.s32 $0xFFFFE000  }
0x209: {  	_ =	swait.ge [sflag:s1], $0x2000  }
0x20a: {  	[sflag:s1] =	ssyncset.done $0x0  }
0x20b: {  	s10 =	simm.s32 $0xA700;
	s7 =	rddreg [dreg:$0x1c];
	[sflag:s1] =	ssyncadd.s32 $0xFFFFE000  }
0x20c: {  	[hbm4b:s7+s3] =	stream.strided.scatter [tilespmem:s10], [sflag:$0x14], $0x2000, s2, s3, $0x38;
	[tilespmem:$0x1C700] =	vst v63  }
0x20d: {  	s30 =	simm.s32 $0x18700;
	s8 =	rddreg [dreg:$0x1d]  }
0x20e: {  	[hbm4b:s8+s3] =	stream.strided.scatter [tilespmem:s30], [sflag:$0x1B], $0x2000, s2, s3, $0x38;
	[tilespmem:$0x1C700] =	vst v63  }
0x20f: {  	_ =	swait.ge [sflag:s0], $0x2000  }
0x210: {  	[sflag:s0] =	ssyncset.done $0x0  }
0x211: {  	[sflag:s0] =	ssyncadd.s32 $0xFFFFE000  }
0x212: {  	_ =	swait.ge [sflag:s23], $0x2000  }
0x213: {  	[sflag:s23] =	ssyncset.done $0x0  }
0x214: {  	s28 =	simm.s32 $0xC700;
	s16 =	rddreg [dreg:$0x1e];
	[sflag:s23] =	ssyncadd.s32 $0xFFFFE000  }
0x215: {  	[hbm4b:s16+s3] =	stream.strided.scatter [tilespmem:s28], [sflag:$0x15], $0x2000, s2, s3, $0x38;
	[tilespmem:$0x1C700] =	vst v63  }
0x216: {  	s29 =	simm.s32 $0x1A700;
	s30 =	rddreg [dreg:$0x1f]  }
0x217: {  	[hbm4b:s30+s3] =	stream.strided.scatter [tilespmem:s29], [sflag:$0x1C], $0x2000, s2, s3, $0x38;
	[tilespmem:$0x1C700] =	vst v63  }
0x218: {  	_ =	swait.ge [sflag:s24], $0x2000  }
0x219: {  	[sflag:s24] =	ssyncset.done $0x0  }
0x21a: {  	[sflag:s24] =	ssyncadd.s32 $0xFFFFE000  }
0x21b: {  	_ =	swait.ge [sflag:s21], $0x2000  }
0x21c: {  	[sflag:s21] =	ssyncset.done $0x0  }
0x21d: {  	[sflag:s21] =	ssyncadd.s32 $0xFFFFE000  }
0x21e: {  	_ =	swait.ge [sflag:s25], $0x2000  }
0x21f: {  	[sflag:s25] =	ssyncset.done $0x0  }
0x220: {  	[sflag:s25] =	ssyncadd.s32 $0xFFFFE000  }
0x221: {  	_ =	swait.ge [sflag:s19], $0x2000  }
0x222: {  	[sflag:s19] =	ssyncset.done $0x0  }
0x223: {  	[sflag:s19] =	ssyncadd.s32 $0xFFFFE000  }
0x224: {  	_ =	swait.ge [sflag:s18], $0x2000  }
0x225: {  	[sflag:s18] =	ssyncset.done $0x0  }
0x226: {  	[sflag:s18] =	ssyncadd.s32 $0xFFFFE000  }
0x227: {  	_ =	swait.ge [sflag:s17], $0x2000  }
0x228: {  	[sflag:s17] =	ssyncset.done $0x0  }
0x229: {  	[sflag:s17] =	ssyncadd.s32 $0xFFFFE000  }
0x22a: {  	_ =	swait.ge [sflag:s26], $0x2000  }
0x22b: {  	[sflag:s26] =	ssyncset.done $0x0  }
0x22c: {  	[sflag:s26] =	ssyncadd.s32 $0xFFFFE000  }
0x22d: {  	_ =	swait.ge [sflag:s4], $0x2000  }
0x22e: {  	[sflag:s4] =	ssyncset.done $0x0  }
0x22f: {  	[sflag:s4] =	ssyncadd.s32 $0xFFFFE000  }
0x230: {  	_ =	swait.ge [sflag:s14], $0x2000  }
0x231: {  	[sflag:s14] =	ssyncset.done $0x0  }
0x232: {  	[sflag:s14] =	ssyncadd.s32 $0xFFFFE000  }
0x233: {  	_ =	swait.ge [sflag:s15], $0x2000  }
0x234: {  	[sflag:s15] =	ssyncset.done $0x0  }
0x235: {  	[sflag:s15] =	ssyncadd.s32 $0xFFFFE000  }
0x236: {  	_ =	swait.ge [sflag:s11], $0x2000  }
0x237: {  	[sflag:s11] =	ssyncset.done $0x0  }
0x238: {  	[sflag:s11] =	ssyncadd.s32 $0xFFFFE000  }
0x239: {  	_ =	swait.ge [sflag:s13], $0x2000  }
0x23a: {  	[sflag:s13] =	ssyncset.done $0x0  }
0x23b: {  	p1 =	sne.s32 s31, $0x1;
	[sflag:s13] =	ssyncadd.s32 $0xFFFFE000  }
.Ltmp2:
0x23c: {  	_ =	swait.ge [sflag:s20], $0x2000;
	(pc) =	sbr.rel @p1 .LBB2_3-.Ltmp2, $4  }
0x23d: {  	[sflag:s20] =	ssyncset.done $0x0  }
0x23e: {  	s7 =	simm.s32 $0x1C;
	[sflag:s20] =	ssyncadd.s32 $0xFFFFE000  }
0x23f: {  	_ =	swait.ge [sflag:s7], $0x2000  }
0x240: {  	s31 =	sadd.s32 $0xFFFFFFFF, s31;
	s6 =	rddreg [dreg:$0x3];
	[sflag:s7] =	ssyncset.done $0x0  }
0x241: {  	s18 =	simm.s32 $0x8700;
	s20 =	simm.s32 $0x16700  }
0x242: {  	s8 =	simm.s32 $0x6700;
	s24 =	simm.s32 $0x14700;
	s0 =	simm.s32 $0x7  }
0x243: {  	s26 =	simm.s32 $0xD;
	s29 =	simm.s32 $0x4700;
	s25 =	simm.s32 $0x12700  }
0x244: {  	s4 =	simm.s32 $0x6;
	s28 =	simm.s32 $0xC;
	s17 =	simm.s32 $0x2700  }
0x245: {  	s31 =	simm.s32 $0x10700;
	s5 =	simm.s32 $0x700;
	s7 =	simm.s32 $0x1D  }
.LBB2_5:
0x246: {  	s1 =	simm.s32 $0x1C  }
0x247: {  	s23 =	simm.s32 $0x0;
	[sflag:s1] =	ssyncadd.s32 @p0 $0xFFFFE000  }
0x248: {  	[tilespmem:s23], [sflag:$0x1D] =	stream.linear.gather [hbm4b:s6+s23], $0x700, $0x38;
	[tilespmem:$0x1C700] =	vst v63  }
0x249: {  	_ =	swait.ge [sflag:s7], $0x700  }
0x24a: {  	[sflag:s7] =	ssyncset.done $0x0  }
0x24b: {  	[sflag:s7] =	ssyncadd.s32 $0xFFFFF900  }
0x24c: {  	[tilespmem:s5], [sflag:$0x1] =	stream.indirect.gather [hbm4b:s9+s2], $0x40, s23, s2, $0xb8;
	[tilespmem:$0x1C700] =	vst v63  }
0x24d: {  	s30 =	simm.s32 $0xE700  }
0x24e: {  	[tilespmem:s30], [sflag:$0x8] =	stream.indirect.gather [hbm4b:s12+s2], $0x40, s23, s2, $0xb8;
	[tilespmem:$0x1C700] =	vst v63  }
0x24f: {  	_ = 	snop  }
0x250: {  	[tilespmem:s17], [sflag:$0x2] =	stream.indirect.gather [hbm4b:s9+s2], $0x40, s2, s2, $0xb8;
	[tilespmem:$0x1C700] =	vst v63  }
0x251: {  	_ = 	snop  }
0x252: {  	[tilespmem:s31], [sflag:$0x9] =	stream.indirect.gather [hbm4b:s12+s2], $0x40, s2, s2, $0xb8;
	[tilespmem:$0x1C700] =	vst v63  }
0x253: {  	s6 =	simm.s32 $0x100  }
0x254: {  	[tilespmem:s29], [sflag:$0x3] =	stream.indirect.gather [hbm4b:s9+s2], $0x40, s6, s2, $0xb8;
	[tilespmem:$0x1C700] =	vst v63  }
0x255: {  	_ = 	snop  }
0x256: {  	[tilespmem:s25], [sflag:$0xA] =	stream.indirect.gather [hbm4b:s12+s2], $0x40, s6, s2, $0xb8;
	[tilespmem:$0x1C700] =	vst v63  }
0x257: {  	s7 =	simm.s32 $0x180  }
0x258: {  	[tilespmem:s8], [sflag:$0x4] =	stream.indirect.gather [hbm4b:s9+s2], $0x40, s7, s2, $0xb8;
	[tilespmem:$0x1C700] =	vst v63  }
0x259: {  	s1 =	simm.s32 $0x1  }
0x25a: {  	[tilespmem:s24], [sflag:$0xB] =	stream.indirect.gather [hbm4b:s12+s2], $0x40, s7, s2, $0xb8;
	[tilespmem:$0x1C700] =	vst v63  }
0x25b: {  	_ =	swait.ge [sflag:s1], $0x2000  }
0x25c: {  	[sflag:s1] =	ssyncset.done $0x0  }
0x25d: {  	s7 =	simm.s32 $0x8;
	[sflag:s1] =	ssyncadd.s32 $0xFFFFE000  }
0x25e: {  	_ =	swait.ge [sflag:s7], $0x2000  }
0x25f: {  	[sflag:s7] =	ssyncset.done $0x0  }
0x260: {  	s11 =	simm.s32 $0x700;
	s13 =	rddreg [dreg:$0x4];
	[sflag:s7] =	ssyncadd.s32 $0xFFFFE000  }
0x261: {  	[hbm4b:s13+s3] =	stream.strided.scatter [tilespmem:s11], [sflag:$0xF], $0x2000, s2, s3, $0x38;
	[tilespmem:$0x1C700] =	vst v63  }
0x262: {  	s10 =	simm.s32 $0xE700;
	s14 =	rddreg [dreg:$0x5]  }
0x263: {  	[hbm4b:s14+s3] =	stream.strided.scatter [tilespmem:s10], [sflag:$0x16], $0x2000, s2, s3, $0x38;
	[tilespmem:$0x1C700] =	vst v63  }
0x264: {  	s15 =	simm.s32 $0x200  }
0x265: {  	[tilespmem:s18], [sflag:$0x5] =	stream.indirect.gather [hbm4b:s9+s2], $0x40, s15, s2, $0xb8;
	[tilespmem:$0x1C700] =	vst v63  }
0x266: {  	s8 =	simm.s32 $0x2  }
0x267: {  	[tilespmem:s20], [sflag:$0xC] =	stream.indirect.gather [hbm4b:s12+s2], $0x40, s15, s2, $0xb8;
	[tilespmem:$0x1C700] =	vst v63  }
0x268: {  	_ =	swait.ge [sflag:s8], $0x2000  }
0x269: {  	[sflag:s8] =	ssyncset.done $0x0  }
0x26a: {  	s13 =	simm.s32 $0x9;
	[sflag:s8] =	ssyncadd.s32 $0xFFFFE000  }
0x26b: {  	_ =	swait.ge [sflag:s13], $0x2000  }
0x26c: {  	[sflag:s13] =	ssyncset.done $0x0  }
0x26d: {  	s16 =	rddreg [dreg:$0x6];
	[sflag:s13] =	ssyncadd.s32 $0xFFFFE000  }
0x26e: {  	[hbm4b:s16+s3] =	stream.strided.scatter [tilespmem:s17], [sflag:$0x10], $0x2000, s2, s3, $0x38;
	[tilespmem:$0x1C700] =	vst v63  }
0x26f: {  	s18 =	rddreg [dreg:$0x7]  }
0x270: {  	[hbm4b:s18+s3] =	stream.strided.scatter [tilespmem:s31], [sflag:$0x17], $0x2000, s2, s3, $0x38;
	[tilespmem:$0x1C700] =	vst v63  }
0x271: {  	s19 =	simm.s32 $0xA700;
	s20 =	simm.s32 $0x280  }
0x272: {  	[tilespmem:s19], [sflag:$0x6] =	stream.indirect.gather [hbm4b:s9+s2], $0x40, s20, s2, $0xb8;
	[tilespmem:$0x1C700] =	vst v63  }
0x273: {  	s22 =	simm.s32 $0x18700;
	s14 =	simm.s32 $0x3  }
0x274: {  	[tilespmem:s22], [sflag:$0xD] =	stream.indirect.gather [hbm4b:s12+s2], $0x40, s20, s2, $0xb8;
	[tilespmem:$0x1C700] =	vst v63  }
0x275: {  	_ =	swait.ge [sflag:s14], $0x2000  }
0x276: {  	[sflag:s14] =	ssyncset.done $0x0  }
0x277: {  	s18 =	simm.s32 $0xA;
	[sflag:s14] =	ssyncadd.s32 $0xFFFFE000  }
0x278: {  	_ =	swait.ge [sflag:s18], $0x2000  }
0x279: {  	[sflag:s18] =	ssyncset.done $0x0  }
0x27a: {  	s30 =	rddreg [dreg:$0x8];
	[sflag:s18] =	ssyncadd.s32 $0xFFFFE000  }
0x27b: {  	[hbm4b:s30+s3] =	stream.strided.scatter [tilespmem:s29], [sflag:$0x11], $0x2000, s2, s3, $0x38;
	[tilespmem:$0x1C700] =	vst v63  }
0x27c: {  	s31 =	rddreg [dreg:$0x9]  }
0x27d: {  	[hbm4b:s31+s3] =	stream.strided.scatter [tilespmem:s25], [sflag:$0x18], $0x2000, s2, s3, $0x38;
	[tilespmem:$0x1C700] =	vst v63  }
0x27e: {  	s5 =	simm.s32 $0xC700;
	s19 =	simm.s32 $0x300  }
0x27f: {  	[tilespmem:s5], [sflag:$0x7] =	stream.indirect.gather [hbm4b:s9+s2], $0x40, s19, s2, $0xb8;
	[tilespmem:$0x1C700] =	vst v63  }
0x280: {  	s20 =	simm.s32 $0x1A700  }
0x281: {  	[tilespmem:s20], [sflag:$0xE] =	stream.indirect.gather [hbm4b:s12+s2], $0x40, s19, s2, $0xb8;
	[tilespmem:$0x1C700] =	vst v63  }
0x282: {  	s19 =	simm.s32 $0x4  }
0x283: {  	_ =	swait.ge [sflag:s19], $0x2000  }
0x284: {  	[sflag:s19] =	ssyncset.done $0x0  }
0x285: {  	s20 =	simm.s32 $0xB;
	[sflag:s19] =	ssyncadd.s32 $0xFFFFE000  }
0x286: {  	_ =	swait.ge [sflag:s20], $0x2000  }
0x287: {  	[sflag:s20] =	ssyncset.done $0x0  }
0x288: {  	s23 =	simm.s32 $0x6700;
	s30 =	rddreg [dreg:$0xa];
	[sflag:s20] =	ssyncadd.s32 $0xFFFFE000  }
0x289: {  	[hbm4b:s30+s3] =	stream.strided.scatter [tilespmem:s23], [sflag:$0x12], $0x2000, s2, s3, $0x38;
	[tilespmem:$0x1C700] =	vst v63  }
0x28a: {  	s15 =	simm.s32 $0x14700;
	s31 =	rddreg [dreg:$0xb];
	s30 =	simm.s32 $0xF  }
0x28b: {  	[hbm4b:s31+s3] =	stream.strided.scatter [tilespmem:s15], [sflag:$0x19], $0x2000, s2, s3, $0x38;
	[tilespmem:$0x1C700] =	vst v63  }
0x28c: {  	_ =	swait.ge [sflag:s30], $0x2000  }
0x28d: {  	[sflag:s30] =	ssyncset.done $0x0  }
0x28e: {  	s31 =	simm.s32 $0x16;
	[sflag:s30] =	ssyncadd.s32 $0xFFFFE000  }
0x28f: {  	_ =	swait.ge [sflag:s31], $0x2000  }
0x290: {  	[sflag:s31] =	ssyncset.done $0x0  }
0x291: {  	s21 =	simm.s32 $0x700;
	s23 =	simm.s32 $0x380;
	[sflag:s31] =	ssyncadd.s32 $0xFFFFE000  }
0x292: {  	[tilespmem:s21], [sflag:$0x1] =	stream.indirect.gather [hbm4b:s9+s2], $0x40, s23, s2, $0xb8;
	[tilespmem:$0x1C700] =	vst v63  }
0x293: {  	s24 =	simm.s32 $0xE700;
	s15 =	simm.s32 $0x5  }
0x294: {  	[tilespmem:s24], [sflag:$0x8] =	stream.indirect.gather [hbm4b:s12+s2], $0x40, s23, s2, $0xb8;
	[tilespmem:$0x1C700] =	vst v63  }
0x295: {  	_ =	swait.ge [sflag:s15], $0x2000  }
0x296: {  	[sflag:s15] =	ssyncset.done $0x0  }
0x297: {  	[sflag:s15] =	ssyncadd.s32 $0xFFFFE000  }
0x298: {  	_ =	swait.ge [sflag:s28], $0x2000  }
0x299: {  	[sflag:s28] =	ssyncset.done $0x0  }
0x29a: {  	s17 =	simm.s32 $0x8700;
	s24 =	rddreg [dreg:$0xc];
	[sflag:s28] =	ssyncadd.s32 $0xFFFFE000  }
0x29b: {  	[hbm4b:s24+s3] =	stream.strided.scatter [tilespmem:s17], [sflag:$0x13], $0x2000, s2, s3, $0x38;
	[tilespmem:$0x1C700] =	vst v63  }
0x29c: {  	s16 =	simm.s32 $0x16700;
	s23 =	simm.s32 $0x10;
	s28 =	rddreg [dreg:$0xd]  }
0x29d: {  	[hbm4b:s28+s3] =	stream.strided.scatter [tilespmem:s16], [sflag:$0x1A], $0x2000, s2, s3, $0x38;
	[tilespmem:$0x1C700] =	vst v63  }
0x29e: {  	_ =	swait.ge [sflag:s23], $0x2000  }
0x29f: {  	[sflag:s23] =	ssyncset.done $0x0  }
0x2a0: {  	s24 =	simm.s32 $0x17;
	[sflag:s23] =	ssyncadd.s32 $0xFFFFE000  }
0x2a1: {  	_ =	swait.ge [sflag:s24], $0x2000  }
0x2a2: {  	[sflag:s24] =	ssyncset.done $0x0  }
0x2a3: {  	s11 =	simm.s32 $0x2700;
	s16 =	simm.s32 $0x400;
	[sflag:s24] =	ssyncadd.s32 $0xFFFFE000  }
0x2a4: {  	[tilespmem:s11], [sflag:$0x2] =	stream.indirect.gather [hbm4b:s9+s2], $0x40, s16, s2, $0xb8;
	[tilespmem:$0x1C700] =	vst v63  }
0x2a5: {  	s10 =	simm.s32 $0x10700  }
0x2a6: {  	[tilespmem:s10], [sflag:$0x9] =	stream.indirect.gather [hbm4b:s12+s2], $0x40, s16, s2, $0xb8;
	[tilespmem:$0x1C700] =	vst v63  }
0x2a7: {  	_ =	swait.ge [sflag:s4], $0x2000  }
0x2a8: {  	[sflag:s4] =	ssyncset.done $0x0  }
0x2a9: {  	[sflag:s4] =	ssyncadd.s32 $0xFFFFE000  }
0x2aa: {  	_ =	swait.ge [sflag:s26], $0x2000  }
0x2ab: {  	[sflag:s26] =	ssyncset.done $0x0  }
0x2ac: {  	s17 =	rddreg [dreg:$0xe];
	[sflag:s26] =	ssyncadd.s32 $0xFFFFE000;
	s26 =	simm.s32 $0xA700  }
0x2ad: {  	[hbm4b:s17+s3] =	stream.strided.scatter [tilespmem:s26], [sflag:$0x14], $0x2000, s2, s3, $0x38;
	[tilespmem:$0x1C700] =	vst v63  }
0x2ae: {  	s22 =	simm.s32 $0x18700;
	s21 =	rddreg [dreg:$0xf]  }
0x2af: {  	[hbm4b:s21+s3] =	stream.strided.scatter [tilespmem:s22], [sflag:$0x1B], $0x2000, s2, s3, $0x38;
	[tilespmem:$0x1C700] =	vst v63  }
0x2b0: {  	s22 =	simm.s32 $0x11  }
0x2b1: {  	_ =	swait.ge [sflag:s22], $0x2000  }
0x2b2: {  	[sflag:s22] =	ssyncset.done $0x0  }
0x2b3: {  	s21 =	simm.s32 $0x18;
	[sflag:s22] =	ssyncadd.s32 $0xFFFFE000  }
0x2b4: {  	_ =	swait.ge [sflag:s21], $0x2000  }
0x2b5: {  	[sflag:s21] =	ssyncset.done $0x0  }
0x2b6: {  	s28 =	simm.s32 $0x480;
	[sflag:s21] =	ssyncadd.s32 $0xFFFFE000  }
0x2b7: {  	[tilespmem:s29], [sflag:$0x3] =	stream.indirect.gather [hbm4b:s9+s2], $0x40, s28, s2, $0xb8;
	[tilespmem:$0x1C700] =	vst v63  }
0x2b8: {  	_ = 	snop  }
0x2b9: {  	[tilespmem:s25], [sflag:$0xA] =	stream.indirect.gather [hbm4b:s12+s2], $0x40, s28, s2, $0xb8;
	[tilespmem:$0x1C700] =	vst v63  }
0x2ba: {  	_ =	swait.ge [sflag:s0], $0x2000  }
0x2bb: {  	[sflag:s0] =	ssyncset.done $0x0  }
0x2bc: {  	s28 =	simm.s32 $0xE;
	[sflag:s0] =	ssyncadd.s32 $0xFFFFE000  }
0x2bd: {  	_ =	swait.ge [sflag:s28], $0x2000  }
0x2be: {  	[sflag:s28] =	ssyncset.done $0x0  }
0x2bf: {  	s29 =	simm.s32 $0xC700;
	s0 =	rddreg [dreg:$0x10];
	[sflag:s28] =	ssyncadd.s32 $0xFFFFE000  }
0x2c0: {  	[hbm4b:s0+s3] =	stream.strided.scatter [tilespmem:s29], [sflag:$0x15], $0x2000, s2, s3, $0x38;
	[tilespmem:$0x1C700] =	vst v63  }
0x2c1: {  	s10 =	simm.s32 $0x1A700;
	s16 =	simm.s32 $0x12;
	s4 =	rddreg [dreg:$0x11]  }
0x2c2: {  	[hbm4b:s4+s3] =	stream.strided.scatter [tilespmem:s10], [sflag:$0x1C], $0x2000, s2, s3, $0x38;
	[tilespmem:$0x1C700] =	vst v63  }
0x2c3: {  	_ =	swait.ge [sflag:s16], $0x2000  }
0x2c4: {  	[sflag:s16] =	ssyncset.done $0x0  }
0x2c5: {  	s17 =	simm.s32 $0x19;
	[sflag:s16] =	ssyncadd.s32 $0xFFFFE000  }
0x2c6: {  	_ =	swait.ge [sflag:s17], $0x2000  }
0x2c7: {  	[sflag:s17] =	ssyncset.done $0x0  }
0x2c8: {  	s5 =	simm.s32 $0x6700;
	s11 =	simm.s32 $0x500;
	[sflag:s17] =	ssyncadd.s32 $0xFFFFE000  }
0x2c9: {  	[tilespmem:s5], [sflag:$0x4] =	stream.indirect.gather [hbm4b:s9+s2], $0x40, s11, s2, $0xb8;
	[tilespmem:$0x1C700] =	vst v63  }
0x2ca: {  	s6 =	simm.s32 $0x14700  }
0x2cb: {  	[tilespmem:s6], [sflag:$0xB] =	stream.indirect.gather [hbm4b:s12+s2], $0x40, s11, s2, $0xb8;
	[tilespmem:$0x1C700] =	vst v63  }
0x2cc: {  	_ =	swait.ge [sflag:s1], $0x2000  }
0x2cd: {  	[sflag:s1] =	ssyncset.done $0x0  }
0x2ce: {  	[sflag:s1] =	ssyncadd.s32 $0xFFFFE000  }
0x2cf: {  	_ =	swait.ge [sflag:s7], $0x2000  }
0x2d0: {  	[sflag:s7] =	ssyncset.done $0x0  }
0x2d1: {  	s1 =	simm.s32 $0x700;
	s10 =	rddreg [dreg:$0x12];
	[sflag:s7] =	ssyncadd.s32 $0xFFFFE000  }
0x2d2: {  	[hbm4b:s10+s3] =	stream.strided.scatter [tilespmem:s1], [sflag:$0xF], $0x2000, s2, s3, $0x38;
	[tilespmem:$0x1C700] =	vst v63  }
0x2d3: {  	s4 =	simm.s32 $0xE700;
	s11 =	rddreg [dreg:$0x13]  }
0x2d4: {  	[hbm4b:s11+s3] =	stream.strided.scatter [tilespmem:s4], [sflag:$0x16], $0x2000, s2, s3, $0x38;
	[tilespmem:$0x1C700] =	vst v63  }
0x2d5: {  	s11 =	simm.s32 $0x13  }
0x2d6: {  	_ =	swait.ge [sflag:s11], $0x2000  }
0x2d7: {  	[sflag:s11] =	ssyncset.done $0x0  }
0x2d8: {  	s10 =	simm.s32 $0x1A;
	[sflag:s11] =	ssyncadd.s32 $0xFFFFE000  }
0x2d9: {  	_ =	swait.ge [sflag:s10], $0x2000  }
0x2da: {  	[sflag:s10] =	ssyncset.done $0x0  }
0x2db: {  	s5 =	simm.s32 $0x580;
	s6 =	simm.s32 $0x8700;
	[sflag:s10] =	ssyncadd.s32 $0xFFFFE000  }
0x2dc: {  	[tilespmem:s6], [sflag:$0x5] =	stream.indirect.gather [hbm4b:s9+s2], $0x40, s5, s2, $0xb8;
	[tilespmem:$0x1C700] =	vst v63  }
0x2dd: {  	s7 =	simm.s32 $0x16700  }
0x2de: {  	[tilespmem:s7], [sflag:$0xC] =	stream.indirect.gather [hbm4b:s12+s2], $0x40, s5, s2, $0xb8;
	[tilespmem:$0x1C700] =	vst v63  }
0x2df: {  	_ =	swait.ge [sflag:s8], $0x2000  }
0x2e0: {  	[sflag:s8] =	ssyncset.done $0x0  }
0x2e1: {  	[sflag:s8] =	ssyncadd.s32 $0xFFFFE000  }
0x2e2: {  	_ =	swait.ge [sflag:s13], $0x2000  }
0x2e3: {  	[sflag:s13] =	ssyncset.done $0x0  }
0x2e4: {  	s5 =	simm.s32 $0x2700;
	s8 =	rddreg [dreg:$0x14];
	[sflag:s13] =	ssyncadd.s32 $0xFFFFE000  }
0x2e5: {  	[hbm4b:s8+s3] =	stream.strided.scatter [tilespmem:s5], [sflag:$0x10], $0x2000, s2, s3, $0x38;
	[tilespmem:$0x1C700] =	vst v63  }
0x2e6: {  	s6 =	simm.s32 $0x10700;
	s13 =	rddreg [dreg:$0x15]  }
0x2e7: {  	[hbm4b:s13+s3] =	stream.strided.scatter [tilespmem:s6], [sflag:$0x17], $0x2000, s2, s3, $0x38;
	[tilespmem:$0x1C700] =	vst v63  }
0x2e8: {  	s6 =	simm.s32 $0x14  }
0x2e9: {  	_ =	swait.ge [sflag:s6], $0x2000  }
0x2ea: {  	[sflag:s6] =	ssyncset.done $0x0  }
0x2eb: {  	s5 =	simm.s32 $0x1B;
	[sflag:s6] =	ssyncadd.s32 $0xFFFFE000  }
0x2ec: {  	_ =	swait.ge [sflag:s5], $0x2000  }
0x2ed: {  	[sflag:s5] =	ssyncset.done $0x0  }
0x2ee: {  	s7 =	simm.s32 $0x600;
	s8 =	simm.s32 $0xA700;
	[sflag:s5] =	ssyncadd.s32 $0xFFFFE000  }
0x2ef: {  	[tilespmem:s8], [sflag:$0x6] =	stream.indirect.gather [hbm4b:s9+s2], $0x40, s7, s2, $0xb8;
	[tilespmem:$0x1C700] =	vst v63  }
0x2f0: {  	s13 =	simm.s32 $0x18700  }
0x2f1: {  	[tilespmem:s13], [sflag:$0xD] =	stream.indirect.gather [hbm4b:s12+s2], $0x40, s7, s2, $0xb8;
	[tilespmem:$0x1C700] =	vst v63  }
0x2f2: {  	_ =	swait.ge [sflag:s14], $0x2000  }
0x2f3: {  	[sflag:s14] =	ssyncset.done $0x0  }
0x2f4: {  	[sflag:s14] =	ssyncadd.s32 $0xFFFFE000  }
0x2f5: {  	_ =	swait.ge [sflag:s18], $0x2000  }
0x2f6: {  	[sflag:s18] =	ssyncset.done $0x0  }
0x2f7: {  	s8 =	simm.s32 $0x4700;
	s4 =	rddreg [dreg:$0x16];
	[sflag:s18] =	ssyncadd.s32 $0xFFFFE000  }
0x2f8: {  	[hbm4b:s4+s3] =	stream.strided.scatter [tilespmem:s8], [sflag:$0x11], $0x2000, s2, s3, $0x38;
	[tilespmem:$0x1C700] =	vst v63  }
0x2f9: {  	s14 =	simm.s32 $0x12700;
	s7 =	rddreg [dreg:$0x17];
	s4 =	simm.s32 $0x15  }
0x2fa: {  	[hbm4b:s7+s3] =	stream.strided.scatter [tilespmem:s14], [sflag:$0x18], $0x2000, s2, s3, $0x38;
	[tilespmem:$0x1C700] =	vst v63  }
0x2fb: {  	_ =	swait.ge [sflag:s4], $0x2000  }
0x2fc: {  	[sflag:s4] =	ssyncset.done $0x0  }
0x2fd: {  	s18 =	simm.s32 $0x1C;
	[sflag:s4] =	ssyncadd.s32 $0xFFFFE000  }
0x2fe: {  	_ =	swait.ge [sflag:s18], $0x2000  }
0x2ff: {  	[sflag:s18] =	ssyncset.done $0x0  }
0x300: {  	s1 =	simm.s32 $0x680;
	[sflag:s18] =	ssyncadd.s32 $0xFFFFE000  }
0x301: {  	[tilespmem:s29], [sflag:$0x7] =	stream.indirect.gather [hbm4b:s9+s2], $0x40, s1, s2, $0xb8;
	[tilespmem:$0x1C700] =	vst v63  }
0x302: {  	s8 =	simm.s32 $0x1A700  }
0x303: {  	[tilespmem:s8], [sflag:$0xE] =	stream.indirect.gather [hbm4b:s12+s2], $0x40, s1, s2, $0xb8;
	[tilespmem:$0x1C700] =	vst v63  }
0x304: {  	_ =	swait.ge [sflag:s19], $0x2000  }
0x305: {  	[sflag:s19] =	ssyncset.done $0x0  }
0x306: {  	[sflag:s19] =	ssyncadd.s32 $0xFFFFE000  }
0x307: {  	_ =	swait.ge [sflag:s20], $0x2000  }
0x308: {  	[sflag:s20] =	ssyncset.done $0x0  }
0x309: {  	s18 =	simm.s32 $0x6700;
	s12 =	rddreg [dreg:$0x18];
	[sflag:s20] =	ssyncadd.s32 $0xFFFFE000  }
0x30a: {  	[hbm4b:s12+s3] =	stream.strided.scatter [tilespmem:s18], [sflag:$0x12], $0x2000, s2, s3, $0x38;
	[tilespmem:$0x1C700] =	vst v63  }
0x30b: {  	s19 =	simm.s32 $0x14700;
	s14 =	rddreg [dreg:$0x19]  }
0x30c: {  	[hbm4b:s14+s3] =	stream.strided.scatter [tilespmem:s19], [sflag:$0x19], $0x2000, s2, s3, $0x38;
	[tilespmem:$0x1C700] =	vst v63  }
0x30d: {  	_ =	swait.ge [sflag:s15], $0x2000  }
0x30e: {  	[sflag:s15] =	ssyncset.done $0x0  }
0x30f: {  	s25 =	simm.s32 $0xC;
	[sflag:s15] =	ssyncadd.s32 $0xFFFFE000  }
0x310: {  	_ =	swait.ge [sflag:s25], $0x2000  }
0x311: {  	[sflag:s25] =	ssyncset.done $0x0  }
0x312: {  	s29 =	simm.s32 $0x8700;
	s20 =	rddreg [dreg:$0x1a];
	[sflag:s25] =	ssyncadd.s32 $0xFFFFE000  }
0x313: {  	[hbm4b:s20+s3] =	stream.strided.scatter [tilespmem:s29], [sflag:$0x13], $0x2000, s2, s3, $0x38;
	[tilespmem:$0x1C700] =	vst v63  }
0x314: {  	s26 =	simm.s32 $0x6;
	s14 =	simm.s32 $0x16700;
	s25 =	rddreg [dreg:$0x1b]  }
0x315: {  	[hbm4b:s25+s3] =	stream.strided.scatter [tilespmem:s14], [sflag:$0x1A], $0x2000, s2, s3, $0x38;
	[tilespmem:$0x1C700] =	vst v63  }
0x316: {  	_ =	swait.ge [sflag:s26], $0x2000  }
0x317: {  	[sflag:s26] =	ssyncset.done $0x0  }
0x318: {  	s15 =	simm.s32 $0xD;
	[sflag:s26] =	ssyncadd.s32 $0xFFFFE000  }
0x319: {  	_ =	swait.ge [sflag:s15], $0x2000  }
0x31a: {  	[sflag:s15] =	ssyncset.done $0x0  }
0x31b: {  	s20 =	simm.s32 $0xA700;
	s18 =	rddreg [dreg:$0x1c];
	[sflag:s15] =	ssyncadd.s32 $0xFFFFE000  }
0x31c: {  	[hbm4b:s18+s3] =	stream.strided.scatter [tilespmem:s20], [sflag:$0x14], $0x2000, s2, s3, $0x38;
	[tilespmem:$0x1C700] =	vst v63  }
0x31d: {  	s13 =	simm.s32 $0x18700;
	s25 =	simm.s32 $0x7;
	s19 =	rddreg [dreg:$0x1d]  }
0x31e: {  	[hbm4b:s19+s3] =	stream.strided.scatter [tilespmem:s13], [sflag:$0x1B], $0x2000, s2, s3, $0x38;
	[tilespmem:$0x1C700] =	vst v63  }
0x31f: {  	_ =	swait.ge [sflag:s25], $0x2000  }
0x320: {  	[sflag:s25] =	ssyncset.done $0x0  }
0x321: {  	[sflag:s25] =	ssyncadd.s32 $0xFFFFE000  }
0x322: {  	_ =	swait.ge [sflag:s28], $0x2000  }
0x323: {  	[sflag:s28] =	ssyncset.done $0x0  }
0x324: {  	s9 =	simm.s32 $0xC700;
	s26 =	rddreg [dreg:$0x1e];
	[sflag:s28] =	ssyncadd.s32 $0xFFFFE000  }
0x325: {  	[hbm4b:s26+s3] =	stream.strided.scatter [tilespmem:s9], [sflag:$0x15], $0x2000, s2, s3, $0x38;
	[tilespmem:$0x1C700] =	vst v63  }
0x326: {  	s29 =	rddreg [dreg:$0x1f]  }
0x327: {  	[hbm4b:s29+s3] =	stream.strided.scatter [tilespmem:s8], [sflag:$0x1C], $0x2000, s2, s3, $0x38;
	[tilespmem:$0x1C700] =	vst v63  }
0x328: {  	_ =	swait.ge [sflag:s30], $0x2000  }
0x329: {  	[sflag:s30] =	ssyncset.done $0x0  }
0x32a: {  	[sflag:s30] =	ssyncadd.s32 $0xFFFFE000  }
0x32b: {  	_ =	swait.ge [sflag:s31], $0x2000  }
0x32c: {  	[sflag:s31] =	ssyncset.done $0x0  }
0x32d: {  	[sflag:s31] =	ssyncadd.s32 $0xFFFFE000  }
0x32e: {  	_ =	swait.ge [sflag:s23], $0x2000  }
0x32f: {  	[sflag:s23] =	ssyncset.done $0x0  }
0x330: {  	[sflag:s23] =	ssyncadd.s32 $0xFFFFE000  }
0x331: {  	_ =	swait.ge [sflag:s24], $0x2000  }
0x332: {  	[sflag:s24] =	ssyncset.done $0x0  }
0x333: {  	[sflag:s24] =	ssyncadd.s32 $0xFFFFE000  }
0x334: {  	_ =	swait.ge [sflag:s22], $0x2000  }
0x335: {  	[sflag:s22] =	ssyncset.done $0x0  }
0x336: {  	[sflag:s22] =	ssyncadd.s32 $0xFFFFE000  }
0x337: {  	_ =	swait.ge [sflag:s21], $0x2000  }
0x338: {  	[sflag:s21] =	ssyncset.done $0x0  }
0x339: {  	[sflag:s21] =	ssyncadd.s32 $0xFFFFE000  }
0x33a: {  	_ =	swait.ge [sflag:s16], $0x2000  }
0x33b: {  	[sflag:s16] =	ssyncset.done $0x0  }
0x33c: {  	[sflag:s16] =	ssyncadd.s32 $0xFFFFE000  }
0x33d: {  	_ =	swait.ge [sflag:s17], $0x2000  }
0x33e: {  	[sflag:s17] =	ssyncset.done $0x0  }
0x33f: {  	[sflag:s17] =	ssyncadd.s32 $0xFFFFE000  }
0x340: {  	_ =	swait.ge [sflag:s11], $0x2000  }
0x341: {  	[sflag:s11] =	ssyncset.done $0x0  }
0x342: {  	[sflag:s11] =	ssyncadd.s32 $0xFFFFE000  }
0x343: {  	_ =	swait.ge [sflag:s10], $0x2000  }
0x344: {  	[sflag:s10] =	ssyncset.done $0x0  }
0x345: {  	[sflag:s10] =	ssyncadd.s32 $0xFFFFE000  }
0x346: {  	_ =	swait.ge [sflag:s6], $0x2000  }
0x347: {  	[sflag:s6] =	ssyncset.done $0x0  }
0x348: {  	[sflag:s6] =	ssyncadd.s32 $0xFFFFE000  }
0x349: {  	_ =	swait.ge [sflag:s5], $0x2000  }
0x34a: {  	[sflag:s5] =	ssyncset.done $0x0  }
0x34b: {  	[sflag:s5] =	ssyncadd.s32 $0xFFFFE000  }
0x34c: {  	_ =	swait.ge [sflag:s4], $0x2000  }
0x34d: {  	[sflag:s4] =	ssyncset.done $0x0  }
0x34e: {  	s7 =	simm.s32 $0x1C;
	[sflag:s4] =	ssyncadd.s32 $0xFFFFE000  }
0x34f: {  	_ =	swait.ge [sflag:s7], $0x2000  }
0x350: {  	[sflag:s7] =	ssyncset.done $0x0  }
0x351: {  	[sflag:s7] =	ssyncadd.s32 $0xFFFFE000  }
0x352: {  	_ =	sfence.sel $0x180000  }
0x353: {  	[bflag:$0x0] =	sbarrier.arrive $0xFFFF  }
0x354: {  	_ =	strace $0x90000047  }
0x355: {  	s31 =	stileid.u32;
	[bflag:$0x2] =	sbarrier.arrive $0xFFFF  }
0x356: {  	p0 =	sne.s32 s31, $0x0;
	s0 =	rddreg [dreg:$0x2]  }
0x357: {  	s0 =	sadd.s32 @!p0 $0x100000, s0  }
0x358: {  	[sflag:s0] =	ssyncadd.tile.s32 @!p0 $0x1;
	_ =	shalt  }
.LBB2_6:
.Ltmp3:
0x359: {  	s18 =	simm.s32 $0x8700;
	s20 =	simm.s32 $0x16700;
	(pc) =	sbr.rel .LBB2_5-.Ltmp3, $4  }
0x35a: {  	s8 =	simm.s32 $0x6700;
	s24 =	simm.s32 $0x14700;
	s0 =	simm.s32 $0x7  }
0x35b: {  	s26 =	simm.s32 $0xD;
	s29 =	simm.s32 $0x4700;
	s25 =	simm.s32 $0x12700  }
0x35c: {  	s4 =	simm.s32 $0x6;
	s28 =	simm.s32 $0xC;
	s17 =	simm.s32 $0x2700  }
0x35d: {  	s31 =	simm.s32 $0x10700;
	s5 =	simm.s32 $0x700;
	s7 =	simm.s32 $0x1D  }
.Lfunc_end2:
_tile_overlayer_lowered:
.L_overlay_start_2:
0x35e: {  	(tag) =	ssettag $0x2  }
0x35f: {  	s0 =	rddreg [dreg:$0x0];
	s2 =	stileid.u32  }
0x360: {  	s1 =	rddreg [dreg:$0x1];
	p0 =	sne.s32 s2, $0x0  }
0x361: {  	s3 =	rddreg [dreg:$0x2];
	[bflag:$0x3] =	sbarrier.arrive $0xFFFF;
	s2 =	simm.s32 @!p0 $0x1C1D  }
0x362: {  	[timem:s3], [sflag:s2] =	dma.local @!p0 [hbm:s0], s1  }
0x363: {  	s0 =	simm.s32 @!p0 $0x1D  }
0x364: {  	_ =	swait.ge @!p0 [sflag:s0], s1  }
0x365: {  	s1 =	ssub.s32 @!p0 $0x0, s1;
	[sflag:s0] =	ssyncset.done @!p0 $0x0  }
0x366: {  	[sflag:s0] =	ssyncadd.s32 @!p0 s1  }
0x367: {  	[bflag:$0x3] =	sbarrier.arrive $0xFFFF  }
0x368: {  	_ =	shalt  }

</sc_bundles>
